<compile_context>
chip_gen: v7x
topology: tpu7x:2x2x1
jax: 0.10.2.dev20260603
libtpu: 0.0.44.dev20260713+nightly
codegen_flags: <defaults>
</compile_context>

<pallas_src>
import jax
import jax.numpy as jnp
import numpy as np
from jax import lax
from jax.experimental import pallas as pl
from jax.experimental.pallas import tpu as pltpu
from jax.experimental.pallas import tpu_sc as plsc

NC = 2
NS = 16
NW = NC * NS
LANES = 16
L = 200
NF = 16
CH = 128
RB = 800
SHIFT = L - 128
UBL = 0
UFL = 1
MAGIC = 12582912.0


def _fmt_body(rat_ref, a_ref, b_ref):
    x = rat_ref[...]
    a_ref[...] = x[:, 0:128]
    x256 = jnp.pad(x, ((0, 0), (0, 256 - L)))
    b_ref[...] = pltpu.roll(x256, 256 - SHIFT, 1)[:, 0:128]


def _sc_body(users_h, items_h, song_h, uf_h, if_h, ub_h, ib_h, rata_h, ratb_h,
             p_h, m_h,
             uidx, iidx, sidx, ufv, ifv, ubv, ibv, ratv, pv, mv, sem):
    wid = lax.axis_index("s") * NC + lax.axis_index("c")
    lane = lax.iota(jnp.int32, LANES)
    fzero = jnp.zeros((LANES,), jnp.float32)
    ione = jnp.full((LANES,), 1, jnp.int32)
    n_chunks = users_h.shape[0] // (NW * CH)
    for chunk in range(n_chunks):
        base = wid * (n_chunks * CH) + chunk * CH
        pltpu.sync_copy(users_h.at[pl.ds(base, CH)], uidx)
        pltpu.sync_copy(items_h.at[pl.ds(base, CH)], iidx)
        pltpu.sync_copy(song_h.at[pl.ds(base, CH)], sidx)

        cps = [
            pltpu.async_copy(rata_h.at[uidx], ratv.at[0], sem),
            pltpu.async_copy(ratb_h.at[uidx], ratv.at[1], sem),
            pltpu.async_copy(uf_h.at[uidx], ufv, sem),
            pltpu.async_copy(if_h.at[iidx], ifv, sem),
            pltpu.async_copy(ub_h.at[uidx], ubv, sem),
            pltpu.async_copy(ib_h.at[iidx], ibv, sem),
        ]
        for cp in cps:
            cp.wait()

        def group(g, carry):
            s0 = g * LANES
            idx16 = lane + s0
            dot = fzero
            for d in range(NF):
                dv = jnp.full((LANES,), d, jnp.int32)
                ufd = plsc.load_gather(ufv, [idx16, dv])
                ifd = plsc.load_gather(ifv, [idx16, dv])
                dot = dot + ufd * ifd
            p = ubv[pl.ds(s0, LANES)] + ibv[pl.ds(s0, LANES)] + dot
            t = jnp.clip((p + MAGIC) - MAGIC, np.float32(0.0), np.float32(4.0))
            c0 = t + np.float32(1.5)

            def pos_body(posi, macc):
                vals = plsc.load_gather(
                    ratv, [jnp.full((LANES,), posi >> 7, jnp.int32), idx16,
                           jnp.full((LANES,), posi & 127, jnp.int32)])
                return macc + jnp.clip(c0 - vals, 0.0, 1.0)

            mass = lax.fori_loop(0, L, pos_body, fzero, unroll=8)
            si16 = sidx[pl.ds(s0, LANES)]
            old_r = plsc.load_gather(ratv, [si16 >> 7, idx16, si16 & 127])
            mass = mass - jnp.clip(c0 - old_r, 0.0, 1.0)
            q = (p - np.float32(1.0)) / np.float32(0.8)
            qi = q.astype(jnp.int32)
            fl = qi - jnp.where(qi.astype(jnp.float32) > q, 1, 0)
            cp_ = jnp.clip(fl, 0, 4).astype(jnp.float32)
            in_range = jnp.where((p >= 1.0) & (p <= 5.0),
                                 np.float32(1.0), np.float32(0.0))
            mass = mass + in_range * jnp.clip(t + np.float32(0.5) - cp_, 0.0, 1.0)
            pv[pl.ds(s0, LANES)] = p
            mv[pl.ds(s0, LANES)] = mass
            return carry

        lax.fori_loop(0, CH // LANES, group, 0)
        pltpu.sync_copy(pv, p_h.at[pl.ds(base, CH)])
        pltpu.sync_copy(mv, m_h.at[pl.ds(base, CH)])


def kernel(users, items, user_factors, item_factors, user_biases, item_biases,
           ratings_by_user, song_index):
    users = users.astype(jnp.int32)
    items = items.astype(jnp.int32)
    song_index = song_index.astype(jnp.int32)
    n_users = user_factors.shape[0]
    ub1 = jnp.sum(user_biases, axis=1)
    ib1 = jnp.sum(item_biases, axis=1)
    B = users.shape[0]

    rat_a = ratings_by_user[:, 0:128].reshape(-1).reshape(n_users, 128)
    rat_b = jnp.pad(ratings_by_user[:, 128:L],
                    ((0, 0), (0, 256 - L))).reshape(-1).reshape(n_users, 128)

    mesh = plsc.VectorSubcoreMesh(core_axis_name="c", subcore_axis_name="s")
    run = pl.kernel(
        _sc_body,
        mesh=mesh,
        out_type=(jax.ShapeDtypeStruct((B,), jnp.float32),
                  jax.ShapeDtypeStruct((B,), jnp.float32)),
        compiler_params=pltpu.CompilerParams(
            needs_layout_passes=False, use_tc_tiling_on_sc=False),
        scratch_types=[
            pltpu.VMEM((CH,), jnp.int32),
            pltpu.VMEM((CH,), jnp.int32),
            pltpu.VMEM((CH,), jnp.int32),
            pltpu.VMEM((CH, NF), jnp.float32),
            pltpu.VMEM((CH, NF), jnp.float32),
            pltpu.VMEM((CH,), jnp.float32),
            pltpu.VMEM((CH,), jnp.float32),
            pltpu.VMEM((2, CH, 128), jnp.float32),
            pltpu.VMEM((CH,), jnp.float32),
            pltpu.VMEM((CH,), jnp.float32),
            pltpu.SemaphoreType.DMA,
        ],
    )
    p, mass = run(users, items, song_index, user_factors, item_factors,
                  ub1, ib1, rat_a, rat_b)
    return jnp.stack((p, mass), axis=1)[:, :, None]

# --- scband reference (transcript-rebuilt; emitter-appended) ---
"""Pipeline reference for scband-histogram-mf-56659208568896 (READ-ONLY COPY).

The authoritative reference and input builder live on the scoring server;
editing this copy changes nothing except your own understanding.
"""

import jax, jax.numpy as jnp
import numpy as np

N_USERS = 100000
N_ITEMS = 1000000
N_FACTORS = 16
B = 16384
L = 200  # ratings per user (data_processor.ratings_by_user row length)
MIN_R = 1
MAX_R = 5


def setup_inputs(seed: int = 0) -> dict:
    key = jax.random.key(seed)
    ks = jax.random.split(key, 8)
    users = jax.random.randint(ks[0], (B,), 0, N_USERS, dtype=jnp.int64) if jax.config.jax_enable_x64 else jax.random.randint(ks[0], (B,), 0, N_USERS, dtype=jnp.int32)
    items = jax.random.randint(ks[1], (B,), 0, N_ITEMS, dtype=jnp.int32)
    xav_u = (2.0 / (N_USERS + N_FACTORS)) ** 0.5
    xav_i = (2.0 / (N_ITEMS + N_FACTORS)) ** 0.5
    user_factors = jax.random.normal(ks[2], (N_USERS, N_FACTORS), dtype=jnp.float32) * xav_u
    item_factors = jax.random.normal(ks[3], (N_ITEMS, N_FACTORS), dtype=jnp.float32) * xav_i
    user_biases = jax.random.normal(ks[4], (N_USERS, 1), dtype=jnp.float32)
    item_biases = jax.random.normal(ks[5], (N_ITEMS, 1), dtype=jnp.float32)
    # data_processor.ratings_by_user: each user has L historical ratings in [MIN_R, MAX_R]
    ratings_by_user = jax.random.randint(ks[6], (N_USERS, L), MIN_R, MAX_R + 1).astype(jnp.float32)
    # data_processor.item_to_index_rating: position of the (user,item) rating inside the user's row
    song_index = jax.random.randint(ks[7], (B,), 0, L, dtype=jnp.int32)
    return {
        "users": users,
        "items": items,
        "user_factors": user_factors,
        "item_factors": item_factors,
        "user_biases": user_biases,
        "item_biases": item_biases,
        "ratings_by_user": ratings_by_user,
        "song_index": song_index,
    }


def reference(users, items, user_factors, item_factors, user_biases, item_biases, ratings_by_user, song_index):
    # MF prediction: biases + dot(user_factor, item_factor)
    pred = user_biases[users] + item_biases[items]
    pred = pred + jnp.sum(user_factors[users] * item_factors[items], axis=1, keepdims=True)  # [B, 1]
    p = pred[:, 0]

    # Gather each user's ratings row and overwrite the (user,item) slot with the prediction
    ratings = ratings_by_user[users]  # [B, L]
    onehot = jax.nn.one_hot(song_index, L, dtype=ratings.dtype)
    ratings = ratings * (1.0 - onehot) + p[:, None] * onehot

    # torch.histc(ratings_row, bins=MAX_R, min=MIN_R, max=MAX_R), values outside range ignored
    bins = MAX_R
    lo = float(MIN_R)
    hi = float(MAX_R)
    width = (hi - lo) / bins
    bin_ids = jnp.clip(jnp.floor((ratings - lo) / width), 0, bins - 1).astype(jnp.int32)
    in_range = ((ratings >= lo) & (ratings <= hi)).astype(jnp.float32)
    hist = jnp.sum(jax.nn.one_hot(bin_ids, bins, dtype=jnp.float32) * in_range[..., None], axis=1)  # [B, bins]

    # _to_index(min_rating, max_rating, round(pred))
    min_index = max(MIN_R - 1, 0)
    idx = jnp.clip(jnp.round(p), min_index, MAX_R - 1).astype(jnp.int32)  # [B]

    # _calc_histogram_mass: sum(hist[0:end+1]) - 0.5 * hist[end]
    csum = jnp.cumsum(hist, axis=1)
    mass = jnp.take_along_axis(csum, idx[:, None], axis=1) - 0.5 * jnp.take_along_axis(hist, idx[:, None], axis=1)  # [B, 1]

    out = jnp.stack((pred, mass), axis=1)  # [B, 2, 1]
    return out

if __name__ == "__main__":
    import jax
    _d = setup_inputs()
    print(jax.jit(kernel)(*tuple(_d.values())))

</pallas_src>

<mosaic_0001>
#map = affine_map<(d0, d1) -> (0)>
#map1 = affine_map<(d0, d1) -> (0, 0)>
module attributes {stable_mosaic.version = 14 : i64} {
  func.func @_sc_body(%arg0: i32, %arg1: i32, %arg2: memref<16384xi32, #tpu.memory_space<hbm>>, %arg3: memref<16384xi32, #tpu.memory_space<hbm>>, %arg4: memref<16384xi32, #tpu.memory_space<hbm>>, %arg5: memref<100000x16xf32, #tpu.memory_space<hbm>>, %arg6: memref<1000000x16xf32, #tpu.memory_space<hbm>>, %arg7: memref<100000xf32, #tpu.memory_space<hbm>>, %arg8: memref<1000000xf32, #tpu.memory_space<hbm>>, %arg9: memref<100000x128xf32, #tpu.memory_space<hbm>>, %arg10: memref<100000x128xf32, #tpu.memory_space<hbm>>, %arg11: memref<16384xf32, #tpu.memory_space<hbm>>, %arg12: memref<16384xf32, #tpu.memory_space<hbm>>, %arg13: memref<128xi32, #tpu.memory_space<vmem>>, %arg14: memref<128xi32, #tpu.memory_space<vmem>>, %arg15: memref<128xi32, #tpu.memory_space<vmem>>, %arg16: memref<128x16xf32, #tpu.memory_space<vmem>>, %arg17: memref<128x16xf32, #tpu.memory_space<vmem>>, %arg18: memref<128xf32, #tpu.memory_space<vmem>>, %arg19: memref<128xf32, #tpu.memory_space<vmem>>, %arg20: memref<2x128x128xf32, #tpu.memory_space<vmem>>, %arg21: memref<128xf32, #tpu.memory_space<vmem>>, %arg22: memref<128xf32, #tpu.memory_space<vmem>>, %arg23: memref<!tpu.dma_semaphore, #tpu.memory_space<semaphore_mem>>) attributes {dimension_semantics = [#tpu.dimension_semantics<core_parallel>, #tpu.dimension_semantics<subcore_parallel>], iteration_bounds = array<i64: 2, 16>, scalar_prefetch = 0 : i64, scratch_operands = 11 : i64, tpu.core_type = #tpu.core_type<sc_vector_subcore>, window_params = [{transform_indices = #map}, {transform_indices = #map}, {transform_indices = #map}, {transform_indices = #map1}, {transform_indices = #map1}, {transform_indices = #map}, {transform_indices = #map}, {transform_indices = #map1}, {transform_indices = #map1}, {transform_indices = #map}, {transform_indices = #map}]} {
    %mul3A = arith.constant 2 : i32
    %mul3A_0 = arith.muli %arg1, %mul3A : i32
    %add3A = arith.addi %mul3A_0, %arg0 : i32
    %iota3A = tpu.iota {dimensions = array<i32: 0>} : vector<16xi32>
    %broadcast_in_dim3A = arith.constant 0.000000e+00 : f32
    %broadcast_in_dim3A_1 = vector.broadcast %broadcast_in_dim3A : f32 to vector<16xf32>
    %broadcast_in_dim3A_2 = arith.constant 1 : i32
    %broadcast_in_dim3A_3 = vector.broadcast %broadcast_in_dim3A_2 : i32 to vector<16xi32>
    %mul3A_4 = arith.constant 512 : i32
    %mul3A_5 = arith.muli %add3A, %mul3A_4 : i32
    %add3A_6 = arith.constant 0 : i32
    %add3A_7 = arith.addi %mul3A_5, %add3A_6 : i32
    "tpu.region"() ({
      %run_scoped3A = tpu.sem_alloc : memref<!tpu.dma_semaphore, #tpu.memory_space<semaphore_mem>>
      %dma_start3A_249 = tpu.memref_slice %arg2[%add3A_7] : memref<16384xi32, #tpu.memory_space<hbm>> -> memref<128xi32, #tpu.memory_space<hbm>>
      %dma_start3A_250 = tpu.memref_slice %arg2[%add3A_7] : memref<16384xi32, #tpu.memory_space<hbm>> -> memref<128xi32, #tpu.memory_space<hbm>>
      tpu.enqueue_dma source(%dma_start3A_250 : memref<128xi32, #tpu.memory_space<hbm>>) target(%arg13 : memref<128xi32, #tpu.memory_space<vmem>>) target_semaphore(%run_scoped3A : memref<!tpu.dma_semaphore, #tpu.memory_space<semaphore_mem>>)
      %dma_wait3A_251 = tpu.memref_slice %arg2[%add3A_7] : memref<16384xi32, #tpu.memory_space<hbm>> -> memref<128xi32, #tpu.memory_space<hbm>>
      %dma_wait3A_252 = tpu.memref_slice %arg2[%add3A_7] : memref<16384xi32, #tpu.memory_space<hbm>> -> memref<128xi32, #tpu.memory_space<hbm>>
      tpu.wait_dma2 semaphore(%run_scoped3A : memref<!tpu.dma_semaphore, #tpu.memory_space<semaphore_mem>>) src(%dma_wait3A_252 : memref<128xi32, #tpu.memory_space<hbm>>) dst(%arg13 : memref<128xi32, #tpu.memory_space<vmem>>)
      tpu.yield
    }) : () -> ()
    "tpu.region"() ({
      %run_scoped3A = tpu.sem_alloc : memref<!tpu.dma_semaphore, #tpu.memory_space<semaphore_mem>>
      %dma_start3A_249 = tpu.memref_slice %arg3[%add3A_7] : memref<16384xi32, #tpu.memory_space<hbm>> -> memref<128xi32, #tpu.memory_space<hbm>>
      %dma_start3A_250 = tpu.memref_slice %arg3[%add3A_7] : memref<16384xi32, #tpu.memory_space<hbm>> -> memref<128xi32, #tpu.memory_space<hbm>>
      tpu.enqueue_dma source(%dma_start3A_250 : memref<128xi32, #tpu.memory_space<hbm>>) target(%arg14 : memref<128xi32, #tpu.memory_space<vmem>>) target_semaphore(%run_scoped3A : memref<!tpu.dma_semaphore, #tpu.memory_space<semaphore_mem>>)
      %dma_wait3A_251 = tpu.memref_slice %arg3[%add3A_7] : memref<16384xi32, #tpu.memory_space<hbm>> -> memref<128xi32, #tpu.memory_space<hbm>>
      %dma_wait3A_252 = tpu.memref_slice %arg3[%add3A_7] : memref<16384xi32, #tpu.memory_space<hbm>> -> memref<128xi32, #tpu.memory_space<hbm>>
      tpu.wait_dma2 semaphore(%run_scoped3A : memref<!tpu.dma_semaphore, #tpu.memory_space<semaphore_mem>>) src(%dma_wait3A_252 : memref<128xi32, #tpu.memory_space<hbm>>) dst(%arg14 : memref<128xi32, #tpu.memory_space<vmem>>)
      tpu.yield
    }) : () -> ()
    "tpu.region"() ({
      %run_scoped3A = tpu.sem_alloc : memref<!tpu.dma_semaphore, #tpu.memory_space<semaphore_mem>>
      %dma_start3A_249 = tpu.memref_slice %arg4[%add3A_7] : memref<16384xi32, #tpu.memory_space<hbm>> -> memref<128xi32, #tpu.memory_space<hbm>>
      %dma_start3A_250 = tpu.memref_slice %arg4[%add3A_7] : memref<16384xi32, #tpu.memory_space<hbm>> -> memref<128xi32, #tpu.memory_space<hbm>>
      tpu.enqueue_dma source(%dma_start3A_250 : memref<128xi32, #tpu.memory_space<hbm>>) target(%arg15 : memref<128xi32, #tpu.memory_space<vmem>>) target_semaphore(%run_scoped3A : memref<!tpu.dma_semaphore, #tpu.memory_space<semaphore_mem>>)
      %dma_wait3A_251 = tpu.memref_slice %arg4[%add3A_7] : memref<16384xi32, #tpu.memory_space<hbm>> -> memref<128xi32, #tpu.memory_space<hbm>>
      %dma_wait3A_252 = tpu.memref_slice %arg4[%add3A_7] : memref<16384xi32, #tpu.memory_space<hbm>> -> memref<128xi32, #tpu.memory_space<hbm>>
      tpu.wait_dma2 semaphore(%run_scoped3A : memref<!tpu.dma_semaphore, #tpu.memory_space<semaphore_mem>>) src(%dma_wait3A_252 : memref<128xi32, #tpu.memory_space<hbm>>) dst(%arg15 : memref<128xi32, #tpu.memory_space<vmem>>)
      tpu.yield
    }) : () -> ()
    %dma_start3A = arith.constant 0 : i32
    %dma_start3A_8 = arith.constant 0 : i32
    %dma_start3A_9 = arith.constant 0 : i32
    %dma_start3A_10 = tpu.memref_slice %arg20[%dma_start3A, %dma_start3A_8, %dma_start3A_9] : memref<2x128x128xf32, #tpu.memory_space<vmem>> -> memref<1x128x128xf32, #tpu.memory_space<vmem>>
    %dma_start3A_11 = tpu.memref_squeeze %dma_start3A_10 : memref<1x128x128xf32, #tpu.memory_space<vmem>> -> memref<128x128xf32, #tpu.memory_space<vmem>>
    %dma_start3A_12 = arith.constant 0 : i32
    %dma_start3A_13 = arith.constant 0 : i32
    %dma_start3A_14 = tpu.memref_slice %arg9[%dma_start3A_12, %dma_start3A_13] : memref<100000x128xf32, #tpu.memory_space<hbm>> -> memref<100000x128xf32, #tpu.memory_space<hbm>>
    tpu.enqueue_indirect_dma source(%dma_start3A_14 : memref<100000x128xf32, #tpu.memory_space<hbm>>) target(%dma_start3A_11 : memref<128x128xf32, #tpu.memory_space<vmem>>) offsets(%arg13 : memref<128xi32, #tpu.memory_space<vmem>>) semaphore(%arg23 : memref<!tpu.dma_semaphore, #tpu.memory_space<semaphore_mem>>)
    %dma_start3A_15 = arith.constant 1 : i32
    %dma_start3A_16 = arith.constant 0 : i32
    %dma_start3A_17 = arith.constant 0 : i32
    %dma_start3A_18 = tpu.memref_slice %arg20[%dma_start3A_15, %dma_start3A_16, %dma_start3A_17] : memref<2x128x128xf32, #tpu.memory_space<vmem>> -> memref<1x128x128xf32, #tpu.memory_space<vmem>>
    %dma_start3A_19 = tpu.memref_squeeze %dma_start3A_18 : memref<1x128x128xf32, #tpu.memory_space<vmem>> -> memref<128x128xf32, #tpu.memory_space<vmem>>
    %dma_start3A_20 = arith.constant 0 : i32
    %dma_start3A_21 = arith.constant 0 : i32
    %dma_start3A_22 = tpu.memref_slice %arg10[%dma_start3A_20, %dma_start3A_21] : memref<100000x128xf32, #tpu.memory_space<hbm>> -> memref<100000x128xf32, #tpu.memory_space<hbm>>
    tpu.enqueue_indirect_dma source(%dma_start3A_22 : memref<100000x128xf32, #tpu.memory_space<hbm>>) target(%dma_start3A_19 : memref<128x128xf32, #tpu.memory_space<vmem>>) offsets(%arg13 : memref<128xi32, #tpu.memory_space<vmem>>) semaphore(%arg23 : memref<!tpu.dma_semaphore, #tpu.memory_space<semaphore_mem>>)
    %dma_start3A_23 = arith.constant 0 : i32
    %dma_start3A_24 = arith.constant 0 : i32
    %dma_start3A_25 = tpu.memref_slice %arg5[%dma_start3A_23, %dma_start3A_24] : memref<100000x16xf32, #tpu.memory_space<hbm>> -> memref<100000x16xf32, #tpu.memory_space<hbm>>
    tpu.enqueue_indirect_dma source(%dma_start3A_25 : memref<100000x16xf32, #tpu.memory_space<hbm>>) target(%arg16 : memref<128x16xf32, #tpu.memory_space<vmem>>) offsets(%arg13 : memref<128xi32, #tpu.memory_space<vmem>>) semaphore(%arg23 : memref<!tpu.dma_semaphore, #tpu.memory_space<semaphore_mem>>)
    %dma_start3A_26 = arith.constant 0 : i32
    %dma_start3A_27 = arith.constant 0 : i32
    %dma_start3A_28 = tpu.memref_slice %arg6[%dma_start3A_26, %dma_start3A_27] : memref<1000000x16xf32, #tpu.memory_space<hbm>> -> memref<1000000x16xf32, #tpu.memory_space<hbm>>
    tpu.enqueue_indirect_dma source(%dma_start3A_28 : memref<1000000x16xf32, #tpu.memory_space<hbm>>) target(%arg17 : memref<128x16xf32, #tpu.memory_space<vmem>>) offsets(%arg14 : memref<128xi32, #tpu.memory_space<vmem>>) semaphore(%arg23 : memref<!tpu.dma_semaphore, #tpu.memory_space<semaphore_mem>>)
    %dma_start3A_29 = arith.constant 0 : i32
    %dma_start3A_30 = tpu.memref_slice %arg7[%dma_start3A_29] : memref<100000xf32, #tpu.memory_space<hbm>> -> memref<100000xf32, #tpu.memory_space<hbm>>
    tpu.enqueue_indirect_dma source(%dma_start3A_30 : memref<100000xf32, #tpu.memory_space<hbm>>) target(%arg18 : memref<128xf32, #tpu.memory_space<vmem>>) offsets(%arg13 : memref<128xi32, #tpu.memory_space<vmem>>) semaphore(%arg23 : memref<!tpu.dma_semaphore, #tpu.memory_space<semaphore_mem>>)
    %dma_start3A_31 = arith.constant 0 : i32
    %dma_start3A_32 = tpu.memref_slice %arg8[%dma_start3A_31] : memref<1000000xf32, #tpu.memory_space<hbm>> -> memref<1000000xf32, #tpu.memory_space<hbm>>
    tpu.enqueue_indirect_dma source(%dma_start3A_32 : memref<1000000xf32, #tpu.memory_space<hbm>>) target(%arg19 : memref<128xf32, #tpu.memory_space<vmem>>) offsets(%arg14 : memref<128xi32, #tpu.memory_space<vmem>>) semaphore(%arg23 : memref<!tpu.dma_semaphore, #tpu.memory_space<semaphore_mem>>)
    %dma_wait3A = arith.constant 0 : i32
    %dma_wait3A_33 = arith.constant 0 : i32
    %dma_wait3A_34 = arith.constant 0 : i32
    %dma_wait3A_35 = tpu.memref_slice %arg20[%dma_wait3A, %dma_wait3A_33, %dma_wait3A_34] : memref<2x128x128xf32, #tpu.memory_space<vmem>> -> memref<1x128x128xf32, #tpu.memory_space<vmem>>
    %dma_wait3A_36 = tpu.memref_squeeze %dma_wait3A_35 : memref<1x128x128xf32, #tpu.memory_space<vmem>> -> memref<128x128xf32, #tpu.memory_space<vmem>>
    %dma_wait3A_37 = arith.constant 0 : i32
    %dma_wait3A_38 = arith.constant 0 : i32
    %dma_wait3A_39 = tpu.memref_slice %arg9[%dma_wait3A_37, %dma_wait3A_38] : memref<100000x128xf32, #tpu.memory_space<hbm>> -> memref<100000x128xf32, #tpu.memory_space<hbm>>
    tpu.wait_indirect_dma semaphore(%arg23 : memref<!tpu.dma_semaphore, #tpu.memory_space<semaphore_mem>>) src(%dma_wait3A_39 : memref<100000x128xf32, #tpu.memory_space<hbm>>) dst(%dma_wait3A_36 : memref<128x128xf32, #tpu.memory_space<vmem>>)
    %dma_wait3A_40 = arith.constant 1 : i32
    %dma_wait3A_41 = arith.constant 0 : i32
    %dma_wait3A_42 = arith.constant 0 : i32
    %dma_wait3A_43 = tpu.memref_slice %arg20[%dma_wait3A_40, %dma_wait3A_41, %dma_wait3A_42] : memref<2x128x128xf32, #tpu.memory_space<vmem>> -> memref<1x128x128xf32, #tpu.memory_space<vmem>>
    %dma_wait3A_44 = tpu.memref_squeeze %dma_wait3A_43 : memref<1x128x128xf32, #tpu.memory_space<vmem>> -> memref<128x128xf32, #tpu.memory_space<vmem>>
    %dma_wait3A_45 = arith.constant 0 : i32
    %dma_wait3A_46 = arith.constant 0 : i32
    %dma_wait3A_47 = tpu.memref_slice %arg10[%dma_wait3A_45, %dma_wait3A_46] : memref<100000x128xf32, #tpu.memory_space<hbm>> -> memref<100000x128xf32, #tpu.memory_space<hbm>>
    tpu.wait_indirect_dma semaphore(%arg23 : memref<!tpu.dma_semaphore, #tpu.memory_space<semaphore_mem>>) src(%dma_wait3A_47 : memref<100000x128xf32, #tpu.memory_space<hbm>>) dst(%dma_wait3A_44 : memref<128x128xf32, #tpu.memory_space<vmem>>)
    %dma_wait3A_48 = arith.constant 0 : i32
    %dma_wait3A_49 = arith.constant 0 : i32
    %dma_wait3A_50 = tpu.memref_slice %arg5[%dma_wait3A_48, %dma_wait3A_49] : memref<100000x16xf32, #tpu.memory_space<hbm>> -> memref<100000x16xf32, #tpu.memory_space<hbm>>
    tpu.wait_indirect_dma semaphore(%arg23 : memref<!tpu.dma_semaphore, #tpu.memory_space<semaphore_mem>>) src(%dma_wait3A_50 : memref<100000x16xf32, #tpu.memory_space<hbm>>) dst(%arg16 : memref<128x16xf32, #tpu.memory_space<vmem>>)
    %dma_wait3A_51 = arith.constant 0 : i32
    %dma_wait3A_52 = arith.constant 0 : i32
    %dma_wait3A_53 = tpu.memref_slice %arg6[%dma_wait3A_51, %dma_wait3A_52] : memref<1000000x16xf32, #tpu.memory_space<hbm>> -> memref<1000000x16xf32, #tpu.memory_space<hbm>>
    tpu.wait_indirect_dma semaphore(%arg23 : memref<!tpu.dma_semaphore, #tpu.memory_space<semaphore_mem>>) src(%dma_wait3A_53 : memref<1000000x16xf32, #tpu.memory_space<hbm>>) dst(%arg17 : memref<128x16xf32, #tpu.memory_space<vmem>>)
    %dma_wait3A_54 = arith.constant 0 : i32
    %dma_wait3A_55 = tpu.memref_slice %arg7[%dma_wait3A_54] : memref<100000xf32, #tpu.memory_space<hbm>> -> memref<100000xf32, #tpu.memory_space<hbm>>
    tpu.wait_indirect_dma semaphore(%arg23 : memref<!tpu.dma_semaphore, #tpu.memory_space<semaphore_mem>>) src(%dma_wait3A_55 : memref<100000xf32, #tpu.memory_space<hbm>>) dst(%arg18 : memref<128xf32, #tpu.memory_space<vmem>>)
    %dma_wait3A_56 = arith.constant 0 : i32
    %dma_wait3A_57 = tpu.memref_slice %arg8[%dma_wait3A_56] : memref<1000000xf32, #tpu.memory_space<hbm>> -> memref<1000000xf32, #tpu.memory_space<hbm>>
    tpu.wait_indirect_dma semaphore(%arg23 : memref<!tpu.dma_semaphore, #tpu.memory_space<semaphore_mem>>) src(%dma_wait3A_57 : memref<1000000xf32, #tpu.memory_space<hbm>>) dst(%arg19 : memref<128xf32, #tpu.memory_space<vmem>>)
    %scan3A = arith.constant 0 : i32
    %scan3A_58 = arith.constant 0 : i32
    %scan3A_59 = arith.constant 8 : i32
    %scan3A_60 = arith.addi %scan3A_58, %scan3A_59 : i32
    %scan3A_61 = arith.constant 1 : i32
    scf.for %scan3A_249 = %scan3A_58 to %scan3A_60 step %scan3A_61  : i32 {
      %mul3A_250 = arith.constant 16 : i32
      %mul3A_251 = arith.muli %scan3A_249, %mul3A_250 : i32
      %add3A_252 = vector.broadcast %mul3A_251 : i32 to vector<16xi32>
      %add3A_253 = arith.addi %iota3A, %add3A_252 : vector<16xi32>
      %broadcast_in_dim3A_254 = arith.constant 0 : i32
      %broadcast_in_dim3A_255 = vector.broadcast %broadcast_in_dim3A_254 : i32 to vector<16xi32>
      %gather3A = tpu.vector_load_idx %arg16[%add3A_253, %broadcast_in_dim3A_255] : memref<128x16xf32, #tpu.memory_space<vmem>>[vector<16xi32>, vector<16xi32>], vector<16xf32>,
      %gather3A_256 = tpu.vector_load_idx %arg17[%add3A_253, %broadcast_in_dim3A_255] : memref<128x16xf32, #tpu.memory_space<vmem>>[vector<16xi32>, vector<16xi32>], vector<16xf32>,
      %mul3A_257 = arith.mulf %gather3A, %gather3A_256 : vector<16xf32>
      %add3A_258 = arith.addf %broadcast_in_dim3A_1, %mul3A_257 : vector<16xf32>
      %broadcast_in_dim3A_259 = arith.constant 1 : i32
      %broadcast_in_dim3A_260 = vector.broadcast %broadcast_in_dim3A_259 : i32 to vector<16xi32>
      %gather3A_261 = tpu.vector_load_idx %arg16[%add3A_253, %broadcast_in_dim3A_260] : memref<128x16xf32, #tpu.memory_space<vmem>>[vector<16xi32>, vector<16xi32>], vector<16xf32>,
      %gather3A_262 = tpu.vector_load_idx %arg17[%add3A_253, %broadcast_in_dim3A_260] : memref<128x16xf32, #tpu.memory_space<vmem>>[vector<16xi32>, vector<16xi32>], vector<16xf32>,
      %mul3A_263 = arith.mulf %gather3A_261, %gather3A_262 : vector<16xf32>
      %add3A_264 = arith.addf %add3A_258, %mul3A_263 : vector<16xf32>
      %broadcast_in_dim3A_265 = arith.constant 2 : i32
      %broadcast_in_dim3A_266 = vector.broadcast %broadcast_in_dim3A_265 : i32 to vector<16xi32>
      %gather3A_267 = tpu.vector_load_idx %arg16[%add3A_253, %broadcast_in_dim3A_266] : memref<128x16xf32, #tpu.memory_space<vmem>>[vector<16xi32>, vector<16xi32>], vector<16xf32>,
      %gather3A_268 = tpu.vector_load_idx %arg17[%add3A_253, %broadcast_in_dim3A_266] : memref<128x16xf32, #tpu.memory_space<vmem>>[vector<16xi32>, vector<16xi32>], vector<16xf32>,
      %mul3A_269 = arith.mulf %gather3A_267, %gather3A_268 : vector<16xf32>
      %add3A_270 = arith.addf %add3A_264, %mul3A_269 : vector<16xf32>
      %broadcast_in_dim3A_271 = arith.constant 3 : i32
      %broadcast_in_dim3A_272 = vector.broadcast %broadcast_in_dim3A_271 : i32 to vector<16xi32>
      %gather3A_273 = tpu.vector_load_idx %arg16[%add3A_253, %broadcast_in_dim3A_272] : memref<128x16xf32, #tpu.memory_space<vmem>>[vector<16xi32>, vector<16xi32>], vector<16xf32>,
      %gather3A_274 = tpu.vector_load_idx %arg17[%add3A_253, %broadcast_in_dim3A_272] : memref<128x16xf32, #tpu.memory_space<vmem>>[vector<16xi32>, vector<16xi32>], vector<16xf32>,
      %mul3A_275 = arith.mulf %gather3A_273, %gather3A_274 : vector<16xf32>
      %add3A_276 = arith.addf %add3A_270, %mul3A_275 : vector<16xf32>
      %broadcast_in_dim3A_277 = arith.constant 4 : i32
      %broadcast_in_dim3A_278 = vector.broadcast %broadcast_in_dim3A_277 : i32 to vector<16xi32>
      %gather3A_279 = tpu.vector_load_idx %arg16[%add3A_253, %broadcast_in_dim3A_278] : memref<128x16xf32, #tpu.memory_space<vmem>>[vector<16xi32>, vector<16xi32>], vector<16xf32>,
      %gather3A_280 = tpu.vector_load_idx %arg17[%add3A_253, %broadcast_in_dim3A_278] : memref<128x16xf32, #tpu.memory_space<vmem>>[vector<16xi32>, vector<16xi32>], vector<16xf32>,
      %mul3A_281 = arith.mulf %gather3A_279, %gather3A_280 : vector<16xf32>
      %add3A_282 = arith.addf %add3A_276, %mul3A_281 : vector<16xf32>
      %broadcast_in_dim3A_283 = arith.constant 5 : i32
      %broadcast_in_dim3A_284 = vector.broadcast %broadcast_in_dim3A_283 : i32 to vector<16xi32>
      %gather3A_285 = tpu.vector_load_idx %arg16[%add3A_253, %broadcast_in_dim3A_284] : memref<128x16xf32, #tpu.memory_space<vmem>>[vector<16xi32>, vector<16xi32>], vector<16xf32>,
      %gather3A_286 = tpu.vector_load_idx %arg17[%add3A_253, %broadcast_in_dim3A_284] : memref<128x16xf32, #tpu.memory_space<vmem>>[vector<16xi32>, vector<16xi32>], vector<16xf32>,
      %mul3A_287 = arith.mulf %gather3A_285, %gather3A_286 : vector<16xf32>
      %add3A_288 = arith.addf %add3A_282, %mul3A_287 : vector<16xf32>
      %broadcast_in_dim3A_289 = arith.constant 6 : i32
      %broadcast_in_dim3A_290 = vector.broadcast %broadcast_in_dim3A_289 : i32 to vector<16xi32>
      %gather3A_291 = tpu.vector_load_idx %arg16[%add3A_253, %broadcast_in_dim3A_290] : memref<128x16xf32, #tpu.memory_space<vmem>>[vector<16xi32>, vector<16xi32>], vector<16xf32>,
      %gather3A_292 = tpu.vector_load_idx %arg17[%add3A_253, %broadcast_in_dim3A_290] : memref<128x16xf32, #tpu.memory_space<vmem>>[vector<16xi32>, vector<16xi32>], vector<16xf32>,
      %mul3A_293 = arith.mulf %gather3A_291, %gather3A_292 : vector<16xf32>
      %add3A_294 = arith.addf %add3A_288, %mul3A_293 : vector<16xf32>
      %broadcast_in_dim3A_295 = arith.constant 7 : i32
      %broadcast_in_dim3A_296 = vector.broadcast %broadcast_in_dim3A_295 : i32 to vector<16xi32>
      %gather3A_297 = tpu.vector_load_idx %arg16[%add3A_253, %broadcast_in_dim3A_296] : memref<128x16xf32, #tpu.memory_space<vmem>>[vector<16xi32>, vector<16xi32>], vector<16xf32>,
      %gather3A_298 = tpu.vector_load_idx %arg17[%add3A_253, %broadcast_in_dim3A_296] : memref<128x16xf32, #tpu.memory_space<vmem>>[vector<16xi32>, vector<16xi32>], vector<16xf32>,
      %mul3A_299 = arith.mulf %gather3A_297, %gather3A_298 : vector<16xf32>
      %add3A_300 = arith.addf %add3A_294, %mul3A_299 : vector<16xf32>
      %broadcast_in_dim3A_301 = arith.constant 8 : i32
      %broadcast_in_dim3A_302 = vector.broadcast %broadcast_in_dim3A_301 : i32 to vector<16xi32>
      %gather3A_303 = tpu.vector_load_idx %arg16[%add3A_253, %broadcast_in_dim3A_302] : memref<128x16xf32, #tpu.memory_space<vmem>>[vector<16xi32>, vector<16xi32>], vector<16xf32>,
      %gather3A_304 = tpu.vector_load_idx %arg17[%add3A_253, %broadcast_in_dim3A_302] : memref<128x16xf32, #tpu.memory_space<vmem>>[vector<16xi32>, vector<16xi32>], vector<16xf32>,
      %mul3A_305 = arith.mulf %gather3A_303, %gather3A_304 : vector<16xf32>
      %add3A_306 = arith.addf %add3A_300, %mul3A_305 : vector<16xf32>
      %broadcast_in_dim3A_307 = arith.constant 9 : i32
      %broadcast_in_dim3A_308 = vector.broadcast %broadcast_in_dim3A_307 : i32 to vector<16xi32>
      %gather3A_309 = tpu.vector_load_idx %arg16[%add3A_253, %broadcast_in_dim3A_308] : memref<128x16xf32, #tpu.memory_space<vmem>>[vector<16xi32>, vector<16xi32>], vector<16xf32>,
      %gather3A_310 = tpu.vector_load_idx %arg17[%add3A_253, %broadcast_in_dim3A_308] : memref<128x16xf32, #tpu.memory_space<vmem>>[vector<16xi32>, vector<16xi32>], vector<16xf32>,
      %mul3A_311 = arith.mulf %gather3A_309, %gather3A_310 : vector<16xf32>
      %add3A_312 = arith.addf %add3A_306, %mul3A_311 : vector<16xf32>
      %broadcast_in_dim3A_313 = arith.constant 10 : i32
      %broadcast_in_dim3A_314 = vector.broadcast %broadcast_in_dim3A_313 : i32 to vector<16xi32>
      %gather3A_315 = tpu.vector_load_idx %arg16[%add3A_253, %broadcast_in_dim3A_314] : memref<128x16xf32, #tpu.memory_space<vmem>>[vector<16xi32>, vector<16xi32>], vector<16xf32>,
      %gather3A_316 = tpu.vector_load_idx %arg17[%add3A_253, %broadcast_in_dim3A_314] : memref<128x16xf32, #tpu.memory_space<vmem>>[vector<16xi32>, vector<16xi32>], vector<16xf32>,
      %mul3A_317 = arith.mulf %gather3A_315, %gather3A_316 : vector<16xf32>
      %add3A_318 = arith.addf %add3A_312, %mul3A_317 : vector<16xf32>
      %broadcast_in_dim3A_319 = arith.constant 11 : i32
      %broadcast_in_dim3A_320 = vector.broadcast %broadcast_in_dim3A_319 : i32 to vector<16xi32>
      %gather3A_321 = tpu.vector_load_idx %arg16[%add3A_253, %broadcast_in_dim3A_320] : memref<128x16xf32, #tpu.memory_space<vmem>>[vector<16xi32>, vector<16xi32>], vector<16xf32>,
      %gather3A_322 = tpu.vector_load_idx %arg17[%add3A_253, %broadcast_in_dim3A_320] : memref<128x16xf32, #tpu.memory_space<vmem>>[vector<16xi32>, vector<16xi32>], vector<16xf32>,
      %mul3A_323 = arith.mulf %gather3A_321, %gather3A_322 : vector<16xf32>
      %add3A_324 = arith.addf %add3A_318, %mul3A_323 : vector<16xf32>
      %broadcast_in_dim3A_325 = arith.constant 12 : i32
      %broadcast_in_dim3A_326 = vector.broadcast %broadcast_in_dim3A_325 : i32 to vector<16xi32>
      %gather3A_327 = tpu.vector_load_idx %arg16[%add3A_253, %broadcast_in_dim3A_326] : memref<128x16xf32, #tpu.memory_space<vmem>>[vector<16xi32>, vector<16xi32>], vector<16xf32>,
      %gather3A_328 = tpu.vector_load_idx %arg17[%add3A_253, %broadcast_in_dim3A_326] : memref<128x16xf32, #tpu.memory_space<vmem>>[vector<16xi32>, vector<16xi32>], vector<16xf32>,
      %mul3A_329 = arith.mulf %gather3A_327, %gather3A_328 : vector<16xf32>
      %add3A_330 = arith.addf %add3A_324, %mul3A_329 : vector<16xf32>
      %broadcast_in_dim3A_331 = arith.constant 13 : i32
      %broadcast_in_dim3A_332 = vector.broadcast %broadcast_in_dim3A_331 : i32 to vector<16xi32>
      %gather3A_333 = tpu.vector_load_idx %arg16[%add3A_253, %broadcast_in_dim3A_332] : memref<128x16xf32, #tpu.memory_space<vmem>>[vector<16xi32>, vector<16xi32>], vector<16xf32>,
      %gather3A_334 = tpu.vector_load_idx %arg17[%add3A_253, %broadcast_in_dim3A_332] : memref<128x16xf32, #tpu.memory_space<vmem>>[vector<16xi32>, vector<16xi32>], vector<16xf32>,
      %mul3A_335 = arith.mulf %gather3A_333, %gather3A_334 : vector<16xf32>
      %add3A_336 = arith.addf %add3A_330, %mul3A_335 : vector<16xf32>
      %broadcast_in_dim3A_337 = arith.constant 14 : i32
      %broadcast_in_dim3A_338 = vector.broadcast %broadcast_in_dim3A_337 : i32 to vector<16xi32>
      %gather3A_339 = tpu.vector_load_idx %arg16[%add3A_253, %broadcast_in_dim3A_338] : memref<128x16xf32, #tpu.memory_space<vmem>>[vector<16xi32>, vector<16xi32>], vector<16xf32>,
      %gather3A_340 = tpu.vector_load_idx %arg17[%add3A_253, %broadcast_in_dim3A_338] : memref<128x16xf32, #tpu.memory_space<vmem>>[vector<16xi32>, vector<16xi32>], vector<16xf32>,
      %mul3A_341 = arith.mulf %gather3A_339, %gather3A_340 : vector<16xf32>
      %add3A_342 = arith.addf %add3A_336, %mul3A_341 : vector<16xf32>
      %broadcast_in_dim3A_343 = arith.constant 15 : i32
      %broadcast_in_dim3A_344 = vector.broadcast %broadcast_in_dim3A_343 : i32 to vector<16xi32>
      %gather3A_345 = tpu.vector_load_idx %arg16[%add3A_253, %broadcast_in_dim3A_344] : memref<128x16xf32, #tpu.memory_space<vmem>>[vector<16xi32>, vector<16xi32>], vector<16xf32>,
      %gather3A_346 = tpu.vector_load_idx %arg17[%add3A_253, %broadcast_in_dim3A_344] : memref<128x16xf32, #tpu.memory_space<vmem>>[vector<16xi32>, vector<16xi32>], vector<16xf32>,
      %mul3A_347 = arith.mulf %gather3A_345, %gather3A_346 : vector<16xf32>
      %add3A_348 = arith.addf %add3A_342, %mul3A_347 : vector<16xf32>
      %get3A = arith.index_cast %mul3A_251 : i32 to index
      %get3A_349 = tpu.vector_load %arg18[%get3A] {strides = array<i32>} : memref<128xf32, #tpu.memory_space<vmem>>, vector<16xf32>,
      %get3A_350 = arith.index_cast %mul3A_251 : i32 to index
      %get3A_351 = tpu.vector_load %arg19[%get3A_350] {strides = array<i32>} : memref<128xf32, #tpu.memory_space<vmem>>, vector<16xf32>,
      %add3A_352 = arith.addf %get3A_349, %get3A_351 : vector<16xf32>
      %add3A_353 = arith.addf %add3A_352, %add3A_348 : vector<16xf32>
      %add3A_354 = arith.constant 0x4B400000 : f32
      %add3A_355 = vector.broadcast %add3A_354 : f32 to vector<16xf32>
      %add3A_356 = arith.addf %add3A_353, %add3A_355 : vector<16xf32>
      %sub3A = arith.constant 0x4B400000 : f32
      %sub3A_357 = vector.broadcast %sub3A : f32 to vector<16xf32>
      %sub3A_358 = arith.subf %add3A_356, %sub3A_357 : vector<16xf32>
      %jit3A = arith.constant 0.000000e+00 : f32
      %jit3A_359 = arith.constant 4.000000e+00 : f32
      %max3A = vector.broadcast %jit3A : f32 to vector<16xf32>
      %max3A_360 = arith.maximumf %max3A, %sub3A_358 : vector<16xf32>
      %min3A = vector.broadcast %jit3A_359 : f32 to vector<16xf32>
      %min3A_361 = arith.minimumf %min3A, %max3A_360 : vector<16xf32>
      %add3A_362 = arith.constant 1.500000e+00 : f32
      %add3A_363 = vector.broadcast %add3A_362 : f32 to vector<16xf32>
      %add3A_364 = arith.addf %min3A_361, %add3A_363 : vector<16xf32>
      %scan3A_365 = arith.constant 0 : i32
      %scan3A_366 = arith.constant 200 : i32
      %scan3A_367 = arith.addi %scan3A_365, %scan3A_366 : i32
      %scan3A_368 = arith.constant 8 : i32
      %scan3A_369 = scf.for %scan3A_429 = %scan3A_365 to %scan3A_367 step %scan3A_368 iter_args(%scan3A_430 = %broadcast_in_dim3A_1) -> (vector<16xf32>)  : i32 {
        %shift_right_arithmetic3A_431 = arith.constant 7 : i32
        %shift_right_arithmetic3A_432 = arith.shrsi %scan3A_429, %shift_right_arithmetic3A_431 : i32
        %broadcast_in_dim3A_433 = vector.broadcast %shift_right_arithmetic3A_432 : i32 to vector<16xi32>
        %and3A_434 = arith.constant 127 : i32
        %and3A_435 = arith.andi %scan3A_429, %and3A_434 : i32
        %broadcast_in_dim3A_436 = vector.broadcast %and3A_435 : i32 to vector<16xi32>
        %gather3A_437 = tpu.vector_load_idx %arg20[%broadcast_in_dim3A_433, %add3A_253, %broadcast_in_dim3A_436] : memref<2x128x128xf32, #tpu.memory_space<vmem>>[vector<16xi32>, vector<16xi32>, vector<16xi32>], vector<16xf32>,
        %sub3A_438 = arith.subf %add3A_364, %gather3A_437 : vector<16xf32>
        %jit3A_439 = arith.constant 0.000000e+00 : f32
        %jit3A_440 = arith.constant 1.000000e+00 : f32
        %max3A_441 = vector.broadcast %jit3A_439 : f32 to vector<16xf32>
        %max3A_442 = arith.maximumf %max3A_441, %sub3A_438 : vector<16xf32>
        %min3A_443 = vector.broadcast %jit3A_440 : f32 to vector<16xf32>
        %min3A_444 = arith.minimumf %min3A_443, %max3A_442 : vector<16xf32>
        %add3A_445 = arith.addf %scan3A_430, %min3A_444 : vector<16xf32>
        %scan3A_446 = arith.constant 1 : i32
        %scan3A_447 = arith.addi %scan3A_429, %scan3A_446 : i32
        %shift_right_arithmetic3A_448 = arith.constant 7 : i32
        %shift_right_arithmetic3A_449 = arith.shrsi %scan3A_447, %shift_right_arithmetic3A_448 : i32
        %broadcast_in_dim3A_450 = vector.broadcast %shift_right_arithmetic3A_449 : i32 to vector<16xi32>
        %and3A_451 = arith.constant 127 : i32
        %and3A_452 = arith.andi %scan3A_447, %and3A_451 : i32
        %broadcast_in_dim3A_453 = vector.broadcast %and3A_452 : i32 to vector<16xi32>
        %gather3A_454 = tpu.vector_load_idx %arg20[%broadcast_in_dim3A_450, %add3A_253, %broadcast_in_dim3A_453] : memref<2x128x128xf32, #tpu.memory_space<vmem>>[vector<16xi32>, vector<16xi32>, vector<16xi32>], vector<16xf32>,
        %sub3A_455 = arith.subf %add3A_364, %gather3A_454 : vector<16xf32>
        %jit3A_456 = arith.constant 0.000000e+00 : f32
        %jit3A_457 = arith.constant 1.000000e+00 : f32
        %max3A_458 = vector.broadcast %jit3A_456 : f32 to vector<16xf32>
        %max3A_459 = arith.maximumf %max3A_458, %sub3A_455 : vector<16xf32>
        %min3A_460 = vector.broadcast %jit3A_457 : f32 to vector<16xf32>
        %min3A_461 = arith.minimumf %min3A_460, %max3A_459 : vector<16xf32>
        %add3A_462 = arith.addf %add3A_445, %min3A_461 : vector<16xf32>
        %scan3A_463 = arith.constant 2 : i32
        %scan3A_464 = arith.addi %scan3A_429, %scan3A_463 : i32
        %shift_right_arithmetic3A_465 = arith.constant 7 : i32
        %shift_right_arithmetic3A_466 = arith.shrsi %scan3A_464, %shift_right_arithmetic3A_465 : i32
        %broadcast_in_dim3A_467 = vector.broadcast %shift_right_arithmetic3A_466 : i32 to vector<16xi32>
        %and3A_468 = arith.constant 127 : i32
        %and3A_469 = arith.andi %scan3A_464, %and3A_468 : i32
        %broadcast_in_dim3A_470 = vector.broadcast %and3A_469 : i32 to vector<16xi32>
        %gather3A_471 = tpu.vector_load_idx %arg20[%broadcast_in_dim3A_467, %add3A_253, %broadcast_in_dim3A_470] : memref<2x128x128xf32, #tpu.memory_space<vmem>>[vector<16xi32>, vector<16xi32>, vector<16xi32>], vector<16xf32>,
        %sub3A_472 = arith.subf %add3A_364, %gather3A_471 : vector<16xf32>
        %jit3A_473 = arith.constant 0.000000e+00 : f32
        %jit3A_474 = arith.constant 1.000000e+00 : f32
        %max3A_475 = vector.broadcast %jit3A_473 : f32 to vector<16xf32>
        %max3A_476 = arith.maximumf %max3A_475, %sub3A_472 : vector<16xf32>
        %min3A_477 = vector.broadcast %jit3A_474 : f32 to vector<16xf32>
        %min3A_478 = arith.minimumf %min3A_477, %max3A_476 : vector<16xf32>
        %add3A_479 = arith.addf %add3A_462, %min3A_478 : vector<16xf32>
        %scan3A_480 = arith.constant 3 : i32
        %scan3A_481 = arith.addi %scan3A_429, %scan3A_480 : i32
        %shift_right_arithmetic3A_482 = arith.constant 7 : i32
        %shift_right_arithmetic3A_483 = arith.shrsi %scan3A_481, %shift_right_arithmetic3A_482 : i32
        %broadcast_in_dim3A_484 = vector.broadcast %shift_right_arithmetic3A_483 : i32 to vector<16xi32>
        %and3A_485 = arith.constant 127 : i32
        %and3A_486 = arith.andi %scan3A_481, %and3A_485 : i32
        %broadcast_in_dim3A_487 = vector.broadcast %and3A_486 : i32 to vector<16xi32>
        %gather3A_488 = tpu.vector_load_idx %arg20[%broadcast_in_dim3A_484, %add3A_253, %broadcast_in_dim3A_487] : memref<2x128x128xf32, #tpu.memory_space<vmem>>[vector<16xi32>, vector<16xi32>, vector<16xi32>], vector<16xf32>,
        %sub3A_489 = arith.subf %add3A_364, %gather3A_488 : vector<16xf32>
        %jit3A_490 = arith.constant 0.000000e+00 : f32
        %jit3A_491 = arith.constant 1.000000e+00 : f32
        %max3A_492 = vector.broadcast %jit3A_490 : f32 to vector<16xf32>
        %max3A_493 = arith.maximumf %max3A_492, %sub3A_489 : vector<16xf32>
        %min3A_494 = vector.broadcast %jit3A_491 : f32 to vector<16xf32>
        %min3A_495 = arith.minimumf %min3A_494, %max3A_493 : vector<16xf32>
        %add3A_496 = arith.addf %add3A_479, %min3A_495 : vector<16xf32>
        %scan3A_497 = arith.constant 4 : i32
        %scan3A_498 = arith.addi %scan3A_429, %scan3A_497 : i32
        %shift_right_arithmetic3A_499 = arith.constant 7 : i32
        %shift_right_arithmetic3A_500 = arith.shrsi %scan3A_498, %shift_right_arithmetic3A_499 : i32
        %broadcast_in_dim3A_501 = vector.broadcast %shift_right_arithmetic3A_500 : i32 to vector<16xi32>
        %and3A_502 = arith.constant 127 : i32
        %and3A_503 = arith.andi %scan3A_498, %and3A_502 : i32
        %broadcast_in_dim3A_504 = vector.broadcast %and3A_503 : i32 to vector<16xi32>
        %gather3A_505 = tpu.vector_load_idx %arg20[%broadcast_in_dim3A_501, %add3A_253, %broadcast_in_dim3A_504] : memref<2x128x128xf32, #tpu.memory_space<vmem>>[vector<16xi32>, vector<16xi32>, vector<16xi32>], vector<16xf32>,
        %sub3A_506 = arith.subf %add3A_364, %gather3A_505 : vector<16xf32>
        %jit3A_507 = arith.constant 0.000000e+00 : f32
        %jit3A_508 = arith.constant 1.000000e+00 : f32
        %max3A_509 = vector.broadcast %jit3A_507 : f32 to vector<16xf32>
        %max3A_510 = arith.maximumf %max3A_509, %sub3A_506 : vector<16xf32>
        %min3A_511 = vector.broadcast %jit3A_508 : f32 to vector<16xf32>
        %min3A_512 = arith.minimumf %min3A_511, %max3A_510 : vector<16xf32>
        %add3A_513 = arith.addf %add3A_496, %min3A_512 : vector<16xf32>
        %scan3A_514 = arith.constant 5 : i32
        %scan3A_515 = arith.addi %scan3A_429, %scan3A_514 : i32
        %shift_right_arithmetic3A_516 = arith.constant 7 : i32
        %shift_right_arithmetic3A_517 = arith.shrsi %scan3A_515, %shift_right_arithmetic3A_516 : i32
        %broadcast_in_dim3A_518 = vector.broadcast %shift_right_arithmetic3A_517 : i32 to vector<16xi32>
        %and3A_519 = arith.constant 127 : i32
        %and3A_520 = arith.andi %scan3A_515, %and3A_519 : i32
        %broadcast_in_dim3A_521 = vector.broadcast %and3A_520 : i32 to vector<16xi32>
        %gather3A_522 = tpu.vector_load_idx %arg20[%broadcast_in_dim3A_518, %add3A_253, %broadcast_in_dim3A_521] : memref<2x128x128xf32, #tpu.memory_space<vmem>>[vector<16xi32>, vector<16xi32>, vector<16xi32>], vector<16xf32>,
        %sub3A_523 = arith.subf %add3A_364, %gather3A_522 : vector<16xf32>
        %jit3A_524 = arith.constant 0.000000e+00 : f32
        %jit3A_525 = arith.constant 1.000000e+00 : f32
        %max3A_526 = vector.broadcast %jit3A_524 : f32 to vector<16xf32>
        %max3A_527 = arith.maximumf %max3A_526, %sub3A_523 : vector<16xf32>
        %min3A_528 = vector.broadcast %jit3A_525 : f32 to vector<16xf32>
        %min3A_529 = arith.minimumf %min3A_528, %max3A_527 : vector<16xf32>
        %add3A_530 = arith.addf %add3A_513, %min3A_529 : vector<16xf32>
        %scan3A_531 = arith.constant 6 : i32
        %scan3A_532 = arith.addi %scan3A_429, %scan3A_531 : i32
        %shift_right_arithmetic3A_533 = arith.constant 7 : i32
        %shift_right_arithmetic3A_534 = arith.shrsi %scan3A_532, %shift_right_arithmetic3A_533 : i32
        %broadcast_in_dim3A_535 = vector.broadcast %shift_right_arithmetic3A_534 : i32 to vector<16xi32>
        %and3A_536 = arith.constant 127 : i32
        %and3A_537 = arith.andi %scan3A_532, %and3A_536 : i32
        %broadcast_in_dim3A_538 = vector.broadcast %and3A_537 : i32 to vector<16xi32>
        %gather3A_539 = tpu.vector_load_idx %arg20[%broadcast_in_dim3A_535, %add3A_253, %broadcast_in_dim3A_538] : memref<2x128x128xf32, #tpu.memory_space<vmem>>[vector<16xi32>, vector<16xi32>, vector<16xi32>], vector<16xf32>,
        %sub3A_540 = arith.subf %add3A_364, %gather3A_539 : vector<16xf32>
        %jit3A_541 = arith.constant 0.000000e+00 : f32
        %jit3A_542 = arith.constant 1.000000e+00 : f32
        %max3A_543 = vector.broadcast %jit3A_541 : f32 to vector<16xf32>
        %max3A_544 = arith.maximumf %max3A_543, %sub3A_540 : vector<16xf32>
        %min3A_545 = vector.broadcast %jit3A_542 : f32 to vector<16xf32>
        %min3A_546 = arith.minimumf %min3A_545, %max3A_544 : vector<16xf32>
        %add3A_547 = arith.addf %add3A_530, %min3A_546 : vector<16xf32>
        %scan3A_548 = arith.constant 7 : i32
        %scan3A_549 = arith.addi %scan3A_429, %scan3A_548 : i32
        %shift_right_arithmetic3A_550 = arith.constant 7 : i32
        %shift_right_arithmetic3A_551 = arith.shrsi %scan3A_549, %shift_right_arithmetic3A_550 : i32
        %broadcast_in_dim3A_552 = vector.broadcast %shift_right_arithmetic3A_551 : i32 to vector<16xi32>
        %and3A_553 = arith.constant 127 : i32
        %and3A_554 = arith.andi %scan3A_549, %and3A_553 : i32
        %broadcast_in_dim3A_555 = vector.broadcast %and3A_554 : i32 to vector<16xi32>
        %gather3A_556 = tpu.vector_load_idx %arg20[%broadcast_in_dim3A_552, %add3A_253, %broadcast_in_dim3A_555] : memref<2x128x128xf32, #tpu.memory_space<vmem>>[vector<16xi32>, vector<16xi32>, vector<16xi32>], vector<16xf32>,
        %sub3A_557 = arith.subf %add3A_364, %gather3A_556 : vector<16xf32>
        %jit3A_558 = arith.constant 0.000000e+00 : f32
        %jit3A_559 = arith.constant 1.000000e+00 : f32
        %max3A_560 = vector.broadcast %jit3A_558 : f32 to vector<16xf32>
        %max3A_561 = arith.maximumf %max3A_560, %sub3A_557 : vector<16xf32>
        %min3A_562 = vector.broadcast %jit3A_559 : f32 to vector<16xf32>
        %min3A_563 = arith.minimumf %min3A_562, %max3A_561 : vector<16xf32>
        %add3A_564 = arith.addf %add3A_547, %min3A_563 : vector<16xf32>
        scf.yield %add3A_564 : vector<16xf32>
      }
      %scan3A_370 = arith.constant 200 : i32
      %get3A_371 = arith.index_cast %mul3A_251 : i32 to index
      %get3A_372 = tpu.vector_load %arg15[%get3A_371] {strides = array<i32>} : memref<128xi32, #tpu.memory_space<vmem>>, vector<16xi32>,
      %shift_right_arithmetic3A = arith.constant 7 : i32
      %shift_right_arithmetic3A_373 = vector.broadcast %shift_right_arithmetic3A : i32 to vector<16xi32>
      %shift_right_arithmetic3A_374 = arith.shrsi %get3A_372, %shift_right_arithmetic3A_373 : vector<16xi32>
      %and3A = arith.constant 127 : i32
      %and3A_375 = vector.broadcast %and3A : i32 to vector<16xi32>
      %and3A_376 = arith.andi %get3A_372, %and3A_375 : vector<16xi32>
      %gather3A_377 = tpu.vector_load_idx %arg20[%shift_right_arithmetic3A_374, %add3A_253, %and3A_376] : memref<2x128x128xf32, #tpu.memory_space<vmem>>[vector<16xi32>, vector<16xi32>, vector<16xi32>], vector<16xf32>,
      %sub3A_378 = arith.subf %add3A_364, %gather3A_377 : vector<16xf32>
      %jit3A_379 = arith.constant 0.000000e+00 : f32
      %jit3A_380 = arith.constant 1.000000e+00 : f32
      %max3A_381 = vector.broadcast %jit3A_379 : f32 to vector<16xf32>
      %max3A_382 = arith.maximumf %max3A_381, %sub3A_378 : vector<16xf32>
      %min3A_383 = vector.broadcast %jit3A_380 : f32 to vector<16xf32>
      %min3A_384 = arith.minimumf %min3A_383, %max3A_382 : vector<16xf32>
      %sub3A_385 = arith.subf %scan3A_369, %min3A_384 : vector<16xf32>
      %sub3A_386 = arith.constant 1.000000e+00 : f32
      %sub3A_387 = vector.broadcast %sub3A_386 : f32 to vector<16xf32>
      %sub3A_388 = arith.subf %add3A_353, %sub3A_387 : vector<16xf32>
      %div3A = arith.constant 8.000000e-01 : f32
      %div3A_389 = vector.broadcast %div3A : f32 to vector<16xf32>
      %div3A_390 = arith.divf %sub3A_388, %div3A_389 : vector<16xf32>
      %convert_element_type3A = arith.fptosi %div3A_390 : vector<16xf32> to vector<16xi32>
      %convert_element_type3A_391 = arith.sitofp %convert_element_type3A : vector<16xi32> to vector<16xf32>
      %gt3A = arith.cmpf ogt, %convert_element_type3A_391, %div3A_390 : vector<16xf32>
      %jit3A_392 = arith.constant 1 : i32
      %jit3A_393 = arith.constant 0 : i32
      %broadcast_in_dim3A_394 = vector.broadcast %jit3A_392 : i32 to vector<16xi32>
      %broadcast_in_dim3A_395 = vector.broadcast %jit3A_393 : i32 to vector<16xi32>
      %select_n3A = arith.select %gt3A, %broadcast_in_dim3A_394, %broadcast_in_dim3A_395 : vector<16xi1>, vector<16xi32>
      %sub3A_396 = arith.subi %convert_element_type3A, %select_n3A : vector<16xi32>
      %jit3A_397 = arith.constant 0 : i32
      %jit3A_398 = arith.constant 4 : i32
      %max3A_399 = vector.broadcast %jit3A_397 : i32 to vector<16xi32>
      %max3A_400 = arith.maxsi %max3A_399, %sub3A_396 : vector<16xi32>
      %min3A_401 = vector.broadcast %jit3A_398 : i32 to vector<16xi32>
      %min3A_402 = arith.minsi %min3A_401, %max3A_400 : vector<16xi32>
      %convert_element_type3A_403 = arith.sitofp %min3A_402 : vector<16xi32> to vector<16xf32>
      %ge3A = arith.constant 1.000000e+00 : f32
      %ge3A_404 = vector.broadcast %ge3A : f32 to vector<16xf32>
      %ge3A_405 = arith.cmpf oge, %add3A_353, %ge3A_404 : vector<16xf32>
      %le3A = arith.constant 5.000000e+00 : f32
      %le3A_406 = vector.broadcast %le3A : f32 to vector<16xf32>
      %le3A_407 = arith.cmpf ole, %add3A_353, %le3A_406 : vector<16xf32>
      %and3A_408 = arith.andi %ge3A_405, %le3A_407 : vector<16xi1>
      %jit3A_409 = arith.constant 1.000000e+00 : f32
      %jit3A_410 = arith.constant 0.000000e+00 : f32
      %broadcast_in_dim3A_411 = vector.broadcast %jit3A_409 : f32 to vector<16xf32>
      %broadcast_in_dim3A_412 = vector.broadcast %jit3A_410 : f32 to vector<16xf32>
      %select_n3A_413 = arith.select %and3A_408, %broadcast_in_dim3A_411, %broadcast_in_dim3A_412 : vector<16xi1>, vector<16xf32>
      %add3A_414 = arith.constant 5.000000e-01 : f32
      %add3A_415 = vector.broadcast %add3A_414 : f32 to vector<16xf32>
      %add3A_416 = arith.addf %min3A_361, %add3A_415 : vector<16xf32>
      %sub3A_417 = arith.subf %add3A_416, %convert_element_type3A_403 : vector<16xf32>
      %jit3A_418 = arith.constant 0.000000e+00 : f32
      %jit3A_419 = arith.constant 1.000000e+00 : f32
      %max3A_420 = vector.broadcast %jit3A_418 : f32 to vector<16xf32>
      %max3A_421 = arith.maximumf %max3A_420, %sub3A_417 : vector<16xf32>
      %min3A_422 = vector.broadcast %jit3A_419 : f32 to vector<16xf32>
      %min3A_423 = arith.minimumf %min3A_422, %max3A_421 : vector<16xf32>
      %mul3A_424 = arith.mulf %select_n3A_413, %min3A_423 : vector<16xf32>
      %add3A_425 = arith.addf %sub3A_385, %mul3A_424 : vector<16xf32>
      %swap3A = arith.index_cast %mul3A_251 : i32 to index
      %swap3A_426 = tpu.vector_load %arg21[%swap3A] {strides = array<i32>} : memref<128xf32, #tpu.memory_space<vmem>>, vector<16xf32>,
      tpu.vector_store %arg21[%swap3A], %add3A_353 {strides = array<i32>} : memref<128xf32, #tpu.memory_space<vmem>>, vector<16xf32>,
      %swap3A_427 = arith.index_cast %mul3A_251 : i32 to index
      %swap3A_428 = tpu.vector_load %arg22[%swap3A_427] {strides = array<i32>} : memref<128xf32, #tpu.memory_space<vmem>>, vector<16xf32>,
      tpu.vector_store %arg22[%swap3A_427], %add3A_425 {strides = array<i32>} : memref<128xf32, #tpu.memory_space<vmem>>, vector<16xf32>,
    }
    %scan3A_62 = arith.constant 8 : i32
    "tpu.region"() ({
      %run_scoped3A = tpu.sem_alloc : memref<!tpu.dma_semaphore, #tpu.memory_space<semaphore_mem>>
      %dma_start3A_249 = tpu.memref_slice %arg11[%add3A_7] : memref<16384xf32, #tpu.memory_space<hbm>> -> memref<128xf32, #tpu.memory_space<hbm>>
      %dma_start3A_250 = tpu.memref_slice %arg11[%add3A_7] : memref<16384xf32, #tpu.memory_space<hbm>> -> memref<128xf32, #tpu.memory_space<hbm>>
      tpu.enqueue_dma source(%arg21 : memref<128xf32, #tpu.memory_space<vmem>>) target(%dma_start3A_250 : memref<128xf32, #tpu.memory_space<hbm>>) target_semaphore(%run_scoped3A : memref<!tpu.dma_semaphore, #tpu.memory_space<semaphore_mem>>)
      %dma_wait3A_251 = tpu.memref_slice %arg11[%add3A_7] : memref<16384xf32, #tpu.memory_space<hbm>> -> memref<128xf32, #tpu.memory_space<hbm>>
      %dma_wait3A_252 = tpu.memref_slice %arg11[%add3A_7] : memref<16384xf32, #tpu.memory_space<hbm>> -> memref<128xf32, #tpu.memory_space<hbm>>
      tpu.wait_dma2 semaphore(%run_scoped3A : memref<!tpu.dma_semaphore, #tpu.memory_space<semaphore_mem>>) src(%arg21 : memref<128xf32, #tpu.memory_space<vmem>>) dst(%dma_wait3A_252 : memref<128xf32, #tpu.memory_space<hbm>>)
      tpu.yield
    }) : () -> ()
    "tpu.region"() ({
      %run_scoped3A = tpu.sem_alloc : memref<!tpu.dma_semaphore, #tpu.memory_space<semaphore_mem>>
      %dma_start3A_249 = tpu.memref_slice %arg12[%add3A_7] : memref<16384xf32, #tpu.memory_space<hbm>> -> memref<128xf32, #tpu.memory_space<hbm>>
      %dma_start3A_250 = tpu.memref_slice %arg12[%add3A_7] : memref<16384xf32, #tpu.memory_space<hbm>> -> memref<128xf32, #tpu.memory_space<hbm>>
      tpu.enqueue_dma source(%arg22 : memref<128xf32, #tpu.memory_space<vmem>>) target(%dma_start3A_250 : memref<128xf32, #tpu.memory_space<hbm>>) target_semaphore(%run_scoped3A : memref<!tpu.dma_semaphore, #tpu.memory_space<semaphore_mem>>)
      %dma_wait3A_251 = tpu.memref_slice %arg12[%add3A_7] : memref<16384xf32, #tpu.memory_space<hbm>> -> memref<128xf32, #tpu.memory_space<hbm>>
      %dma_wait3A_252 = tpu.memref_slice %arg12[%add3A_7] : memref<16384xf32, #tpu.memory_space<hbm>> -> memref<128xf32, #tpu.memory_space<hbm>>
      tpu.wait_dma2 semaphore(%run_scoped3A : memref<!tpu.dma_semaphore, #tpu.memory_space<semaphore_mem>>) src(%arg22 : memref<128xf32, #tpu.memory_space<vmem>>) dst(%dma_wait3A_252 : memref<128xf32, #tpu.memory_space<hbm>>)
      tpu.yield
    }) : () -> ()
    %mul3A_63 = arith.constant 512 : i32
    %mul3A_64 = arith.muli %add3A, %mul3A_63 : i32
    %add3A_65 = arith.constant 128 : i32
    %add3A_66 = arith.addi %mul3A_64, %add3A_65 : i32
    "tpu.region"() ({
      %run_scoped3A = tpu.sem_alloc : memref<!tpu.dma_semaphore, #tpu.memory_space<semaphore_mem>>
      %dma_start3A_249 = tpu.memref_slice %arg2[%add3A_66] : memref<16384xi32, #tpu.memory_space<hbm>> -> memref<128xi32, #tpu.memory_space<hbm>>
      %dma_start3A_250 = tpu.memref_slice %arg2[%add3A_66] : memref<16384xi32, #tpu.memory_space<hbm>> -> memref<128xi32, #tpu.memory_space<hbm>>
      tpu.enqueue_dma source(%dma_start3A_250 : memref<128xi32, #tpu.memory_space<hbm>>) target(%arg13 : memref<128xi32, #tpu.memory_space<vmem>>) target_semaphore(%run_scoped3A : memref<!tpu.dma_semaphore, #tpu.memory_space<semaphore_mem>>)
      %dma_wait3A_251 = tpu.memref_slice %arg2[%add3A_66] : memref<16384xi32, #tpu.memory_space<hbm>> -> memref<128xi32, #tpu.memory_space<hbm>>
      %dma_wait3A_252 = tpu.memref_slice %arg2[%add3A_66] : memref<16384xi32, #tpu.memory_space<hbm>> -> memref<128xi32, #tpu.memory_space<hbm>>
      tpu.wait_dma2 semaphore(%run_scoped3A : memref<!tpu.dma_semaphore, #tpu.memory_space<semaphore_mem>>) src(%dma_wait3A_252 : memref<128xi32, #tpu.memory_space<hbm>>) dst(%arg13 : memref<128xi32, #tpu.memory_space<vmem>>)
      tpu.yield
    }) : () -> ()
    "tpu.region"() ({
      %run_scoped3A = tpu.sem_alloc : memref<!tpu.dma_semaphore, #tpu.memory_space<semaphore_mem>>
      %dma_start3A_249 = tpu.memref_slice %arg3[%add3A_66] : memref<16384xi32, #tpu.memory_space<hbm>> -> memref<128xi32, #tpu.memory_space<hbm>>
      %dma_start3A_250 = tpu.memref_slice %arg3[%add3A_66] : memref<16384xi32, #tpu.memory_space<hbm>> -> memref<128xi32, #tpu.memory_space<hbm>>
      tpu.enqueue_dma source(%dma_start3A_250 : memref<128xi32, #tpu.memory_space<hbm>>) target(%arg14 : memref<128xi32, #tpu.memory_space<vmem>>) target_semaphore(%run_scoped3A : memref<!tpu.dma_semaphore, #tpu.memory_space<semaphore_mem>>)
      %dma_wait3A_251 = tpu.memref_slice %arg3[%add3A_66] : memref<16384xi32, #tpu.memory_space<hbm>> -> memref<128xi32, #tpu.memory_space<hbm>>
      %dma_wait3A_252 = tpu.memref_slice %arg3[%add3A_66] : memref<16384xi32, #tpu.memory_space<hbm>> -> memref<128xi32, #tpu.memory_space<hbm>>
      tpu.wait_dma2 semaphore(%run_scoped3A : memref<!tpu.dma_semaphore, #tpu.memory_space<semaphore_mem>>) src(%dma_wait3A_252 : memref<128xi32, #tpu.memory_space<hbm>>) dst(%arg14 : memref<128xi32, #tpu.memory_space<vmem>>)
      tpu.yield
    }) : () -> ()
    "tpu.region"() ({
      %run_scoped3A = tpu.sem_alloc : memref<!tpu.dma_semaphore, #tpu.memory_space<semaphore_mem>>
      %dma_start3A_249 = tpu.memref_slice %arg4[%add3A_66] : memref<16384xi32, #tpu.memory_space<hbm>> -> memref<128xi32, #tpu.memory_space<hbm>>
      %dma_start3A_250 = tpu.memref_slice %arg4[%add3A_66] : memref<16384xi32, #tpu.memory_space<hbm>> -> memref<128xi32, #tpu.memory_space<hbm>>
      tpu.enqueue_dma source(%dma_start3A_250 : memref<128xi32, #tpu.memory_space<hbm>>) target(%arg15 : memref<128xi32, #tpu.memory_space<vmem>>) target_semaphore(%run_scoped3A : memref<!tpu.dma_semaphore, #tpu.memory_space<semaphore_mem>>)
      %dma_wait3A_251 = tpu.memref_slice %arg4[%add3A_66] : memref<16384xi32, #tpu.memory_space<hbm>> -> memref<128xi32, #tpu.memory_space<hbm>>
      %dma_wait3A_252 = tpu.memref_slice %arg4[%add3A_66] : memref<16384xi32, #tpu.memory_space<hbm>> -> memref<128xi32, #tpu.memory_space<hbm>>
      tpu.wait_dma2 semaphore(%run_scoped3A : memref<!tpu.dma_semaphore, #tpu.memory_space<semaphore_mem>>) src(%dma_wait3A_252 : memref<128xi32, #tpu.memory_space<hbm>>) dst(%arg15 : memref<128xi32, #tpu.memory_space<vmem>>)
      tpu.yield
    }) : () -> ()
    %dma_start3A_67 = arith.constant 0 : i32
    %dma_start3A_68 = arith.constant 0 : i32
    %dma_start3A_69 = arith.constant 0 : i32
    %dma_start3A_70 = tpu.memref_slice %arg20[%dma_start3A_67, %dma_start3A_68, %dma_start3A_69] : memref<2x128x128xf32, #tpu.memory_space<vmem>> -> memref<1x128x128xf32, #tpu.memory_space<vmem>>
    %dma_start3A_71 = tpu.memref_squeeze %dma_start3A_70 : memref<1x128x128xf32, #tpu.memory_space<vmem>> -> memref<128x128xf32, #tpu.memory_space<vmem>>
    %dma_start3A_72 = arith.constant 0 : i32
    %dma_start3A_73 = arith.constant 0 : i32
    %dma_start3A_74 = tpu.memref_slice %arg9[%dma_start3A_72, %dma_start3A_73] : memref<100000x128xf32, #tpu.memory_space<hbm>> -> memref<100000x128xf32, #tpu.memory_space<hbm>>
    tpu.enqueue_indirect_dma source(%dma_start3A_74 : memref<100000x128xf32, #tpu.memory_space<hbm>>) target(%dma_start3A_71 : memref<128x128xf32, #tpu.memory_space<vmem>>) offsets(%arg13 : memref<128xi32, #tpu.memory_space<vmem>>) semaphore(%arg23 : memref<!tpu.dma_semaphore, #tpu.memory_space<semaphore_mem>>)
    %dma_start3A_75 = arith.constant 1 : i32
    %dma_start3A_76 = arith.constant 0 : i32
    %dma_start3A_77 = arith.constant 0 : i32
    %dma_start3A_78 = tpu.memref_slice %arg20[%dma_start3A_75, %dma_start3A_76, %dma_start3A_77] : memref<2x128x128xf32, #tpu.memory_space<vmem>> -> memref<1x128x128xf32, #tpu.memory_space<vmem>>
    %dma_start3A_79 = tpu.memref_squeeze %dma_start3A_78 : memref<1x128x128xf32, #tpu.memory_space<vmem>> -> memref<128x128xf32, #tpu.memory_space<vmem>>
    %dma_start3A_80 = arith.constant 0 : i32
    %dma_start3A_81 = arith.constant 0 : i32
    %dma_start3A_82 = tpu.memref_slice %arg10[%dma_start3A_80, %dma_start3A_81] : memref<100000x128xf32, #tpu.memory_space<hbm>> -> memref<100000x128xf32, #tpu.memory_space<hbm>>
    tpu.enqueue_indirect_dma source(%dma_start3A_82 : memref<100000x128xf32, #tpu.memory_space<hbm>>) target(%dma_start3A_79 : memref<128x128xf32, #tpu.memory_space<vmem>>) offsets(%arg13 : memref<128xi32, #tpu.memory_space<vmem>>) semaphore(%arg23 : memref<!tpu.dma_semaphore, #tpu.memory_space<semaphore_mem>>)
    %dma_start3A_83 = arith.constant 0 : i32
    %dma_start3A_84 = arith.constant 0 : i32
    %dma_start3A_85 = tpu.memref_slice %arg5[%dma_start3A_83, %dma_start3A_84] : memref<100000x16xf32, #tpu.memory_space<hbm>> -> memref<100000x16xf32, #tpu.memory_space<hbm>>
    tpu.enqueue_indirect_dma source(%dma_start3A_85 : memref<100000x16xf32, #tpu.memory_space<hbm>>) target(%arg16 : memref<128x16xf32, #tpu.memory_space<vmem>>) offsets(%arg13 : memref<128xi32, #tpu.memory_space<vmem>>) semaphore(%arg23 : memref<!tpu.dma_semaphore, #tpu.memory_space<semaphore_mem>>)
    %dma_start3A_86 = arith.constant 0 : i32
    %dma_start3A_87 = arith.constant 0 : i32
    %dma_start3A_88 = tpu.memref_slice %arg6[%dma_start3A_86, %dma_start3A_87] : memref<1000000x16xf32, #tpu.memory_space<hbm>> -> memref<1000000x16xf32, #tpu.memory_space<hbm>>
    tpu.enqueue_indirect_dma source(%dma_start3A_88 : memref<1000000x16xf32, #tpu.memory_space<hbm>>) target(%arg17 : memref<128x16xf32, #tpu.memory_space<vmem>>) offsets(%arg14 : memref<128xi32, #tpu.memory_space<vmem>>) semaphore(%arg23 : memref<!tpu.dma_semaphore, #tpu.memory_space<semaphore_mem>>)
    %dma_start3A_89 = arith.constant 0 : i32
    %dma_start3A_90 = tpu.memref_slice %arg7[%dma_start3A_89] : memref<100000xf32, #tpu.memory_space<hbm>> -> memref<100000xf32, #tpu.memory_space<hbm>>
    tpu.enqueue_indirect_dma source(%dma_start3A_90 : memref<100000xf32, #tpu.memory_space<hbm>>) target(%arg18 : memref<128xf32, #tpu.memory_space<vmem>>) offsets(%arg13 : memref<128xi32, #tpu.memory_space<vmem>>) semaphore(%arg23 : memref<!tpu.dma_semaphore, #tpu.memory_space<semaphore_mem>>)
    %dma_start3A_91 = arith.constant 0 : i32
    %dma_start3A_92 = tpu.memref_slice %arg8[%dma_start3A_91] : memref<1000000xf32, #tpu.memory_space<hbm>> -> memref<1000000xf32, #tpu.memory_space<hbm>>
    tpu.enqueue_indirect_dma source(%dma_start3A_92 : memref<1000000xf32, #tpu.memory_space<hbm>>) target(%arg19 : memref<128xf32, #tpu.memory_space<vmem>>) offsets(%arg14 : memref<128xi32, #tpu.memory_space<vmem>>) semaphore(%arg23 : memref<!tpu.dma_semaphore, #tpu.memory_space<semaphore_mem>>)
    %dma_wait3A_93 = arith.constant 0 : i32
    %dma_wait3A_94 = arith.constant 0 : i32
    %dma_wait3A_95 = arith.constant 0 : i32
    %dma_wait3A_96 = tpu.memref_slice %arg20[%dma_wait3A_93, %dma_wait3A_94, %dma_wait3A_95] : memref<2x128x128xf32, #tpu.memory_space<vmem>> -> memref<1x128x128xf32, #tpu.memory_space<vmem>>
    %dma_wait3A_97 = tpu.memref_squeeze %dma_wait3A_96 : memref<1x128x128xf32, #tpu.memory_space<vmem>> -> memref<128x128xf32, #tpu.memory_space<vmem>>
    %dma_wait3A_98 = arith.constant 0 : i32
    %dma_wait3A_99 = arith.constant 0 : i32
    %dma_wait3A_100 = tpu.memref_slice %arg9[%dma_wait3A_98, %dma_wait3A_99] : memref<100000x128xf32, #tpu.memory_space<hbm>> -> memref<100000x128xf32, #tpu.memory_space<hbm>>
    tpu.wait_indirect_dma semaphore(%arg23 : memref<!tpu.dma_semaphore, #tpu.memory_space<semaphore_mem>>) src(%dma_wait3A_100 : memref<100000x128xf32, #tpu.memory_space<hbm>>) dst(%dma_wait3A_97 : memref<128x128xf32, #tpu.memory_space<vmem>>)
    %dma_wait3A_101 = arith.constant 1 : i32
    %dma_wait3A_102 = arith.constant 0 : i32
    %dma_wait3A_103 = arith.constant 0 : i32
    %dma_wait3A_104 = tpu.memref_slice %arg20[%dma_wait3A_101, %dma_wait3A_102, %dma_wait3A_103] : memref<2x128x128xf32, #tpu.memory_space<vmem>> -> memref<1x128x128xf32, #tpu.memory_space<vmem>>
    %dma_wait3A_105 = tpu.memref_squeeze %dma_wait3A_104 : memref<1x128x128xf32, #tpu.memory_space<vmem>> -> memref<128x128xf32, #tpu.memory_space<vmem>>
    %dma_wait3A_106 = arith.constant 0 : i32
    %dma_wait3A_107 = arith.constant 0 : i32
    %dma_wait3A_108 = tpu.memref_slice %arg10[%dma_wait3A_106, %dma_wait3A_107] : memref<100000x128xf32, #tpu.memory_space<hbm>> -> memref<100000x128xf32, #tpu.memory_space<hbm>>
    tpu.wait_indirect_dma semaphore(%arg23 : memref<!tpu.dma_semaphore, #tpu.memory_space<semaphore_mem>>) src(%dma_wait3A_108 : memref<100000x128xf32, #tpu.memory_space<hbm>>) dst(%dma_wait3A_105 : memref<128x128xf32, #tpu.memory_space<vmem>>)
    %dma_wait3A_109 = arith.constant 0 : i32
    %dma_wait3A_110 = arith.constant 0 : i32
    %dma_wait3A_111 = tpu.memref_slice %arg5[%dma_wait3A_109, %dma_wait3A_110] : memref<100000x16xf32, #tpu.memory_space<hbm>> -> memref<100000x16xf32, #tpu.memory_space<hbm>>
    tpu.wait_indirect_dma semaphore(%arg23 : memref<!tpu.dma_semaphore, #tpu.memory_space<semaphore_mem>>) src(%dma_wait3A_111 : memref<100000x16xf32, #tpu.memory_space<hbm>>) dst(%arg16 : memref<128x16xf32, #tpu.memory_space<vmem>>)
    %dma_wait3A_112 = arith.constant 0 : i32
    %dma_wait3A_113 = arith.constant 0 : i32
    %dma_wait3A_114 = tpu.memref_slice %arg6[%dma_wait3A_112, %dma_wait3A_113] : memref<1000000x16xf32, #tpu.memory_space<hbm>> -> memref<1000000x16xf32, #tpu.memory_space<hbm>>
    tpu.wait_indirect_dma semaphore(%arg23 : memref<!tpu.dma_semaphore, #tpu.memory_space<semaphore_mem>>) src(%dma_wait3A_114 : memref<1000000x16xf32, #tpu.memory_space<hbm>>) dst(%arg17 : memref<128x16xf32, #tpu.memory_space<vmem>>)
    %dma_wait3A_115 = arith.constant 0 : i32
    %dma_wait3A_116 = tpu.memref_slice %arg7[%dma_wait3A_115] : memref<100000xf32, #tpu.memory_space<hbm>> -> memref<100000xf32, #tpu.memory_space<hbm>>
    tpu.wait_indirect_dma semaphore(%arg23 : memref<!tpu.dma_semaphore, #tpu.memory_space<semaphore_mem>>) src(%dma_wait3A_116 : memref<100000xf32, #tpu.memory_space<hbm>>) dst(%arg18 : memref<128xf32, #tpu.memory_space<vmem>>)
    %dma_wait3A_117 = arith.constant 0 : i32
    %dma_wait3A_118 = tpu.memref_slice %arg8[%dma_wait3A_117] : memref<1000000xf32, #tpu.memory_space<hbm>> -> memref<1000000xf32, #tpu.memory_space<hbm>>
    tpu.wait_indirect_dma semaphore(%arg23 : memref<!tpu.dma_semaphore, #tpu.memory_space<semaphore_mem>>) src(%dma_wait3A_118 : memref<1000000xf32, #tpu.memory_space<hbm>>) dst(%arg19 : memref<128xf32, #tpu.memory_space<vmem>>)
    %scan3A_119 = arith.constant 0 : i32
    %scan3A_120 = arith.constant 0 : i32
    %scan3A_121 = arith.constant 8 : i32
    %scan3A_122 = arith.addi %scan3A_120, %scan3A_121 : i32
    %scan3A_123 = arith.constant 1 : i32
    scf.for %scan3A_249 = %scan3A_120 to %scan3A_122 step %scan3A_123  : i32 {
      %mul3A_250 = arith.constant 16 : i32
      %mul3A_251 = arith.muli %scan3A_249, %mul3A_250 : i32
      %add3A_252 = vector.broadcast %mul3A_251 : i32 to vector<16xi32>
      %add3A_253 = arith.addi %iota3A, %add3A_252 : vector<16xi32>
      %broadcast_in_dim3A_254 = arith.constant 0 : i32
      %broadcast_in_dim3A_255 = vector.broadcast %broadcast_in_dim3A_254 : i32 to vector<16xi32>
      %gather3A = tpu.vector_load_idx %arg16[%add3A_253, %broadcast_in_dim3A_255] : memref<128x16xf32, #tpu.memory_space<vmem>>[vector<16xi32>, vector<16xi32>], vector<16xf32>,
      %gather3A_256 = tpu.vector_load_idx %arg17[%add3A_253, %broadcast_in_dim3A_255] : memref<128x16xf32, #tpu.memory_space<vmem>>[vector<16xi32>, vector<16xi32>], vector<16xf32>,
      %mul3A_257 = arith.mulf %gather3A, %gather3A_256 : vector<16xf32>
      %add3A_258 = arith.addf %broadcast_in_dim3A_1, %mul3A_257 : vector<16xf32>
      %broadcast_in_dim3A_259 = arith.constant 1 : i32
      %broadcast_in_dim3A_260 = vector.broadcast %broadcast_in_dim3A_259 : i32 to vector<16xi32>
      %gather3A_261 = tpu.vector_load_idx %arg16[%add3A_253, %broadcast_in_dim3A_260] : memref<128x16xf32, #tpu.memory_space<vmem>>[vector<16xi32>, vector<16xi32>], vector<16xf32>,
      %gather3A_262 = tpu.vector_load_idx %arg17[%add3A_253, %broadcast_in_dim3A_260] : memref<128x16xf32, #tpu.memory_space<vmem>>[vector<16xi32>, vector<16xi32>], vector<16xf32>,
      %mul3A_263 = arith.mulf %gather3A_261, %gather3A_262 : vector<16xf32>
      %add3A_264 = arith.addf %add3A_258, %mul3A_263 : vector<16xf32>
      %broadcast_in_dim3A_265 = arith.constant 2 : i32
      %broadcast_in_dim3A_266 = vector.broadcast %broadcast_in_dim3A_265 : i32 to vector<16xi32>
      %gather3A_267 = tpu.vector_load_idx %arg16[%add3A_253, %broadcast_in_dim3A_266] : memref<128x16xf32, #tpu.memory_space<vmem>>[vector<16xi32>, vector<16xi32>], vector<16xf32>,
      %gather3A_268 = tpu.vector_load_idx %arg17[%add3A_253, %broadcast_in_dim3A_266] : memref<128x16xf32, #tpu.memory_space<vmem>>[vector<16xi32>, vector<16xi32>], vector<16xf32>,
      %mul3A_269 = arith.mulf %gather3A_267, %gather3A_268 : vector<16xf32>
      %add3A_270 = arith.addf %add3A_264, %mul3A_269 : vector<16xf32>
      %broadcast_in_dim3A_271 = arith.constant 3 : i32
      %broadcast_in_dim3A_272 = vector.broadcast %broadcast_in_dim3A_271 : i32 to vector<16xi32>
      %gather3A_273 = tpu.vector_load_idx %arg16[%add3A_253, %broadcast_in_dim3A_272] : memref<128x16xf32, #tpu.memory_space<vmem>>[vector<16xi32>, vector<16xi32>], vector<16xf32>,
      %gather3A_274 = tpu.vector_load_idx %arg17[%add3A_253, %broadcast_in_dim3A_272] : memref<128x16xf32, #tpu.memory_space<vmem>>[vector<16xi32>, vector<16xi32>], vector<16xf32>,
      %mul3A_275 = arith.mulf %gather3A_273, %gather3A_274 : vector<16xf32>
      %add3A_276 = arith.addf %add3A_270, %mul3A_275 : vector<16xf32>
      %broadcast_in_dim3A_277 = arith.constant 4 : i32
      %broadcast_in_dim3A_278 = vector.broadcast %broadcast_in_dim3A_277 : i32 to vector<16xi32>
      %gather3A_279 = tpu.vector_load_idx %arg16[%add3A_253, %broadcast_in_dim3A_278] : memref<128x16xf32, #tpu.memory_space<vmem>>[vector<16xi32>, vector<16xi32>], vector<16xf32>,
      %gather3A_280 = tpu.vector_load_idx %arg17[%add3A_253, %broadcast_in_dim3A_278] : memref<128x16xf32, #tpu.memory_space<vmem>>[vector<16xi32>, vector<16xi32>], vector<16xf32>,
      %mul3A_281 = arith.mulf %gather3A_279, %gather3A_280 : vector<16xf32>
      %add3A_282 = arith.addf %add3A_276, %mul3A_281 : vector<16xf32>
      %broadcast_in_dim3A_283 = arith.constant 5 : i32
      %broadcast_in_dim3A_284 = vector.broadcast %broadcast_in_dim3A_283 : i32 to vector<16xi32>
      %gather3A_285 = tpu.vector_load_idx %arg16[%add3A_253, %broadcast_in_dim3A_284] : memref<128x16xf32, #tpu.memory_space<vmem>>[vector<16xi32>, vector<16xi32>], vector<16xf32>,
      %gather3A_286 = tpu.vector_load_idx %arg17[%add3A_253, %broadcast_in_dim3A_284] : memref<128x16xf32, #tpu.memory_space<vmem>>[vector<16xi32>, vector<16xi32>], vector<16xf32>,
      %mul3A_287 = arith.mulf %gather3A_285, %gather3A_286 : vector<16xf32>
      %add3A_288 = arith.addf %add3A_282, %mul3A_287 : vector<16xf32>
      %broadcast_in_dim3A_289 = arith.constant 6 : i32
      %broadcast_in_dim3A_290 = vector.broadcast %broadcast_in_dim3A_289 : i32 to vector<16xi32>
      %gather3A_291 = tpu.vector_load_idx %arg16[%add3A_253, %broadcast_in_dim3A_290] : memref<128x16xf32, #tpu.memory_space<vmem>>[vector<16xi32>, vector<16xi32>], vector<16xf32>,
      %gather3A_292 = tpu.vector_load_idx %arg17[%add3A_253, %broadcast_in_dim3A_290] : memref<128x16xf32, #tpu.memory_space<vmem>>[vector<16xi32>, vector<16xi32>], vector<16xf32>,
      %mul3A_293 = arith.mulf %gather3A_291, %gather3A_292 : vector<16xf32>
      %add3A_294 = arith.addf %add3A_288, %mul3A_293 : vector<16xf32>
      %broadcast_in_dim3A_295 = arith.constant 7 : i32
      %broadcast_in_dim3A_296 = vector.broadcast %broadcast_in_dim3A_295 : i32 to vector<16xi32>
      %gather3A_297 = tpu.vector_load_idx %arg16[%add3A_253, %broadcast_in_dim3A_296] : memref<128x16xf32, #tpu.memory_space<vmem>>[vector<16xi32>, vector<16xi32>], vector<16xf32>,
      %gather3A_298 = tpu.vector_load_idx %arg17[%add3A_253, %broadcast_in_dim3A_296] : memref<128x16xf32, #tpu.memory_space<vmem>>[vector<16xi32>, vector<16xi32>], vector<16xf32>,
      %mul3A_299 = arith.mulf %gather3A_297, %gather3A_298 : vector<16xf32>
      %add3A_300 = arith.addf %add3A_294, %mul3A_299 : vector<16xf32>
      %broadcast_in_dim3A_301 = arith.constant 8 : i32
      %broadcast_in_dim3A_302 = vector.broadcast %broadcast_in_dim3A_301 : i32 to vector<16xi32>
      %gather3A_303 = tpu.vector_load_idx %arg16[%add3A_253, %broadcast_in_dim3A_302] : memref<128x16xf32, #tpu.memory_space<vmem>>[vector<16xi32>, vector<16xi32>], vector<16xf32>,
      %gather3A_304 = tpu.vector_load_idx %arg17[%add3A_253, %broadcast_in_dim3A_302] : memref<128x16xf32, #tpu.memory_space<vmem>>[vector<16xi32>, vector<16xi32>], vector<16xf32>,
      %mul3A_305 = arith.mulf %gather3A_303, %gather3A_304 : vector<16xf32>
      %add3A_306 = arith.addf %add3A_300, %mul3A_305 : vector<16xf32>
      %broadcast_in_dim3A_307 = arith.constant 9 : i32
      %broadcast_in_dim3A_308 = vector.broadcast %broadcast_in_dim3A_307 : i32 to vector<16xi32>
      %gather3A_309 = tpu.vector_load_idx %arg16[%add3A_253, %broadcast_in_dim3A_308] : memref<128x16xf32, #tpu.memory_space<vmem>>[vector<16xi32>, vector<16xi32>], vector<16xf32>,
      %gather3A_310 = tpu.vector_load_idx %arg17[%add3A_253, %broadcast_in_dim3A_308] : memref<128x16xf32, #tpu.memory_space<vmem>>[vector<16xi32>, vector<16xi32>], vector<16xf32>,
      %mul3A_311 = arith.mulf %gather3A_309, %gather3A_310 : vector<16xf32>
      %add3A_312 = arith.addf %add3A_306, %mul3A_311 : vector<16xf32>
      %broadcast_in_dim3A_313 = arith.constant 10 : i32
      %broadcast_in_dim3A_314 = vector.broadcast %broadcast_in_dim3A_313 : i32 to vector<16xi32>
      %gather3A_315 = tpu.vector_load_idx %arg16[%add3A_253, %broadcast_in_dim3A_314] : memref<128x16xf32, #tpu.memory_space<vmem>>[vector<16xi32>, vector<16xi32>], vector<16xf32>,
      %gather3A_316 = tpu.vector_load_idx %arg17[%add3A_253, %broadcast_in_dim3A_314] : memref<128x16xf32, #tpu.memory_space<vmem>>[vector<16xi32>, vector<16xi32>], vector<16xf32>,
      %mul3A_317 = arith.mulf %gather3A_315, %gather3A_316 : vector<16xf32>
      %add3A_318 = arith.addf %add3A_312, %mul3A_317 : vector<16xf32>
      %broadcast_in_dim3A_319 = arith.constant 11 : i32
      %broadcast_in_dim3A_320 = vector.broadcast %broadcast_in_dim3A_319 : i32 to vector<16xi32>
      %gather3A_321 = tpu.vector_load_idx %arg16[%add3A_253, %broadcast_in_dim3A_320] : memref<128x16xf32, #tpu.memory_space<vmem>>[vector<16xi32>, vector<16xi32>], vector<16xf32>,
      %gather3A_322 = tpu.vector_load_idx %arg17[%add3A_253, %broadcast_in_dim3A_320] : memref<128x16xf32, #tpu.memory_space<vmem>>[vector<16xi32>, vector<16xi32>], vector<16xf32>,
      %mul3A_323 = arith.mulf %gather3A_321, %gather3A_322 : vector<16xf32>
      %add3A_324 = arith.addf %add3A_318, %mul3A_323 : vector<16xf32>
      %broadcast_in_dim3A_325 = arith.constant 12 : i32
      %broadcast_in_dim3A_326 = vector.broadcast %broadcast_in_dim3A_325 : i32 to vector<16xi32>
      %gather3A_327 = tpu.vector_load_idx %arg16[%add3A_253, %broadcast_in_dim3A_326] : memref<128x16xf32, #tpu.memory_space<vmem>>[vector<16xi32>, vector<16xi32>], vector<16xf32>,
      %gather3A_328 = tpu.vector_load_idx %arg17[%add3A_253, %broadcast_in_dim3A_326] : memref<128x16xf32, #tpu.memory_space<vmem>>[vector<16xi32>, vector<16xi32>], vector<16xf32>,
      %mul3A_329 = arith.mulf %gather3A_327, %gather3A_328 : vector<16xf32>
      %add3A_330 = arith.addf %add3A_324, %mul3A_329 : vector<16xf32>
      %broadcast_in_dim3A_331 = arith.constant 13 : i32
      %broadcast_in_dim3A_332 = vector.broadcast %broadcast_in_dim3A_331 : i32 to vector<16xi32>
      %gather3A_333 = tpu.vector_load_idx %arg16[%add3A_253, %broadcast_in_dim3A_332] : memref<128x16xf32, #tpu.memory_space<vmem>>[vector<16xi32>, vector<16xi32>], vector<16xf32>,
      %gather3A_334 = tpu.vector_load_idx %arg17[%add3A_253, %broadcast_in_dim3A_332] : memref<128x16xf32, #tpu.memory_space<vmem>>[vector<16xi32>, vector<16xi32>], vector<16xf32>,
      %mul3A_335 = arith.mulf %gather3A_333, %gather3A_334 : vector<16xf32>
      %add3A_336 = arith.addf %add3A_330, %mul3A_335 : vector<16xf32>
      %broadcast_in_dim3A_337 = arith.constant 14 : i32
      %broadcast_in_dim3A_338 = vector.broadcast %broadcast_in_dim3A_337 : i32 to vector<16xi32>
      %gather3A_339 = tpu.vector_load_idx %arg16[%add3A_253, %broadcast_in_dim3A_338] : memref<128x16xf32, #tpu.memory_space<vmem>>[vector<16xi32>, vector<16xi32>], vector<16xf32>,
      %gather3A_340 = tpu.vector_load_idx %arg17[%add3A_253, %broadcast_in_dim3A_338] : memref<128x16xf32, #tpu.memory_space<vmem>>[vector<16xi32>, vector<16xi32>], vector<16xf32>,
      %mul3A_341 = arith.mulf %gather3A_339, %gather3A_340 : vector<16xf32>
      %add3A_342 = arith.addf %add3A_336, %mul3A_341 : vector<16xf32>
      %broadcast_in_dim3A_343 = arith.constant 15 : i32
      %broadcast_in_dim3A_344 = vector.broadcast %broadcast_in_dim3A_343 : i32 to vector<16xi32>
      %gather3A_345 = tpu.vector_load_idx %arg16[%add3A_253, %broadcast_in_dim3A_344] : memref<128x16xf32, #tpu.memory_space<vmem>>[vector<16xi32>, vector<16xi32>], vector<16xf32>,
      %gather3A_346 = tpu.vector_load_idx %arg17[%add3A_253, %broadcast_in_dim3A_344] : memref<128x16xf32, #tpu.memory_space<vmem>>[vector<16xi32>, vector<16xi32>], vector<16xf32>,
      %mul3A_347 = arith.mulf %gather3A_345, %gather3A_346 : vector<16xf32>
      %add3A_348 = arith.addf %add3A_342, %mul3A_347 : vector<16xf32>
      %get3A = arith.index_cast %mul3A_251 : i32 to index
      %get3A_349 = tpu.vector_load %arg18[%get3A] {strides = array<i32>} : memref<128xf32, #tpu.memory_space<vmem>>, vector<16xf32>,
      %get3A_350 = arith.index_cast %mul3A_251 : i32 to index
      %get3A_351 = tpu.vector_load %arg19[%get3A_350] {strides = array<i32>} : memref<128xf32, #tpu.memory_space<vmem>>, vector<16xf32>,
      %add3A_352 = arith.addf %get3A_349, %get3A_351 : vector<16xf32>
      %add3A_353 = arith.addf %add3A_352, %add3A_348 : vector<16xf32>
      %add3A_354 = arith.constant 0x4B400000 : f32
      %add3A_355 = vector.broadcast %add3A_354 : f32 to vector<16xf32>
      %add3A_356 = arith.addf %add3A_353, %add3A_355 : vector<16xf32>
      %sub3A = arith.constant 0x4B400000 : f32
      %sub3A_357 = vector.broadcast %sub3A : f32 to vector<16xf32>
      %sub3A_358 = arith.subf %add3A_356, %sub3A_357 : vector<16xf32>
      %jit3A = arith.constant 0.000000e+00 : f32
      %jit3A_359 = arith.constant 4.000000e+00 : f32
      %max3A = vector.broadcast %jit3A : f32 to vector<16xf32>
      %max3A_360 = arith.maximumf %max3A, %sub3A_358 : vector<16xf32>
      %min3A = vector.broadcast %jit3A_359 : f32 to vector<16xf32>
      %min3A_361 = arith.minimumf %min3A, %max3A_360 : vector<16xf32>
      %add3A_362 = arith.constant 1.500000e+00 : f32
      %add3A_363 = vector.broadcast %add3A_362 : f32 to vector<16xf32>
      %add3A_364 = arith.addf %min3A_361, %add3A_363 : vector<16xf32>
      %scan3A_365 = arith.constant 0 : i32
      %scan3A_366 = arith.constant 200 : i32
      %scan3A_367 = arith.addi %scan3A_365, %scan3A_366 : i32
      %scan3A_368 = arith.constant 8 : i32
      %scan3A_369 = scf.for %scan3A_429 = %scan3A_365 to %scan3A_367 step %scan3A_368 iter_args(%scan3A_430 = %broadcast_in_dim3A_1) -> (vector<16xf32>)  : i32 {
        %shift_right_arithmetic3A_431 = arith.constant 7 : i32
        %shift_right_arithmetic3A_432 = arith.shrsi %scan3A_429, %shift_right_arithmetic3A_431 : i32
        %broadcast_in_dim3A_433 = vector.broadcast %shift_right_arithmetic3A_432 : i32 to vector<16xi32>
        %and3A_434 = arith.constant 127 : i32
        %and3A_435 = arith.andi %scan3A_429, %and3A_434 : i32
        %broadcast_in_dim3A_436 = vector.broadcast %and3A_435 : i32 to vector<16xi32>
        %gather3A_437 = tpu.vector_load_idx %arg20[%broadcast_in_dim3A_433, %add3A_253, %broadcast_in_dim3A_436] : memref<2x128x128xf32, #tpu.memory_space<vmem>>[vector<16xi32>, vector<16xi32>, vector<16xi32>], vector<16xf32>,
        %sub3A_438 = arith.subf %add3A_364, %gather3A_437 : vector<16xf32>
        %jit3A_439 = arith.constant 0.000000e+00 : f32
        %jit3A_440 = arith.constant 1.000000e+00 : f32
        %max3A_441 = vector.broadcast %jit3A_439 : f32 to vector<16xf32>
        %max3A_442 = arith.maximumf %max3A_441, %sub3A_438 : vector<16xf32>
        %min3A_443 = vector.broadcast %jit3A_440 : f32 to vector<16xf32>
        %min3A_444 = arith.minimumf %min3A_443, %max3A_442 : vector<16xf32>
        %add3A_445 = arith.addf %scan3A_430, %min3A_444 : vector<16xf32>
        %scan3A_446 = arith.constant 1 : i32
        %scan3A_447 = arith.addi %scan3A_429, %scan3A_446 : i32
        %shift_right_arithmetic3A_448 = arith.constant 7 : i32
        %shift_right_arithmetic3A_449 = arith.shrsi %scan3A_447, %shift_right_arithmetic3A_448 : i32
        %broadcast_in_dim3A_450 = vector.broadcast %shift_right_arithmetic3A_449 : i32 to vector<16xi32>
        %and3A_451 = arith.constant 127 : i32
        %and3A_452 = arith.andi %scan3A_447, %and3A_451 : i32
        %broadcast_in_dim3A_453 = vector.broadcast %and3A_452 : i32 to vector<16xi32>
        %gather3A_454 = tpu.vector_load_idx %arg20[%broadcast_in_dim3A_450, %add3A_253, %broadcast_in_dim3A_453] : memref<2x128x128xf32, #tpu.memory_space<vmem>>[vector<16xi32>, vector<16xi32>, vector<16xi32>], vector<16xf32>,
        %sub3A_455 = arith.subf %add3A_364, %gather3A_454 : vector<16xf32>
        %jit3A_456 = arith.constant 0.000000e+00 : f32
        %jit3A_457 = arith.constant 1.000000e+00 : f32
        %max3A_458 = vector.broadcast %jit3A_456 : f32 to vector<16xf32>
        %max3A_459 = arith.maximumf %max3A_458, %sub3A_455 : vector<16xf32>
        %min3A_460 = vector.broadcast %jit3A_457 : f32 to vector<16xf32>
        %min3A_461 = arith.minimumf %min3A_460, %max3A_459 : vector<16xf32>
        %add3A_462 = arith.addf %add3A_445, %min3A_461 : vector<16xf32>
        %scan3A_463 = arith.constant 2 : i32
        %scan3A_464 = arith.addi %scan3A_429, %scan3A_463 : i32
        %shift_right_arithmetic3A_465 = arith.constant 7 : i32
        %shift_right_arithmetic3A_466 = arith.shrsi %scan3A_464, %shift_right_arithmetic3A_465 : i32
        %broadcast_in_dim3A_467 = vector.broadcast %shift_right_arithmetic3A_466 : i32 to vector<16xi32>
        %and3A_468 = arith.constant 127 : i32
        %and3A_469 = arith.andi %scan3A_464, %and3A_468 : i32
        %broadcast_in_dim3A_470 = vector.broadcast %and3A_469 : i32 to vector<16xi32>
        %gather3A_471 = tpu.vector_load_idx %arg20[%broadcast_in_dim3A_467, %add3A_253, %broadcast_in_dim3A_470] : memref<2x128x128xf32, #tpu.memory_space<vmem>>[vector<16xi32>, vector<16xi32>, vector<16xi32>], vector<16xf32>,
        %sub3A_472 = arith.subf %add3A_364, %gather3A_471 : vector<16xf32>
        %jit3A_473 = arith.constant 0.000000e+00 : f32
        %jit3A_474 = arith.constant 1.000000e+00 : f32
        %max3A_475 = vector.broadcast %jit3A_473 : f32 to vector<16xf32>
        %max3A_476 = arith.maximumf %max3A_475, %sub3A_472 : vector<16xf32>
        %min3A_477 = vector.broadcast %jit3A_474 : f32 to vector<16xf32>
        %min3A_478 = arith.minimumf %min3A_477, %max3A_476 : vector<16xf32>
        %add3A_479 = arith.addf %add3A_462, %min3A_478 : vector<16xf32>
        %scan3A_480 = arith.constant 3 : i32
        %scan3A_481 = arith.addi %scan3A_429, %scan3A_480 : i32
        %shift_right_arithmetic3A_482 = arith.constant 7 : i32
        %shift_right_arithmetic3A_483 = arith.shrsi %scan3A_481, %shift_right_arithmetic3A_482 : i32
        %broadcast_in_dim3A_484 = vector.broadcast %shift_right_arithmetic3A_483 : i32 to vector<16xi32>
        %and3A_485 = arith.constant 127 : i32
        %and3A_486 = arith.andi %scan3A_481, %and3A_485 : i32
        %broadcast_in_dim3A_487 = vector.broadcast %and3A_486 : i32 to vector<16xi32>
        %gather3A_488 = tpu.vector_load_idx %arg20[%broadcast_in_dim3A_484, %add3A_253, %broadcast_in_dim3A_487] : memref<2x128x128xf32, #tpu.memory_space<vmem>>[vector<16xi32>, vector<16xi32>, vector<16xi32>], vector<16xf32>,
        %sub3A_489 = arith.subf %add3A_364, %gather3A_488 : vector<16xf32>
        %jit3A_490 = arith.constant 0.000000e+00 : f32
        %jit3A_491 = arith.constant 1.000000e+00 : f32
        %max3A_492 = vector.broadcast %jit3A_490 : f32 to vector<16xf32>
        %max3A_493 = arith.maximumf %max3A_492, %sub3A_489 : vector<16xf32>
        %min3A_494 = vector.broadcast %jit3A_491 : f32 to vector<16xf32>
        %min3A_495 = arith.minimumf %min3A_494, %max3A_493 : vector<16xf32>
        %add3A_496 = arith.addf %add3A_479, %min3A_495 : vector<16xf32>
        %scan3A_497 = arith.constant 4 : i32
        %scan3A_498 = arith.addi %scan3A_429, %scan3A_497 : i32
        %shift_right_arithmetic3A_499 = arith.constant 7 : i32
        %shift_right_arithmetic3A_500 = arith.shrsi %scan3A_498, %shift_right_arithmetic3A_499 : i32
        %broadcast_in_dim3A_501 = vector.broadcast %shift_right_arithmetic3A_500 : i32 to vector<16xi32>
        %and3A_502 = arith.constant 127 : i32
        %and3A_503 = arith.andi %scan3A_498, %and3A_502 : i32
        %broadcast_in_dim3A_504 = vector.broadcast %and3A_503 : i32 to vector<16xi32>
        %gather3A_505 = tpu.vector_load_idx %arg20[%broadcast_in_dim3A_501, %add3A_253, %broadcast_in_dim3A_504] : memref<2x128x128xf32, #tpu.memory_space<vmem>>[vector<16xi32>, vector<16xi32>, vector<16xi32>], vector<16xf32>,
        %sub3A_506 = arith.subf %add3A_364, %gather3A_505 : vector<16xf32>
        %jit3A_507 = arith.constant 0.000000e+00 : f32
        %jit3A_508 = arith.constant 1.000000e+00 : f32
        %max3A_509 = vector.broadcast %jit3A_507 : f32 to vector<16xf32>
        %max3A_510 = arith.maximumf %max3A_509, %sub3A_506 : vector<16xf32>
        %min3A_511 = vector.broadcast %jit3A_508 : f32 to vector<16xf32>
        %min3A_512 = arith.minimumf %min3A_511, %max3A_510 : vector<16xf32>
        %add3A_513 = arith.addf %add3A_496, %min3A_512 : vector<16xf32>
        %scan3A_514 = arith.constant 5 : i32
        %scan3A_515 = arith.addi %scan3A_429, %scan3A_514 : i32
        %shift_right_arithmetic3A_516 = arith.constant 7 : i32
        %shift_right_arithmetic3A_517 = arith.shrsi %scan3A_515, %shift_right_arithmetic3A_516 : i32
        %broadcast_in_dim3A_518 = vector.broadcast %shift_right_arithmetic3A_517 : i32 to vector<16xi32>
        %and3A_519 = arith.constant 127 : i32
        %and3A_520 = arith.andi %scan3A_515, %and3A_519 : i32
        %broadcast_in_dim3A_521 = vector.broadcast %and3A_520 : i32 to vector<16xi32>
        %gather3A_522 = tpu.vector_load_idx %arg20[%broadcast_in_dim3A_518, %add3A_253, %broadcast_in_dim3A_521] : memref<2x128x128xf32, #tpu.memory_space<vmem>>[vector<16xi32>, vector<16xi32>, vector<16xi32>], vector<16xf32>,
        %sub3A_523 = arith.subf %add3A_364, %gather3A_522 : vector<16xf32>
        %jit3A_524 = arith.constant 0.000000e+00 : f32
        %jit3A_525 = arith.constant 1.000000e+00 : f32
        %max3A_526 = vector.broadcast %jit3A_524 : f32 to vector<16xf32>
        %max3A_527 = arith.maximumf %max3A_526, %sub3A_523 : vector<16xf32>
        %min3A_528 = vector.broadcast %jit3A_525 : f32 to vector<16xf32>
        %min3A_529 = arith.minimumf %min3A_528, %max3A_527 : vector<16xf32>
        %add3A_530 = arith.addf %add3A_513, %min3A_529 : vector<16xf32>
        %scan3A_531 = arith.constant 6 : i32
        %scan3A_532 = arith.addi %scan3A_429, %scan3A_531 : i32
        %shift_right_arithmetic3A_533 = arith.constant 7 : i32
        %shift_right_arithmetic3A_534 = arith.shrsi %scan3A_532, %shift_right_arithmetic3A_533 : i32
        %broadcast_in_dim3A_535 = vector.broadcast %shift_right_arithmetic3A_534 : i32 to vector<16xi32>
        %and3A_536 = arith.constant 127 : i32
        %and3A_537 = arith.andi %scan3A_532, %and3A_536 : i32
        %broadcast_in_dim3A_538 = vector.broadcast %and3A_537 : i32 to vector<16xi32>
        %gather3A_539 = tpu.vector_load_idx %arg20[%broadcast_in_dim3A_535, %add3A_253, %broadcast_in_dim3A_538] : memref<2x128x128xf32, #tpu.memory_space<vmem>>[vector<16xi32>, vector<16xi32>, vector<16xi32>], vector<16xf32>,
        %sub3A_540 = arith.subf %add3A_364, %gather3A_539 : vector<16xf32>
        %jit3A_541 = arith.constant 0.000000e+00 : f32
        %jit3A_542 = arith.constant 1.000000e+00 : f32
        %max3A_543 = vector.broadcast %jit3A_541 : f32 to vector<16xf32>
        %max3A_544 = arith.maximumf %max3A_543, %sub3A_540 : vector<16xf32>
        %min3A_545 = vector.broadcast %jit3A_542 : f32 to vector<16xf32>
        %min3A_546 = arith.minimumf %min3A_545, %max3A_544 : vector<16xf32>
        %add3A_547 = arith.addf %add3A_530, %min3A_546 : vector<16xf32>
        %scan3A_548 = arith.constant 7 : i32
        %scan3A_549 = arith.addi %scan3A_429, %scan3A_548 : i32
        %shift_right_arithmetic3A_550 = arith.constant 7 : i32
        %shift_right_arithmetic3A_551 = arith.shrsi %scan3A_549, %shift_right_arithmetic3A_550 : i32
        %broadcast_in_dim3A_552 = vector.broadcast %shift_right_arithmetic3A_551 : i32 to vector<16xi32>
        %and3A_553 = arith.constant 127 : i32
        %and3A_554 = arith.andi %scan3A_549, %and3A_553 : i32
        %broadcast_in_dim3A_555 = vector.broadcast %and3A_554 : i32 to vector<16xi32>
        %gather3A_556 = tpu.vector_load_idx %arg20[%broadcast_in_dim3A_552, %add3A_253, %broadcast_in_dim3A_555] : memref<2x128x128xf32, #tpu.memory_space<vmem>>[vector<16xi32>, vector<16xi32>, vector<16xi32>], vector<16xf32>,
        %sub3A_557 = arith.subf %add3A_364, %gather3A_556 : vector<16xf32>
        %jit3A_558 = arith.constant 0.000000e+00 : f32
        %jit3A_559 = arith.constant 1.000000e+00 : f32
        %max3A_560 = vector.broadcast %jit3A_558 : f32 to vector<16xf32>
        %max3A_561 = arith.maximumf %max3A_560, %sub3A_557 : vector<16xf32>
        %min3A_562 = vector.broadcast %jit3A_559 : f32 to vector<16xf32>
        %min3A_563 = arith.minimumf %min3A_562, %max3A_561 : vector<16xf32>
        %add3A_564 = arith.addf %add3A_547, %min3A_563 : vector<16xf32>
        scf.yield %add3A_564 : vector<16xf32>
      }
      %scan3A_370 = arith.constant 200 : i32
      %get3A_371 = arith.index_cast %mul3A_251 : i32 to index
      %get3A_372 = tpu.vector_load %arg15[%get3A_371] {strides = array<i32>} : memref<128xi32, #tpu.memory_space<vmem>>, vector<16xi32>,
      %shift_right_arithmetic3A = arith.constant 7 : i32
      %shift_right_arithmetic3A_373 = vector.broadcast %shift_right_arithmetic3A : i32 to vector<16xi32>
      %shift_right_arithmetic3A_374 = arith.shrsi %get3A_372, %shift_right_arithmetic3A_373 : vector<16xi32>
      %and3A = arith.constant 127 : i32
      %and3A_375 = vector.broadcast %and3A : i32 to vector<16xi32>
      %and3A_376 = arith.andi %get3A_372, %and3A_375 : vector<16xi32>
      %gather3A_377 = tpu.vector_load_idx %arg20[%shift_right_arithmetic3A_374, %add3A_253, %and3A_376] : memref<2x128x128xf32, #tpu.memory_space<vmem>>[vector<16xi32>, vector<16xi32>, vector<16xi32>], vector<16xf32>,
      %sub3A_378 = arith.subf %add3A_364, %gather3A_377 : vector<16xf32>
      %jit3A_379 = arith.constant 0.000000e+00 : f32
      %jit3A_380 = arith.constant 1.000000e+00 : f32
      %max3A_381 = vector.broadcast %jit3A_379 : f32 to vector<16xf32>
      %max3A_382 = arith.maximumf %max3A_381, %sub3A_378 : vector<16xf32>
      %min3A_383 = vector.broadcast %jit3A_380 : f32 to vector<16xf32>
      %min3A_384 = arith.minimumf %min3A_383, %max3A_382 : vector<16xf32>
      %sub3A_385 = arith.subf %scan3A_369, %min3A_384 : vector<16xf32>
      %sub3A_386 = arith.constant 1.000000e+00 : f32
      %sub3A_387 = vector.broadcast %sub3A_386 : f32 to vector<16xf32>
      %sub3A_388 = arith.subf %add3A_353, %sub3A_387 : vector<16xf32>
      %div3A = arith.constant 8.000000e-01 : f32
      %div3A_389 = vector.broadcast %div3A : f32 to vector<16xf32>
      %div3A_390 = arith.divf %sub3A_388, %div3A_389 : vector<16xf32>
      %convert_element_type3A = arith.fptosi %div3A_390 : vector<16xf32> to vector<16xi32>
      %convert_element_type3A_391 = arith.sitofp %convert_element_type3A : vector<16xi32> to vector<16xf32>
      %gt3A = arith.cmpf ogt, %convert_element_type3A_391, %div3A_390 : vector<16xf32>
      %jit3A_392 = arith.constant 1 : i32
      %jit3A_393 = arith.constant 0 : i32
      %broadcast_in_dim3A_394 = vector.broadcast %jit3A_392 : i32 to vector<16xi32>
      %broadcast_in_dim3A_395 = vector.broadcast %jit3A_393 : i32 to vector<16xi32>
      %select_n3A = arith.select %gt3A, %broadcast_in_dim3A_394, %broadcast_in_dim3A_395 : vector<16xi1>, vector<16xi32>
      %sub3A_396 = arith.subi %convert_element_type3A, %select_n3A : vector<16xi32>
      %jit3A_397 = arith.constant 0 : i32
      %jit3A_398 = arith.constant 4 : i32
      %max3A_399 = vector.broadcast %jit3A_397 : i32 to vector<16xi32>
      %max3A_400 = arith.maxsi %max3A_399, %sub3A_396 : vector<16xi32>
      %min3A_401 = vector.broadcast %jit3A_398 : i32 to vector<16xi32>
      %min3A_402 = arith.minsi %min3A_401, %max3A_400 : vector<16xi32>
      %convert_element_type3A_403 = arith.sitofp %min3A_402 : vector<16xi32> to vector<16xf32>
      %ge3A = arith.constant 1.000000e+00 : f32
      %ge3A_404 = vector.broadcast %ge3A : f32 to vector<16xf32>
      %ge3A_405 = arith.cmpf oge, %add3A_353, %ge3A_404 : vector<16xf32>
      %le3A = arith.constant 5.000000e+00 : f32
      %le3A_406 = vector.broadcast %le3A : f32 to vector<16xf32>
      %le3A_407 = arith.cmpf ole, %add3A_353, %le3A_406 : vector<16xf32>
      %and3A_408 = arith.andi %ge3A_405, %le3A_407 : vector<16xi1>
      %jit3A_409 = arith.constant 1.000000e+00 : f32
      %jit3A_410 = arith.constant 0.000000e+00 : f32
      %broadcast_in_dim3A_411 = vector.broadcast %jit3A_409 : f32 to vector<16xf32>
      %broadcast_in_dim3A_412 = vector.broadcast %jit3A_410 : f32 to vector<16xf32>
      %select_n3A_413 = arith.select %and3A_408, %broadcast_in_dim3A_411, %broadcast_in_dim3A_412 : vector<16xi1>, vector<16xf32>
      %add3A_414 = arith.constant 5.000000e-01 : f32
      %add3A_415 = vector.broadcast %add3A_414 : f32 to vector<16xf32>
      %add3A_416 = arith.addf %min3A_361, %add3A_415 : vector<16xf32>
      %sub3A_417 = arith.subf %add3A_416, %convert_element_type3A_403 : vector<16xf32>
      %jit3A_418 = arith.constant 0.000000e+00 : f32
      %jit3A_419 = arith.constant 1.000000e+00 : f32
      %max3A_420 = vector.broadcast %jit3A_418 : f32 to vector<16xf32>
      %max3A_421 = arith.maximumf %max3A_420, %sub3A_417 : vector<16xf32>
      %min3A_422 = vector.broadcast %jit3A_419 : f32 to vector<16xf32>
      %min3A_423 = arith.minimumf %min3A_422, %max3A_421 : vector<16xf32>
      %mul3A_424 = arith.mulf %select_n3A_413, %min3A_423 : vector<16xf32>
      %add3A_425 = arith.addf %sub3A_385, %mul3A_424 : vector<16xf32>
      %swap3A = arith.index_cast %mul3A_251 : i32 to index
      %swap3A_426 = tpu.vector_load %arg21[%swap3A] {strides = array<i32>} : memref<128xf32, #tpu.memory_space<vmem>>, vector<16xf32>,
      tpu.vector_store %arg21[%swap3A], %add3A_353 {strides = array<i32>} : memref<128xf32, #tpu.memory_space<vmem>>, vector<16xf32>,
      %swap3A_427 = arith.index_cast %mul3A_251 : i32 to index
      %swap3A_428 = tpu.vector_load %arg22[%swap3A_427] {strides = array<i32>} : memref<128xf32, #tpu.memory_space<vmem>>, vector<16xf32>,
      tpu.vector_store %arg22[%swap3A_427], %add3A_425 {strides = array<i32>} : memref<128xf32, #tpu.memory_space<vmem>>, vector<16xf32>,
    }
    %scan3A_124 = arith.constant 8 : i32
    "tpu.region"() ({
      %run_scoped3A = tpu.sem_alloc : memref<!tpu.dma_semaphore, #tpu.memory_space<semaphore_mem>>
      %dma_start3A_249 = tpu.memref_slice %arg11[%add3A_66] : memref<16384xf32, #tpu.memory_space<hbm>> -> memref<128xf32, #tpu.memory_space<hbm>>
      %dma_start3A_250 = tpu.memref_slice %arg11[%add3A_66] : memref<16384xf32, #tpu.memory_space<hbm>> -> memref<128xf32, #tpu.memory_space<hbm>>
      tpu.enqueue_dma source(%arg21 : memref<128xf32, #tpu.memory_space<vmem>>) target(%dma_start3A_250 : memref<128xf32, #tpu.memory_space<hbm>>) target_semaphore(%run_scoped3A : memref<!tpu.dma_semaphore, #tpu.memory_space<semaphore_mem>>)
      %dma_wait3A_251 = tpu.memref_slice %arg11[%add3A_66] : memref<16384xf32, #tpu.memory_space<hbm>> -> memref<128xf32, #tpu.memory_space<hbm>>
      %dma_wait3A_252 = tpu.memref_slice %arg11[%add3A_66] : memref<16384xf32, #tpu.memory_space<hbm>> -> memref<128xf32, #tpu.memory_space<hbm>>
      tpu.wait_dma2 semaphore(%run_scoped3A : memref<!tpu.dma_semaphore, #tpu.memory_space<semaphore_mem>>) src(%arg21 : memref<128xf32, #tpu.memory_space<vmem>>) dst(%dma_wait3A_252 : memref<128xf32, #tpu.memory_space<hbm>>)
      tpu.yield
    }) : () -> ()
    "tpu.region"() ({
      %run_scoped3A = tpu.sem_alloc : memref<!tpu.dma_semaphore, #tpu.memory_space<semaphore_mem>>
      %dma_start3A_249 = tpu.memref_slice %arg12[%add3A_66] : memref<16384xf32, #tpu.memory_space<hbm>> -> memref<128xf32, #tpu.memory_space<hbm>>
      %dma_start3A_250 = tpu.memref_slice %arg12[%add3A_66] : memref<16384xf32, #tpu.memory_space<hbm>> -> memref<128xf32, #tpu.memory_space<hbm>>
      tpu.enqueue_dma source(%arg22 : memref<128xf32, #tpu.memory_space<vmem>>) target(%dma_start3A_250 : memref<128xf32, #tpu.memory_space<hbm>>) target_semaphore(%run_scoped3A : memref<!tpu.dma_semaphore, #tpu.memory_space<semaphore_mem>>)
      %dma_wait3A_251 = tpu.memref_slice %arg12[%add3A_66] : memref<16384xf32, #tpu.memory_space<hbm>> -> memref<128xf32, #tpu.memory_space<hbm>>
      %dma_wait3A_252 = tpu.memref_slice %arg12[%add3A_66] : memref<16384xf32, #tpu.memory_space<hbm>> -> memref<128xf32, #tpu.memory_space<hbm>>
      tpu.wait_dma2 semaphore(%run_scoped3A : memref<!tpu.dma_semaphore, #tpu.memory_space<semaphore_mem>>) src(%arg22 : memref<128xf32, #tpu.memory_space<vmem>>) dst(%dma_wait3A_252 : memref<128xf32, #tpu.memory_space<hbm>>)
      tpu.yield
    }) : () -> ()
    %mul3A_125 = arith.constant 512 : i32
    %mul3A_126 = arith.muli %add3A, %mul3A_125 : i32
    %add3A_127 = arith.constant 256 : i32
    %add3A_128 = arith.addi %mul3A_126, %add3A_127 : i32
    "tpu.region"() ({
      %run_scoped3A = tpu.sem_alloc : memref<!tpu.dma_semaphore, #tpu.memory_space<semaphore_mem>>
      %dma_start3A_249 = tpu.memref_slice %arg2[%add3A_128] : memref<16384xi32, #tpu.memory_space<hbm>> -> memref<128xi32, #tpu.memory_space<hbm>>
      %dma_start3A_250 = tpu.memref_slice %arg2[%add3A_128] : memref<16384xi32, #tpu.memory_space<hbm>> -> memref<128xi32, #tpu.memory_space<hbm>>
      tpu.enqueue_dma source(%dma_start3A_250 : memref<128xi32, #tpu.memory_space<hbm>>) target(%arg13 : memref<128xi32, #tpu.memory_space<vmem>>) target_semaphore(%run_scoped3A : memref<!tpu.dma_semaphore, #tpu.memory_space<semaphore_mem>>)
      %dma_wait3A_251 = tpu.memref_slice %arg2[%add3A_128] : memref<16384xi32, #tpu.memory_space<hbm>> -> memref<128xi32, #tpu.memory_space<hbm>>
      %dma_wait3A_252 = tpu.memref_slice %arg2[%add3A_128] : memref<16384xi32, #tpu.memory_space<hbm>> -> memref<128xi32, #tpu.memory_space<hbm>>
      tpu.wait_dma2 semaphore(%run_scoped3A : memref<!tpu.dma_semaphore, #tpu.memory_space<semaphore_mem>>) src(%dma_wait3A_252 : memref<128xi32, #tpu.memory_space<hbm>>) dst(%arg13 : memref<128xi32, #tpu.memory_space<vmem>>)
      tpu.yield
    }) : () -> ()
    "tpu.region"() ({
      %run_scoped3A = tpu.sem_alloc : memref<!tpu.dma_semaphore, #tpu.memory_space<semaphore_mem>>
      %dma_start3A_249 = tpu.memref_slice %arg3[%add3A_128] : memref<16384xi32, #tpu.memory_space<hbm>> -> memref<128xi32, #tpu.memory_space<hbm>>
      %dma_start3A_250 = tpu.memref_slice %arg3[%add3A_128] : memref<16384xi32, #tpu.memory_space<hbm>> -> memref<128xi32, #tpu.memory_space<hbm>>
      tpu.enqueue_dma source(%dma_start3A_250 : memref<128xi32, #tpu.memory_space<hbm>>) target(%arg14 : memref<128xi32, #tpu.memory_space<vmem>>) target_semaphore(%run_scoped3A : memref<!tpu.dma_semaphore, #tpu.memory_space<semaphore_mem>>)
      %dma_wait3A_251 = tpu.memref_slice %arg3[%add3A_128] : memref<16384xi32, #tpu.memory_space<hbm>> -> memref<128xi32, #tpu.memory_space<hbm>>
      %dma_wait3A_252 = tpu.memref_slice %arg3[%add3A_128] : memref<16384xi32, #tpu.memory_space<hbm>> -> memref<128xi32, #tpu.memory_space<hbm>>
      tpu.wait_dma2 semaphore(%run_scoped3A : memref<!tpu.dma_semaphore, #tpu.memory_space<semaphore_mem>>) src(%dma_wait3A_252 : memref<128xi32, #tpu.memory_space<hbm>>) dst(%arg14 : memref<128xi32, #tpu.memory_space<vmem>>)
      tpu.yield
    }) : () -> ()
    "tpu.region"() ({
      %run_scoped3A = tpu.sem_alloc : memref<!tpu.dma_semaphore, #tpu.memory_space<semaphore_mem>>
      %dma_start3A_249 = tpu.memref_slice %arg4[%add3A_128] : memref<16384xi32, #tpu.memory_space<hbm>> -> memref<128xi32, #tpu.memory_space<hbm>>
      %dma_start3A_250 = tpu.memref_slice %arg4[%add3A_128] : memref<16384xi32, #tpu.memory_space<hbm>> -> memref<128xi32, #tpu.memory_space<hbm>>
      tpu.enqueue_dma source(%dma_start3A_250 : memref<128xi32, #tpu.memory_space<hbm>>) target(%arg15 : memref<128xi32, #tpu.memory_space<vmem>>) target_semaphore(%run_scoped3A : memref<!tpu.dma_semaphore, #tpu.memory_space<semaphore_mem>>)
      %dma_wait3A_251 = tpu.memref_slice %arg4[%add3A_128] : memref<16384xi32, #tpu.memory_space<hbm>> -> memref<128xi32, #tpu.memory_space<hbm>>
      %dma_wait3A_252 = tpu.memref_slice %arg4[%add3A_128] : memref<16384xi32, #tpu.memory_space<hbm>> -> memref<128xi32, #tpu.memory_space<hbm>>
      tpu.wait_dma2 semaphore(%run_scoped3A : memref<!tpu.dma_semaphore, #tpu.memory_space<semaphore_mem>>) src(%dma_wait3A_252 : memref<128xi32, #tpu.memory_space<hbm>>) dst(%arg15 : memref<128xi32, #tpu.memory_space<vmem>>)
      tpu.yield
    }) : () -> ()
    %dma_start3A_129 = arith.constant 0 : i32
    %dma_start3A_130 = arith.constant 0 : i32
    %dma_start3A_131 = arith.constant 0 : i32
    %dma_start3A_132 = tpu.memref_slice %arg20[%dma_start3A_129, %dma_start3A_130, %dma_start3A_131] : memref<2x128x128xf32, #tpu.memory_space<vmem>> -> memref<1x128x128xf32, #tpu.memory_space<vmem>>
    %dma_start3A_133 = tpu.memref_squeeze %dma_start3A_132 : memref<1x128x128xf32, #tpu.memory_space<vmem>> -> memref<128x128xf32, #tpu.memory_space<vmem>>
    %dma_start3A_134 = arith.constant 0 : i32
    %dma_start3A_135 = arith.constant 0 : i32
    %dma_start3A_136 = tpu.memref_slice %arg9[%dma_start3A_134, %dma_start3A_135] : memref<100000x128xf32, #tpu.memory_space<hbm>> -> memref<100000x128xf32, #tpu.memory_space<hbm>>
    tpu.enqueue_indirect_dma source(%dma_start3A_136 : memref<100000x128xf32, #tpu.memory_space<hbm>>) target(%dma_start3A_133 : memref<128x128xf32, #tpu.memory_space<vmem>>) offsets(%arg13 : memref<128xi32, #tpu.memory_space<vmem>>) semaphore(%arg23 : memref<!tpu.dma_semaphore, #tpu.memory_space<semaphore_mem>>)
    %dma_start3A_137 = arith.constant 1 : i32
    %dma_start3A_138 = arith.constant 0 : i32
    %dma_start3A_139 = arith.constant 0 : i32
    %dma_start3A_140 = tpu.memref_slice %arg20[%dma_start3A_137, %dma_start3A_138, %dma_start3A_139] : memref<2x128x128xf32, #tpu.memory_space<vmem>> -> memref<1x128x128xf32, #tpu.memory_space<vmem>>
    %dma_start3A_141 = tpu.memref_squeeze %dma_start3A_140 : memref<1x128x128xf32, #tpu.memory_space<vmem>> -> memref<128x128xf32, #tpu.memory_space<vmem>>
    %dma_start3A_142 = arith.constant 0 : i32
    %dma_start3A_143 = arith.constant 0 : i32
    %dma_start3A_144 = tpu.memref_slice %arg10[%dma_start3A_142, %dma_start3A_143] : memref<100000x128xf32, #tpu.memory_space<hbm>> -> memref<100000x128xf32, #tpu.memory_space<hbm>>
    tpu.enqueue_indirect_dma source(%dma_start3A_144 : memref<100000x128xf32, #tpu.memory_space<hbm>>) target(%dma_start3A_141 : memref<128x128xf32, #tpu.memory_space<vmem>>) offsets(%arg13 : memref<128xi32, #tpu.memory_space<vmem>>) semaphore(%arg23 : memref<!tpu.dma_semaphore, #tpu.memory_space<semaphore_mem>>)
    %dma_start3A_145 = arith.constant 0 : i32
    %dma_start3A_146 = arith.constant 0 : i32
    %dma_start3A_147 = tpu.memref_slice %arg5[%dma_start3A_145, %dma_start3A_146] : memref<100000x16xf32, #tpu.memory_space<hbm>> -> memref<100000x16xf32, #tpu.memory_space<hbm>>
    tpu.enqueue_indirect_dma source(%dma_start3A_147 : memref<100000x16xf32, #tpu.memory_space<hbm>>) target(%arg16 : memref<128x16xf32, #tpu.memory_space<vmem>>) offsets(%arg13 : memref<128xi32, #tpu.memory_space<vmem>>) semaphore(%arg23 : memref<!tpu.dma_semaphore, #tpu.memory_space<semaphore_mem>>)
    %dma_start3A_148 = arith.constant 0 : i32
    %dma_start3A_149 = arith.constant 0 : i32
    %dma_start3A_150 = tpu.memref_slice %arg6[%dma_start3A_148, %dma_start3A_149] : memref<1000000x16xf32, #tpu.memory_space<hbm>> -> memref<1000000x16xf32, #tpu.memory_space<hbm>>
    tpu.enqueue_indirect_dma source(%dma_start3A_150 : memref<1000000x16xf32, #tpu.memory_space<hbm>>) target(%arg17 : memref<128x16xf32, #tpu.memory_space<vmem>>) offsets(%arg14 : memref<128xi32, #tpu.memory_space<vmem>>) semaphore(%arg23 : memref<!tpu.dma_semaphore, #tpu.memory_space<semaphore_mem>>)
    %dma_start3A_151 = arith.constant 0 : i32
    %dma_start3A_152 = tpu.memref_slice %arg7[%dma_start3A_151] : memref<100000xf32, #tpu.memory_space<hbm>> -> memref<100000xf32, #tpu.memory_space<hbm>>
    tpu.enqueue_indirect_dma source(%dma_start3A_152 : memref<100000xf32, #tpu.memory_space<hbm>>) target(%arg18 : memref<128xf32, #tpu.memory_space<vmem>>) offsets(%arg13 : memref<128xi32, #tpu.memory_space<vmem>>) semaphore(%arg23 : memref<!tpu.dma_semaphore, #tpu.memory_space<semaphore_mem>>)
    %dma_start3A_153 = arith.constant 0 : i32
    %dma_start3A_154 = tpu.memref_slice %arg8[%dma_start3A_153] : memref<1000000xf32, #tpu.memory_space<hbm>> -> memref<1000000xf32, #tpu.memory_space<hbm>>
    tpu.enqueue_indirect_dma source(%dma_start3A_154 : memref<1000000xf32, #tpu.memory_space<hbm>>) target(%arg19 : memref<128xf32, #tpu.memory_space<vmem>>) offsets(%arg14 : memref<128xi32, #tpu.memory_space<vmem>>) semaphore(%arg23 : memref<!tpu.dma_semaphore, #tpu.memory_space<semaphore_mem>>)
    %dma_wait3A_155 = arith.constant 0 : i32
    %dma_wait3A_156 = arith.constant 0 : i32
    %dma_wait3A_157 = arith.constant 0 : i32
    %dma_wait3A_158 = tpu.memref_slice %arg20[%dma_wait3A_155, %dma_wait3A_156, %dma_wait3A_157] : memref<2x128x128xf32, #tpu.memory_space<vmem>> -> memref<1x128x128xf32, #tpu.memory_space<vmem>>
    %dma_wait3A_159 = tpu.memref_squeeze %dma_wait3A_158 : memref<1x128x128xf32, #tpu.memory_space<vmem>> -> memref<128x128xf32, #tpu.memory_space<vmem>>
    %dma_wait3A_160 = arith.constant 0 : i32
    %dma_wait3A_161 = arith.constant 0 : i32
    %dma_wait3A_162 = tpu.memref_slice %arg9[%dma_wait3A_160, %dma_wait3A_161] : memref<100000x128xf32, #tpu.memory_space<hbm>> -> memref<100000x128xf32, #tpu.memory_space<hbm>>
    tpu.wait_indirect_dma semaphore(%arg23 : memref<!tpu.dma_semaphore, #tpu.memory_space<semaphore_mem>>) src(%dma_wait3A_162 : memref<100000x128xf32, #tpu.memory_space<hbm>>) dst(%dma_wait3A_159 : memref<128x128xf32, #tpu.memory_space<vmem>>)
    %dma_wait3A_163 = arith.constant 1 : i32
    %dma_wait3A_164 = arith.constant 0 : i32
    %dma_wait3A_165 = arith.constant 0 : i32
    %dma_wait3A_166 = tpu.memref_slice %arg20[%dma_wait3A_163, %dma_wait3A_164, %dma_wait3A_165] : memref<2x128x128xf32, #tpu.memory_space<vmem>> -> memref<1x128x128xf32, #tpu.memory_space<vmem>>
    %dma_wait3A_167 = tpu.memref_squeeze %dma_wait3A_166 : memref<1x128x128xf32, #tpu.memory_space<vmem>> -> memref<128x128xf32, #tpu.memory_space<vmem>>
    %dma_wait3A_168 = arith.constant 0 : i32
    %dma_wait3A_169 = arith.constant 0 : i32
    %dma_wait3A_170 = tpu.memref_slice %arg10[%dma_wait3A_168, %dma_wait3A_169] : memref<100000x128xf32, #tpu.memory_space<hbm>> -> memref<100000x128xf32, #tpu.memory_space<hbm>>
    tpu.wait_indirect_dma semaphore(%arg23 : memref<!tpu.dma_semaphore, #tpu.memory_space<semaphore_mem>>) src(%dma_wait3A_170 : memref<100000x128xf32, #tpu.memory_space<hbm>>) dst(%dma_wait3A_167 : memref<128x128xf32, #tpu.memory_space<vmem>>)
    %dma_wait3A_171 = arith.constant 0 : i32
    %dma_wait3A_172 = arith.constant 0 : i32
    %dma_wait3A_173 = tpu.memref_slice %arg5[%dma_wait3A_171, %dma_wait3A_172] : memref<100000x16xf32, #tpu.memory_space<hbm>> -> memref<100000x16xf32, #tpu.memory_space<hbm>>
    tpu.wait_indirect_dma semaphore(%arg23 : memref<!tpu.dma_semaphore, #tpu.memory_space<semaphore_mem>>) src(%dma_wait3A_173 : memref<100000x16xf32, #tpu.memory_space<hbm>>) dst(%arg16 : memref<128x16xf32, #tpu.memory_space<vmem>>)
    %dma_wait3A_174 = arith.constant 0 : i32
    %dma_wait3A_175 = arith.constant 0 : i32
    %dma_wait3A_176 = tpu.memref_slice %arg6[%dma_wait3A_174, %dma_wait3A_175] : memref<1000000x16xf32, #tpu.memory_space<hbm>> -> memref<1000000x16xf32, #tpu.memory_space<hbm>>
    tpu.wait_indirect_dma semaphore(%arg23 : memref<!tpu.dma_semaphore, #tpu.memory_space<semaphore_mem>>) src(%dma_wait3A_176 : memref<1000000x16xf32, #tpu.memory_space<hbm>>) dst(%arg17 : memref<128x16xf32, #tpu.memory_space<vmem>>)
    %dma_wait3A_177 = arith.constant 0 : i32
    %dma_wait3A_178 = tpu.memref_slice %arg7[%dma_wait3A_177] : memref<100000xf32, #tpu.memory_space<hbm>> -> memref<100000xf32, #tpu.memory_space<hbm>>
    tpu.wait_indirect_dma semaphore(%arg23 : memref<!tpu.dma_semaphore, #tpu.memory_space<semaphore_mem>>) src(%dma_wait3A_178 : memref<100000xf32, #tpu.memory_space<hbm>>) dst(%arg18 : memref<128xf32, #tpu.memory_space<vmem>>)
    %dma_wait3A_179 = arith.constant 0 : i32
    %dma_wait3A_180 = tpu.memref_slice %arg8[%dma_wait3A_179] : memref<1000000xf32, #tpu.memory_space<hbm>> -> memref<1000000xf32, #tpu.memory_space<hbm>>
    tpu.wait_indirect_dma semaphore(%arg23 : memref<!tpu.dma_semaphore, #tpu.memory_space<semaphore_mem>>) src(%dma_wait3A_180 : memref<1000000xf32, #tpu.memory_space<hbm>>) dst(%arg19 : memref<128xf32, #tpu.memory_space<vmem>>)
    %scan3A_181 = arith.constant 0 : i32
    %scan3A_182 = arith.constant 0 : i32
    %scan3A_183 = arith.constant 8 : i32
    %scan3A_184 = arith.addi %scan3A_182, %scan3A_183 : i32
    %scan3A_185 = arith.constant 1 : i32
    scf.for %scan3A_249 = %scan3A_182 to %scan3A_184 step %scan3A_185  : i32 {
      %mul3A_250 = arith.constant 16 : i32
      %mul3A_251 = arith.muli %scan3A_249, %mul3A_250 : i32
      %add3A_252 = vector.broadcast %mul3A_251 : i32 to vector<16xi32>
      %add3A_253 = arith.addi %iota3A, %add3A_252 : vector<16xi32>
      %broadcast_in_dim3A_254 = arith.constant 0 : i32
      %broadcast_in_dim3A_255 = vector.broadcast %broadcast_in_dim3A_254 : i32 to vector<16xi32>
      %gather3A = tpu.vector_load_idx %arg16[%add3A_253, %broadcast_in_dim3A_255] : memref<128x16xf32, #tpu.memory_space<vmem>>[vector<16xi32>, vector<16xi32>], vector<16xf32>,
      %gather3A_256 = tpu.vector_load_idx %arg17[%add3A_253, %broadcast_in_dim3A_255] : memref<128x16xf32, #tpu.memory_space<vmem>>[vector<16xi32>, vector<16xi32>], vector<16xf32>,
      %mul3A_257 = arith.mulf %gather3A, %gather3A_256 : vector<16xf32>
      %add3A_258 = arith.addf %broadcast_in_dim3A_1, %mul3A_257 : vector<16xf32>
      %broadcast_in_dim3A_259 = arith.constant 1 : i32
      %broadcast_in_dim3A_260 = vector.broadcast %broadcast_in_dim3A_259 : i32 to vector<16xi32>
      %gather3A_261 = tpu.vector_load_idx %arg16[%add3A_253, %broadcast_in_dim3A_260] : memref<128x16xf32, #tpu.memory_space<vmem>>[vector<16xi32>, vector<16xi32>], vector<16xf32>,
      %gather3A_262 = tpu.vector_load_idx %arg17[%add3A_253, %broadcast_in_dim3A_260] : memref<128x16xf32, #tpu.memory_space<vmem>>[vector<16xi32>, vector<16xi32>], vector<16xf32>,
      %mul3A_263 = arith.mulf %gather3A_261, %gather3A_262 : vector<16xf32>
      %add3A_264 = arith.addf %add3A_258, %mul3A_263 : vector<16xf32>
      %broadcast_in_dim3A_265 = arith.constant 2 : i32
      %broadcast_in_dim3A_266 = vector.broadcast %broadcast_in_dim3A_265 : i32 to vector<16xi32>
      %gather3A_267 = tpu.vector_load_idx %arg16[%add3A_253, %broadcast_in_dim3A_266] : memref<128x16xf32, #tpu.memory_space<vmem>>[vector<16xi32>, vector<16xi32>], vector<16xf32>,
      %gather3A_268 = tpu.vector_load_idx %arg17[%add3A_253, %broadcast_in_dim3A_266] : memref<128x16xf32, #tpu.memory_space<vmem>>[vector<16xi32>, vector<16xi32>], vector<16xf32>,
      %mul3A_269 = arith.mulf %gather3A_267, %gather3A_268 : vector<16xf32>
      %add3A_270 = arith.addf %add3A_264, %mul3A_269 : vector<16xf32>
      %broadcast_in_dim3A_271 = arith.constant 3 : i32
      %broadcast_in_dim3A_272 = vector.broadcast %broadcast_in_dim3A_271 : i32 to vector<16xi32>
      %gather3A_273 = tpu.vector_load_idx %arg16[%add3A_253, %broadcast_in_dim3A_272] : memref<128x16xf32, #tpu.memory_space<vmem>>[vector<16xi32>, vector<16xi32>], vector<16xf32>,
      %gather3A_274 = tpu.vector_load_idx %arg17[%add3A_253, %broadcast_in_dim3A_272] : memref<128x16xf32, #tpu.memory_space<vmem>>[vector<16xi32>, vector<16xi32>], vector<16xf32>,
      %mul3A_275 = arith.mulf %gather3A_273, %gather3A_274 : vector<16xf32>
      %add3A_276 = arith.addf %add3A_270, %mul3A_275 : vector<16xf32>
      %broadcast_in_dim3A_277 = arith.constant 4 : i32
      %broadcast_in_dim3A_278 = vector.broadcast %broadcast_in_dim3A_277 : i32 to vector<16xi32>
      %gather3A_279 = tpu.vector_load_idx %arg16[%add3A_253, %broadcast_in_dim3A_278] : memref<128x16xf32, #tpu.memory_space<vmem>>[vector<16xi32>, vector<16xi32>], vector<16xf32>,
      %gather3A_280 = tpu.vector_load_idx %arg17[%add3A_253, %broadcast_in_dim3A_278] : memref<128x16xf32, #tpu.memory_space<vmem>>[vector<16xi32>, vector<16xi32>], vector<16xf32>,
      %mul3A_281 = arith.mulf %gather3A_279, %gather3A_280 : vector<16xf32>
      %add3A_282 = arith.addf %add3A_276, %mul3A_281 : vector<16xf32>
      %broadcast_in_dim3A_283 = arith.constant 5 : i32
      %broadcast_in_dim3A_284 = vector.broadcast %broadcast_in_dim3A_283 : i32 to vector<16xi32>
      %gather3A_285 = tpu.vector_load_idx %arg16[%add3A_253, %broadcast_in_dim3A_284] : memref<128x16xf32, #tpu.memory_space<vmem>>[vector<16xi32>, vector<16xi32>], vector<16xf32>,
      %gather3A_286 = tpu.vector_load_idx %arg17[%add3A_253, %broadcast_in_dim3A_284] : memref<128x16xf32, #tpu.memory_space<vmem>>[vector<16xi32>, vector<16xi32>], vector<16xf32>,
      %mul3A_287 = arith.mulf %gather3A_285, %gather3A_286 : vector<16xf32>
      %add3A_288 = arith.addf %add3A_282, %mul3A_287 : vector<16xf32>
      %broadcast_in_dim3A_289 = arith.constant 6 : i32
      %broadcast_in_dim3A_290 = vector.broadcast %broadcast_in_dim3A_289 : i32 to vector<16xi32>
      %gather3A_291 = tpu.vector_load_idx %arg16[%add3A_253, %broadcast_in_dim3A_290] : memref<128x16xf32, #tpu.memory_space<vmem>>[vector<16xi32>, vector<16xi32>], vector<16xf32>,
      %gather3A_292 = tpu.vector_load_idx %arg17[%add3A_253, %broadcast_in_dim3A_290] : memref<128x16xf32, #tpu.memory_space<vmem>>[vector<16xi32>, vector<16xi32>], vector<16xf32>,
      %mul3A_293 = arith.mulf %gather3A_291, %gather3A_292 : vector<16xf32>
      %add3A_294 = arith.addf %add3A_288, %mul3A_293 : vector<16xf32>
      %broadcast_in_dim3A_295 = arith.constant 7 : i32
      %broadcast_in_dim3A_296 = vector.broadcast %broadcast_in_dim3A_295 : i32 to vector<16xi32>
      %gather3A_297 = tpu.vector_load_idx %arg16[%add3A_253, %broadcast_in_dim3A_296] : memref<128x16xf32, #tpu.memory_space<vmem>>[vector<16xi32>, vector<16xi32>], vector<16xf32>,
      %gather3A_298 = tpu.vector_load_idx %arg17[%add3A_253, %broadcast_in_dim3A_296] : memref<128x16xf32, #tpu.memory_space<vmem>>[vector<16xi32>, vector<16xi32>], vector<16xf32>,
      %mul3A_299 = arith.mulf %gather3A_297, %gather3A_298 : vector<16xf32>
      %add3A_300 = arith.addf %add3A_294, %mul3A_299 : vector<16xf32>
      %broadcast_in_dim3A_301 = arith.constant 8 : i32
      %broadcast_in_dim3A_302 = vector.broadcast %broadcast_in_dim3A_301 : i32 to vector<16xi32>
      %gather3A_303 = tpu.vector_load_idx %arg16[%add3A_253, %broadcast_in_dim3A_302] : memref<128x16xf32, #tpu.memory_space<vmem>>[vector<16xi32>, vector<16xi32>], vector<16xf32>,
      %gather3A_304 = tpu.vector_load_idx %arg17[%add3A_253, %broadcast_in_dim3A_302] : memref<128x16xf32, #tpu.memory_space<vmem>>[vector<16xi32>, vector<16xi32>], vector<16xf32>,
      %mul3A_305 = arith.mulf %gather3A_303, %gather3A_304 : vector<16xf32>
      %add3A_306 = arith.addf %add3A_300, %mul3A_305 : vector<16xf32>
      %broadcast_in_dim3A_307 = arith.constant 9 : i32
      %broadcast_in_dim3A_308 = vector.broadcast %broadcast_in_dim3A_307 : i32 to vector<16xi32>
      %gather3A_309 = tpu.vector_load_idx %arg16[%add3A_253, %broadcast_in_dim3A_308] : memref<128x16xf32, #tpu.memory_space<vmem>>[vector<16xi32>, vector<16xi32>], vector<16xf32>,
      %gather3A_310 = tpu.vector_load_idx %arg17[%add3A_253, %broadcast_in_dim3A_308] : memref<128x16xf32, #tpu.memory_space<vmem>>[vector<16xi32>, vector<16xi32>], vector<16xf32>,
      %mul3A_311 = arith.mulf %gather3A_309, %gather3A_310 : vector<16xf32>
      %add3A_312 = arith.addf %add3A_306, %mul3A_311 : vector<16xf32>
      %broadcast_in_dim3A_313 = arith.constant 10 : i32
      %broadcast_in_dim3A_314 = vector.broadcast %broadcast_in_dim3A_313 : i32 to vector<16xi32>
      %gather3A_315 = tpu.vector_load_idx %arg16[%add3A_253, %broadcast_in_dim3A_314] : memref<128x16xf32, #tpu.memory_space<vmem>>[vector<16xi32>, vector<16xi32>], vector<16xf32>,
      %gather3A_316 = tpu.vector_load_idx %arg17[%add3A_253, %broadcast_in_dim3A_314] : memref<128x16xf32, #tpu.memory_space<vmem>>[vector<16xi32>, vector<16xi32>], vector<16xf32>,
      %mul3A_317 = arith.mulf %gather3A_315, %gather3A_316 : vector<16xf32>
      %add3A_318 = arith.addf %add3A_312, %mul3A_317 : vector<16xf32>
      %broadcast_in_dim3A_319 = arith.constant 11 : i32
      %broadcast_in_dim3A_320 = vector.broadcast %broadcast_in_dim3A_319 : i32 to vector<16xi32>
      %gather3A_321 = tpu.vector_load_idx %arg16[%add3A_253, %broadcast_in_dim3A_320] : memref<128x16xf32, #tpu.memory_space<vmem>>[vector<16xi32>, vector<16xi32>], vector<16xf32>,
      %gather3A_322 = tpu.vector_load_idx %arg17[%add3A_253, %broadcast_in_dim3A_320] : memref<128x16xf32, #tpu.memory_space<vmem>>[vector<16xi32>, vector<16xi32>], vector<16xf32>,
      %mul3A_323 = arith.mulf %gather3A_321, %gather3A_322 : vector<16xf32>
      %add3A_324 = arith.addf %add3A_318, %mul3A_323 : vector<16xf32>
      %broadcast_in_dim3A_325 = arith.constant 12 : i32
      %broadcast_in_dim3A_326 = vector.broadcast %broadcast_in_dim3A_325 : i32 to vector<16xi32>
      %gather3A_327 = tpu.vector_load_idx %arg16[%add3A_253, %broadcast_in_dim3A_326] : memref<128x16xf32, #tpu.memory_space<vmem>>[vector<16xi32>, vector<16xi32>], vector<16xf32>,
      %gather3A_328 = tpu.vector_load_idx %arg17[%add3A_253, %broadcast_in_dim3A_326] : memref<128x16xf32, #tpu.memory_space<vmem>>[vector<16xi32>, vector<16xi32>], vector<16xf32>,
      %mul3A_329 = arith.mulf %gather3A_327, %gather3A_328 : vector<16xf32>
      %add3A_330 = arith.addf %add3A_324, %mul3A_329 : vector<16xf32>
      %broadcast_in_dim3A_331 = arith.constant 13 : i32
      %broadcast_in_dim3A_332 = vector.broadcast %broadcast_in_dim3A_331 : i32 to vector<16xi32>
      %gather3A_333 = tpu.vector_load_idx %arg16[%add3A_253, %broadcast_in_dim3A_332] : memref<128x16xf32, #tpu.memory_space<vmem>>[vector<16xi32>, vector<16xi32>], vector<16xf32>,
      %gather3A_334 = tpu.vector_load_idx %arg17[%add3A_253, %broadcast_in_dim3A_332] : memref<128x16xf32, #tpu.memory_space<vmem>>[vector<16xi32>, vector<16xi32>], vector<16xf32>,
      %mul3A_335 = arith.mulf %gather3A_333, %gather3A_334 : vector<16xf32>
      %add3A_336 = arith.addf %add3A_330, %mul3A_335 : vector<16xf32>
      %broadcast_in_dim3A_337 = arith.constant 14 : i32
      %broadcast_in_dim3A_338 = vector.broadcast %broadcast_in_dim3A_337 : i32 to vector<16xi32>
      %gather3A_339 = tpu.vector_load_idx %arg16[%add3A_253, %broadcast_in_dim3A_338] : memref<128x16xf32, #tpu.memory_space<vmem>>[vector<16xi32>, vector<16xi32>], vector<16xf32>,
      %gather3A_340 = tpu.vector_load_idx %arg17[%add3A_253, %broadcast_in_dim3A_338] : memref<128x16xf32, #tpu.memory_space<vmem>>[vector<16xi32>, vector<16xi32>], vector<16xf32>,
      %mul3A_341 = arith.mulf %gather3A_339, %gather3A_340 : vector<16xf32>
      %add3A_342 = arith.addf %add3A_336, %mul3A_341 : vector<16xf32>
      %broadcast_in_dim3A_343 = arith.constant 15 : i32
      %broadcast_in_dim3A_344 = vector.broadcast %broadcast_in_dim3A_343 : i32 to vector<16xi32>
      %gather3A_345 = tpu.vector_load_idx %arg16[%add3A_253, %broadcast_in_dim3A_344] : memref<128x16xf32, #tpu.memory_space<vmem>>[vector<16xi32>, vector<16xi32>], vector<16xf32>,
      %gather3A_346 = tpu.vector_load_idx %arg17[%add3A_253, %broadcast_in_dim3A_344] : memref<128x16xf32, #tpu.memory_space<vmem>>[vector<16xi32>, vector<16xi32>], vector<16xf32>,
      %mul3A_347 = arith.mulf %gather3A_345, %gather3A_346 : vector<16xf32>
      %add3A_348 = arith.addf %add3A_342, %mul3A_347 : vector<16xf32>
      %get3A = arith.index_cast %mul3A_251 : i32 to index
      %get3A_349 = tpu.vector_load %arg18[%get3A] {strides = array<i32>} : memref<128xf32, #tpu.memory_space<vmem>>, vector<16xf32>,
      %get3A_350 = arith.index_cast %mul3A_251 : i32 to index
      %get3A_351 = tpu.vector_load %arg19[%get3A_350] {strides = array<i32>} : memref<128xf32, #tpu.memory_space<vmem>>, vector<16xf32>,
      %add3A_352 = arith.addf %get3A_349, %get3A_351 : vector<16xf32>
      %add3A_353 = arith.addf %add3A_352, %add3A_348 : vector<16xf32>
      %add3A_354 = arith.constant 0x4B400000 : f32
      %add3A_355 = vector.broadcast %add3A_354 : f32 to vector<16xf32>
      %add3A_356 = arith.addf %add3A_353, %add3A_355 : vector<16xf32>
      %sub3A = arith.constant 0x4B400000 : f32
      %sub3A_357 = vector.broadcast %sub3A : f32 to vector<16xf32>
      %sub3A_358 = arith.subf %add3A_356, %sub3A_357 : vector<16xf32>
      %jit3A = arith.constant 0.000000e+00 : f32
      %jit3A_359 = arith.constant 4.000000e+00 : f32
      %max3A = vector.broadcast %jit3A : f32 to vector<16xf32>
      %max3A_360 = arith.maximumf %max3A, %sub3A_358 : vector<16xf32>
      %min3A = vector.broadcast %jit3A_359 : f32 to vector<16xf32>
      %min3A_361 = arith.minimumf %min3A, %max3A_360 : vector<16xf32>
      %add3A_362 = arith.constant 1.500000e+00 : f32
      %add3A_363 = vector.broadcast %add3A_362 : f32 to vector<16xf32>
      %add3A_364 = arith.addf %min3A_361, %add3A_363 : vector<16xf32>
      %scan3A_365 = arith.constant 0 : i32
      %scan3A_366 = arith.constant 200 : i32
      %scan3A_367 = arith.addi %scan3A_365, %scan3A_366 : i32
      %scan3A_368 = arith.constant 8 : i32
      %scan3A_369 = scf.for %scan3A_429 = %scan3A_365 to %scan3A_367 step %scan3A_368 iter_args(%scan3A_430 = %broadcast_in_dim3A_1) -> (vector<16xf32>)  : i32 {
        %shift_right_arithmetic3A_431 = arith.constant 7 : i32
        %shift_right_arithmetic3A_432 = arith.shrsi %scan3A_429, %shift_right_arithmetic3A_431 : i32
        %broadcast_in_dim3A_433 = vector.broadcast %shift_right_arithmetic3A_432 : i32 to vector<16xi32>
        %and3A_434 = arith.constant 127 : i32
        %and3A_435 = arith.andi %scan3A_429, %and3A_434 : i32
        %broadcast_in_dim3A_436 = vector.broadcast %and3A_435 : i32 to vector<16xi32>
        %gather3A_437 = tpu.vector_load_idx %arg20[%broadcast_in_dim3A_433, %add3A_253, %broadcast_in_dim3A_436] : memref<2x128x128xf32, #tpu.memory_space<vmem>>[vector<16xi32>, vector<16xi32>, vector<16xi32>], vector<16xf32>,
        %sub3A_438 = arith.subf %add3A_364, %gather3A_437 : vector<16xf32>
        %jit3A_439 = arith.constant 0.000000e+00 : f32
        %jit3A_440 = arith.constant 1.000000e+00 : f32
        %max3A_441 = vector.broadcast %jit3A_439 : f32 to vector<16xf32>
        %max3A_442 = arith.maximumf %max3A_441, %sub3A_438 : vector<16xf32>
        %min3A_443 = vector.broadcast %jit3A_440 : f32 to vector<16xf32>
        %min3A_444 = arith.minimumf %min3A_443, %max3A_442 : vector<16xf32>
        %add3A_445 = arith.addf %scan3A_430, %min3A_444 : vector<16xf32>
        %scan3A_446 = arith.constant 1 : i32
        %scan3A_447 = arith.addi %scan3A_429, %scan3A_446 : i32
        %shift_right_arithmetic3A_448 = arith.constant 7 : i32
        %shift_right_arithmetic3A_449 = arith.shrsi %scan3A_447, %shift_right_arithmetic3A_448 : i32
        %broadcast_in_dim3A_450 = vector.broadcast %shift_right_arithmetic3A_449 : i32 to vector<16xi32>
        %and3A_451 = arith.constant 127 : i32
        %and3A_452 = arith.andi %scan3A_447, %and3A_451 : i32
        %broadcast_in_dim3A_453 = vector.broadcast %and3A_452 : i32 to vector<16xi32>
        %gather3A_454 = tpu.vector_load_idx %arg20[%broadcast_in_dim3A_450, %add3A_253, %broadcast_in_dim3A_453] : memref<2x128x128xf32, #tpu.memory_space<vmem>>[vector<16xi32>, vector<16xi32>, vector<16xi32>], vector<16xf32>,
        %sub3A_455 = arith.subf %add3A_364, %gather3A_454 : vector<16xf32>
        %jit3A_456 = arith.constant 0.000000e+00 : f32
        %jit3A_457 = arith.constant 1.000000e+00 : f32
        %max3A_458 = vector.broadcast %jit3A_456 : f32 to vector<16xf32>
        %max3A_459 = arith.maximumf %max3A_458, %sub3A_455 : vector<16xf32>
        %min3A_460 = vector.broadcast %jit3A_457 : f32 to vector<16xf32>
        %min3A_461 = arith.minimumf %min3A_460, %max3A_459 : vector<16xf32>
        %add3A_462 = arith.addf %add3A_445, %min3A_461 : vector<16xf32>
        %scan3A_463 = arith.constant 2 : i32
        %scan3A_464 = arith.addi %scan3A_429, %scan3A_463 : i32
        %shift_right_arithmetic3A_465 = arith.constant 7 : i32
        %shift_right_arithmetic3A_466 = arith.shrsi %scan3A_464, %shift_right_arithmetic3A_465 : i32
        %broadcast_in_dim3A_467 = vector.broadcast %shift_right_arithmetic3A_466 : i32 to vector<16xi32>
        %and3A_468 = arith.constant 127 : i32
        %and3A_469 = arith.andi %scan3A_464, %and3A_468 : i32
        %broadcast_in_dim3A_470 = vector.broadcast %and3A_469 : i32 to vector<16xi32>
        %gather3A_471 = tpu.vector_load_idx %arg20[%broadcast_in_dim3A_467, %add3A_253, %broadcast_in_dim3A_470] : memref<2x128x128xf32, #tpu.memory_space<vmem>>[vector<16xi32>, vector<16xi32>, vector<16xi32>], vector<16xf32>,
        %sub3A_472 = arith.subf %add3A_364, %gather3A_471 : vector<16xf32>
        %jit3A_473 = arith.constant 0.000000e+00 : f32
        %jit3A_474 = arith.constant 1.000000e+00 : f32
        %max3A_475 = vector.broadcast %jit3A_473 : f32 to vector<16xf32>
        %max3A_476 = arith.maximumf %max3A_475, %sub3A_472 : vector<16xf32>
        %min3A_477 = vector.broadcast %jit3A_474 : f32 to vector<16xf32>
        %min3A_478 = arith.minimumf %min3A_477, %max3A_476 : vector<16xf32>
        %add3A_479 = arith.addf %add3A_462, %min3A_478 : vector<16xf32>
        %scan3A_480 = arith.constant 3 : i32
        %scan3A_481 = arith.addi %scan3A_429, %scan3A_480 : i32
        %shift_right_arithmetic3A_482 = arith.constant 7 : i32
        %shift_right_arithmetic3A_483 = arith.shrsi %scan3A_481, %shift_right_arithmetic3A_482 : i32
        %broadcast_in_dim3A_484 = vector.broadcast %shift_right_arithmetic3A_483 : i32 to vector<16xi32>
        %and3A_485 = arith.constant 127 : i32
        %and3A_486 = arith.andi %scan3A_481, %and3A_485 : i32
        %broadcast_in_dim3A_487 = vector.broadcast %and3A_486 : i32 to vector<16xi32>
        %gather3A_488 = tpu.vector_load_idx %arg20[%broadcast_in_dim3A_484, %add3A_253, %broadcast_in_dim3A_487] : memref<2x128x128xf32, #tpu.memory_space<vmem>>[vector<16xi32>, vector<16xi32>, vector<16xi32>], vector<16xf32>,
        %sub3A_489 = arith.subf %add3A_364, %gather3A_488 : vector<16xf32>
        %jit3A_490 = arith.constant 0.000000e+00 : f32
        %jit3A_491 = arith.constant 1.000000e+00 : f32
        %max3A_492 = vector.broadcast %jit3A_490 : f32 to vector<16xf32>
        %max3A_493 = arith.maximumf %max3A_492, %sub3A_489 : vector<16xf32>
        %min3A_494 = vector.broadcast %jit3A_491 : f32 to vector<16xf32>
        %min3A_495 = arith.minimumf %min3A_494, %max3A_493 : vector<16xf32>
        %add3A_496 = arith.addf %add3A_479, %min3A_495 : vector<16xf32>
        %scan3A_497 = arith.constant 4 : i32
        %scan3A_498 = arith.addi %scan3A_429, %scan3A_497 : i32
        %shift_right_arithmetic3A_499 = arith.constant 7 : i32
        %shift_right_arithmetic3A_500 = arith.shrsi %scan3A_498, %shift_right_arithmetic3A_499 : i32
        %broadcast_in_dim3A_501 = vector.broadcast %shift_right_arithmetic3A_500 : i32 to vector<16xi32>
        %and3A_502 = arith.constant 127 : i32
        %and3A_503 = arith.andi %scan3A_498, %and3A_502 : i32
        %broadcast_in_dim3A_504 = vector.broadcast %and3A_503 : i32 to vector<16xi32>
        %gather3A_505 = tpu.vector_load_idx %arg20[%broadcast_in_dim3A_501, %add3A_253, %broadcast_in_dim3A_504] : memref<2x128x128xf32, #tpu.memory_space<vmem>>[vector<16xi32>, vector<16xi32>, vector<16xi32>], vector<16xf32>,
        %sub3A_506 = arith.subf %add3A_364, %gather3A_505 : vector<16xf32>
        %jit3A_507 = arith.constant 0.000000e+00 : f32
        %jit3A_508 = arith.constant 1.000000e+00 : f32
        %max3A_509 = vector.broadcast %jit3A_507 : f32 to vector<16xf32>
        %max3A_510 = arith.maximumf %max3A_509, %sub3A_506 : vector<16xf32>
        %min3A_511 = vector.broadcast %jit3A_508 : f32 to vector<16xf32>
        %min3A_512 = arith.minimumf %min3A_511, %max3A_510 : vector<16xf32>
        %add3A_513 = arith.addf %add3A_496, %min3A_512 : vector<16xf32>
        %scan3A_514 = arith.constant 5 : i32
        %scan3A_515 = arith.addi %scan3A_429, %scan3A_514 : i32
        %shift_right_arithmetic3A_516 = arith.constant 7 : i32
        %shift_right_arithmetic3A_517 = arith.shrsi %scan3A_515, %shift_right_arithmetic3A_516 : i32
        %broadcast_in_dim3A_518 = vector.broadcast %shift_right_arithmetic3A_517 : i32 to vector<16xi32>
        %and3A_519 = arith.constant 127 : i32
        %and3A_520 = arith.andi %scan3A_515, %and3A_519 : i32
        %broadcast_in_dim3A_521 = vector.broadcast %and3A_520 : i32 to vector<16xi32>
        %gather3A_522 = tpu.vector_load_idx %arg20[%broadcast_in_dim3A_518, %add3A_253, %broadcast_in_dim3A_521] : memref<2x128x128xf32, #tpu.memory_space<vmem>>[vector<16xi32>, vector<16xi32>, vector<16xi32>], vector<16xf32>,
        %sub3A_523 = arith.subf %add3A_364, %gather3A_522 : vector<16xf32>
        %jit3A_524 = arith.constant 0.000000e+00 : f32
        %jit3A_525 = arith.constant 1.000000e+00 : f32
        %max3A_526 = vector.broadcast %jit3A_524 : f32 to vector<16xf32>
        %max3A_527 = arith.maximumf %max3A_526, %sub3A_523 : vector<16xf32>
        %min3A_528 = vector.broadcast %jit3A_525 : f32 to vector<16xf32>
        %min3A_529 = arith.minimumf %min3A_528, %max3A_527 : vector<16xf32>
        %add3A_530 = arith.addf %add3A_513, %min3A_529 : vector<16xf32>
        %scan3A_531 = arith.constant 6 : i32
        %scan3A_532 = arith.addi %scan3A_429, %scan3A_531 : i32
        %shift_right_arithmetic3A_533 = arith.constant 7 : i32
        %shift_right_arithmetic3A_534 = arith.shrsi %scan3A_532, %shift_right_arithmetic3A_533 : i32
        %broadcast_in_dim3A_535 = vector.broadcast %shift_right_arithmetic3A_534 : i32 to vector<16xi32>
        %and3A_536 = arith.constant 127 : i32
        %and3A_537 = arith.andi %scan3A_532, %and3A_536 : i32
        %broadcast_in_dim3A_538 = vector.broadcast %and3A_537 : i32 to vector<16xi32>
        %gather3A_539 = tpu.vector_load_idx %arg20[%broadcast_in_dim3A_535, %add3A_253, %broadcast_in_dim3A_538] : memref<2x128x128xf32, #tpu.memory_space<vmem>>[vector<16xi32>, vector<16xi32>, vector<16xi32>], vector<16xf32>,
        %sub3A_540 = arith.subf %add3A_364, %gather3A_539 : vector<16xf32>
        %jit3A_541 = arith.constant 0.000000e+00 : f32
        %jit3A_542 = arith.constant 1.000000e+00 : f32
        %max3A_543 = vector.broadcast %jit3A_541 : f32 to vector<16xf32>
        %max3A_544 = arith.maximumf %max3A_543, %sub3A_540 : vector<16xf32>
        %min3A_545 = vector.broadcast %jit3A_542 : f32 to vector<16xf32>
        %min3A_546 = arith.minimumf %min3A_545, %max3A_544 : vector<16xf32>
        %add3A_547 = arith.addf %add3A_530, %min3A_546 : vector<16xf32>
        %scan3A_548 = arith.constant 7 : i32
        %scan3A_549 = arith.addi %scan3A_429, %scan3A_548 : i32
        %shift_right_arithmetic3A_550 = arith.constant 7 : i32
        %shift_right_arithmetic3A_551 = arith.shrsi %scan3A_549, %shift_right_arithmetic3A_550 : i32
        %broadcast_in_dim3A_552 = vector.broadcast %shift_right_arithmetic3A_551 : i32 to vector<16xi32>
        %and3A_553 = arith.constant 127 : i32
        %and3A_554 = arith.andi %scan3A_549, %and3A_553 : i32
        %broadcast_in_dim3A_555 = vector.broadcast %and3A_554 : i32 to vector<16xi32>
        %gather3A_556 = tpu.vector_load_idx %arg20[%broadcast_in_dim3A_552, %add3A_253, %broadcast_in_dim3A_555] : memref<2x128x128xf32, #tpu.memory_space<vmem>>[vector<16xi32>, vector<16xi32>, vector<16xi32>], vector<16xf32>,
        %sub3A_557 = arith.subf %add3A_364, %gather3A_556 : vector<16xf32>
        %jit3A_558 = arith.constant 0.000000e+00 : f32
        %jit3A_559 = arith.constant 1.000000e+00 : f32
        %max3A_560 = vector.broadcast %jit3A_558 : f32 to vector<16xf32>
        %max3A_561 = arith.maximumf %max3A_560, %sub3A_557 : vector<16xf32>
        %min3A_562 = vector.broadcast %jit3A_559 : f32 to vector<16xf32>
        %min3A_563 = arith.minimumf %min3A_562, %max3A_561 : vector<16xf32>
        %add3A_564 = arith.addf %add3A_547, %min3A_563 : vector<16xf32>
        scf.yield %add3A_564 : vector<16xf32>
      }
      %scan3A_370 = arith.constant 200 : i32
      %get3A_371 = arith.index_cast %mul3A_251 : i32 to index
      %get3A_372 = tpu.vector_load %arg15[%get3A_371] {strides = array<i32>} : memref<128xi32, #tpu.memory_space<vmem>>, vector<16xi32>,
      %shift_right_arithmetic3A = arith.constant 7 : i32
      %shift_right_arithmetic3A_373 = vector.broadcast %shift_right_arithmetic3A : i32 to vector<16xi32>
      %shift_right_arithmetic3A_374 = arith.shrsi %get3A_372, %shift_right_arithmetic3A_373 : vector<16xi32>
      %and3A = arith.constant 127 : i32
      %and3A_375 = vector.broadcast %and3A : i32 to vector<16xi32>
      %and3A_376 = arith.andi %get3A_372, %and3A_375 : vector<16xi32>
      %gather3A_377 = tpu.vector_load_idx %arg20[%shift_right_arithmetic3A_374, %add3A_253, %and3A_376] : memref<2x128x128xf32, #tpu.memory_space<vmem>>[vector<16xi32>, vector<16xi32>, vector<16xi32>], vector<16xf32>,
      %sub3A_378 = arith.subf %add3A_364, %gather3A_377 : vector<16xf32>
      %jit3A_379 = arith.constant 0.000000e+00 : f32
      %jit3A_380 = arith.constant 1.000000e+00 : f32
      %max3A_381 = vector.broadcast %jit3A_379 : f32 to vector<16xf32>
      %max3A_382 = arith.maximumf %max3A_381, %sub3A_378 : vector<16xf32>
      %min3A_383 = vector.broadcast %jit3A_380 : f32 to vector<16xf32>
      %min3A_384 = arith.minimumf %min3A_383, %max3A_382 : vector<16xf32>
      %sub3A_385 = arith.subf %scan3A_369, %min3A_384 : vector<16xf32>
      %sub3A_386 = arith.constant 1.000000e+00 : f32
      %sub3A_387 = vector.broadcast %sub3A_386 : f32 to vector<16xf32>
      %sub3A_388 = arith.subf %add3A_353, %sub3A_387 : vector<16xf32>
      %div3A = arith.constant 8.000000e-01 : f32
      %div3A_389 = vector.broadcast %div3A : f32 to vector<16xf32>
      %div3A_390 = arith.divf %sub3A_388, %div3A_389 : vector<16xf32>
      %convert_element_type3A = arith.fptosi %div3A_390 : vector<16xf32> to vector<16xi32>
      %convert_element_type3A_391 = arith.sitofp %convert_element_type3A : vector<16xi32> to vector<16xf32>
      %gt3A = arith.cmpf ogt, %convert_element_type3A_391, %div3A_390 : vector<16xf32>
      %jit3A_392 = arith.constant 1 : i32
      %jit3A_393 = arith.constant 0 : i32
      %broadcast_in_dim3A_394 = vector.broadcast %jit3A_392 : i32 to vector<16xi32>
      %broadcast_in_dim3A_395 = vector.broadcast %jit3A_393 : i32 to vector<16xi32>
      %select_n3A = arith.select %gt3A, %broadcast_in_dim3A_394, %broadcast_in_dim3A_395 : vector<16xi1>, vector<16xi32>
      %sub3A_396 = arith.subi %convert_element_type3A, %select_n3A : vector<16xi32>
      %jit3A_397 = arith.constant 0 : i32
      %jit3A_398 = arith.constant 4 : i32
      %max3A_399 = vector.broadcast %jit3A_397 : i32 to vector<16xi32>
      %max3A_400 = arith.maxsi %max3A_399, %sub3A_396 : vector<16xi32>
      %min3A_401 = vector.broadcast %jit3A_398 : i32 to vector<16xi32>
      %min3A_402 = arith.minsi %min3A_401, %max3A_400 : vector<16xi32>
      %convert_element_type3A_403 = arith.sitofp %min3A_402 : vector<16xi32> to vector<16xf32>
      %ge3A = arith.constant 1.000000e+00 : f32
      %ge3A_404 = vector.broadcast %ge3A : f32 to vector<16xf32>
      %ge3A_405 = arith.cmpf oge, %add3A_353, %ge3A_404 : vector<16xf32>
      %le3A = arith.constant 5.000000e+00 : f32
      %le3A_406 = vector.broadcast %le3A : f32 to vector<16xf32>
      %le3A_407 = arith.cmpf ole, %add3A_353, %le3A_406 : vector<16xf32>
      %and3A_408 = arith.andi %ge3A_405, %le3A_407 : vector<16xi1>
      %jit3A_409 = arith.constant 1.000000e+00 : f32
      %jit3A_410 = arith.constant 0.000000e+00 : f32
      %broadcast_in_dim3A_411 = vector.broadcast %jit3A_409 : f32 to vector<16xf32>
      %broadcast_in_dim3A_412 = vector.broadcast %jit3A_410 : f32 to vector<16xf32>
      %select_n3A_413 = arith.select %and3A_408, %broadcast_in_dim3A_411, %broadcast_in_dim3A_412 : vector<16xi1>, vector<16xf32>
      %add3A_414 = arith.constant 5.000000e-01 : f32
      %add3A_415 = vector.broadcast %add3A_414 : f32 to vector<16xf32>
      %add3A_416 = arith.addf %min3A_361, %add3A_415 : vector<16xf32>
      %sub3A_417 = arith.subf %add3A_416, %convert_element_type3A_403 : vector<16xf32>
      %jit3A_418 = arith.constant 0.000000e+00 : f32
      %jit3A_419 = arith.constant 1.000000e+00 : f32
      %max3A_420 = vector.broadcast %jit3A_418 : f32 to vector<16xf32>
      %max3A_421 = arith.maximumf %max3A_420, %sub3A_417 : vector<16xf32>
      %min3A_422 = vector.broadcast %jit3A_419 : f32 to vector<16xf32>
      %min3A_423 = arith.minimumf %min3A_422, %max3A_421 : vector<16xf32>
      %mul3A_424 = arith.mulf %select_n3A_413, %min3A_423 : vector<16xf32>
      %add3A_425 = arith.addf %sub3A_385, %mul3A_424 : vector<16xf32>
      %swap3A = arith.index_cast %mul3A_251 : i32 to index
      %swap3A_426 = tpu.vector_load %arg21[%swap3A] {strides = array<i32>} : memref<128xf32, #tpu.memory_space<vmem>>, vector<16xf32>,
      tpu.vector_store %arg21[%swap3A], %add3A_353 {strides = array<i32>} : memref<128xf32, #tpu.memory_space<vmem>>, vector<16xf32>,
      %swap3A_427 = arith.index_cast %mul3A_251 : i32 to index
      %swap3A_428 = tpu.vector_load %arg22[%swap3A_427] {strides = array<i32>} : memref<128xf32, #tpu.memory_space<vmem>>, vector<16xf32>,
      tpu.vector_store %arg22[%swap3A_427], %add3A_425 {strides = array<i32>} : memref<128xf32, #tpu.memory_space<vmem>>, vector<16xf32>,
    }
    %scan3A_186 = arith.constant 8 : i32
    "tpu.region"() ({
      %run_scoped3A = tpu.sem_alloc : memref<!tpu.dma_semaphore, #tpu.memory_space<semaphore_mem>>
      %dma_start3A_249 = tpu.memref_slice %arg11[%add3A_128] : memref<16384xf32, #tpu.memory_space<hbm>> -> memref<128xf32, #tpu.memory_space<hbm>>
      %dma_start3A_250 = tpu.memref_slice %arg11[%add3A_128] : memref<16384xf32, #tpu.memory_space<hbm>> -> memref<128xf32, #tpu.memory_space<hbm>>
      tpu.enqueue_dma source(%arg21 : memref<128xf32, #tpu.memory_space<vmem>>) target(%dma_start3A_250 : memref<128xf32, #tpu.memory_space<hbm>>) target_semaphore(%run_scoped3A : memref<!tpu.dma_semaphore, #tpu.memory_space<semaphore_mem>>)
      %dma_wait3A_251 = tpu.memref_slice %arg11[%add3A_128] : memref<16384xf32, #tpu.memory_space<hbm>> -> memref<128xf32, #tpu.memory_space<hbm>>
      %dma_wait3A_252 = tpu.memref_slice %arg11[%add3A_128] : memref<16384xf32, #tpu.memory_space<hbm>> -> memref<128xf32, #tpu.memory_space<hbm>>
      tpu.wait_dma2 semaphore(%run_scoped3A : memref<!tpu.dma_semaphore, #tpu.memory_space<semaphore_mem>>) src(%arg21 : memref<128xf32, #tpu.memory_space<vmem>>) dst(%dma_wait3A_252 : memref<128xf32, #tpu.memory_space<hbm>>)
      tpu.yield
    }) : () -> ()
    "tpu.region"() ({
      %run_scoped3A = tpu.sem_alloc : memref<!tpu.dma_semaphore, #tpu.memory_space<semaphore_mem>>
      %dma_start3A_249 = tpu.memref_slice %arg12[%add3A_128] : memref<16384xf32, #tpu.memory_space<hbm>> -> memref<128xf32, #tpu.memory_space<hbm>>
      %dma_start3A_250 = tpu.memref_slice %arg12[%add3A_128] : memref<16384xf32, #tpu.memory_space<hbm>> -> memref<128xf32, #tpu.memory_space<hbm>>
      tpu.enqueue_dma source(%arg22 : memref<128xf32, #tpu.memory_space<vmem>>) target(%dma_start3A_250 : memref<128xf32, #tpu.memory_space<hbm>>) target_semaphore(%run_scoped3A : memref<!tpu.dma_semaphore, #tpu.memory_space<semaphore_mem>>)
      %dma_wait3A_251 = tpu.memref_slice %arg12[%add3A_128] : memref<16384xf32, #tpu.memory_space<hbm>> -> memref<128xf32, #tpu.memory_space<hbm>>
      %dma_wait3A_252 = tpu.memref_slice %arg12[%add3A_128] : memref<16384xf32, #tpu.memory_space<hbm>> -> memref<128xf32, #tpu.memory_space<hbm>>
      tpu.wait_dma2 semaphore(%run_scoped3A : memref<!tpu.dma_semaphore, #tpu.memory_space<semaphore_mem>>) src(%arg22 : memref<128xf32, #tpu.memory_space<vmem>>) dst(%dma_wait3A_252 : memref<128xf32, #tpu.memory_space<hbm>>)
      tpu.yield
    }) : () -> ()
    %mul3A_187 = arith.constant 512 : i32
    %mul3A_188 = arith.muli %add3A, %mul3A_187 : i32
    %add3A_189 = arith.constant 384 : i32
    %add3A_190 = arith.addi %mul3A_188, %add3A_189 : i32
    "tpu.region"() ({
      %run_scoped3A = tpu.sem_alloc : memref<!tpu.dma_semaphore, #tpu.memory_space<semaphore_mem>>
      %dma_start3A_249 = tpu.memref_slice %arg2[%add3A_190] : memref<16384xi32, #tpu.memory_space<hbm>> -> memref<128xi32, #tpu.memory_space<hbm>>
      %dma_start3A_250 = tpu.memref_slice %arg2[%add3A_190] : memref<16384xi32, #tpu.memory_space<hbm>> -> memref<128xi32, #tpu.memory_space<hbm>>
      tpu.enqueue_dma source(%dma_start3A_250 : memref<128xi32, #tpu.memory_space<hbm>>) target(%arg13 : memref<128xi32, #tpu.memory_space<vmem>>) target_semaphore(%run_scoped3A : memref<!tpu.dma_semaphore, #tpu.memory_space<semaphore_mem>>)
      %dma_wait3A_251 = tpu.memref_slice %arg2[%add3A_190] : memref<16384xi32, #tpu.memory_space<hbm>> -> memref<128xi32, #tpu.memory_space<hbm>>
      %dma_wait3A_252 = tpu.memref_slice %arg2[%add3A_190] : memref<16384xi32, #tpu.memory_space<hbm>> -> memref<128xi32, #tpu.memory_space<hbm>>
      tpu.wait_dma2 semaphore(%run_scoped3A : memref<!tpu.dma_semaphore, #tpu.memory_space<semaphore_mem>>) src(%dma_wait3A_252 : memref<128xi32, #tpu.memory_space<hbm>>) dst(%arg13 : memref<128xi32, #tpu.memory_space<vmem>>)
      tpu.yield
    }) : () -> ()
    "tpu.region"() ({
      %run_scoped3A = tpu.sem_alloc : memref<!tpu.dma_semaphore, #tpu.memory_space<semaphore_mem>>
      %dma_start3A_249 = tpu.memref_slice %arg3[%add3A_190] : memref<16384xi32, #tpu.memory_space<hbm>> -> memref<128xi32, #tpu.memory_space<hbm>>
      %dma_start3A_250 = tpu.memref_slice %arg3[%add3A_190] : memref<16384xi32, #tpu.memory_space<hbm>> -> memref<128xi32, #tpu.memory_space<hbm>>
      tpu.enqueue_dma source(%dma_start3A_250 : memref<128xi32, #tpu.memory_space<hbm>>) target(%arg14 : memref<128xi32, #tpu.memory_space<vmem>>) target_semaphore(%run_scoped3A : memref<!tpu.dma_semaphore, #tpu.memory_space<semaphore_mem>>)
      %dma_wait3A_251 = tpu.memref_slice %arg3[%add3A_190] : memref<16384xi32, #tpu.memory_space<hbm>> -> memref<128xi32, #tpu.memory_space<hbm>>
      %dma_wait3A_252 = tpu.memref_slice %arg3[%add3A_190] : memref<16384xi32, #tpu.memory_space<hbm>> -> memref<128xi32, #tpu.memory_space<hbm>>
      tpu.wait_dma2 semaphore(%run_scoped3A : memref<!tpu.dma_semaphore, #tpu.memory_space<semaphore_mem>>) src(%dma_wait3A_252 : memref<128xi32, #tpu.memory_space<hbm>>) dst(%arg14 : memref<128xi32, #tpu.memory_space<vmem>>)
      tpu.yield
    }) : () -> ()
    "tpu.region"() ({
      %run_scoped3A = tpu.sem_alloc : memref<!tpu.dma_semaphore, #tpu.memory_space<semaphore_mem>>
      %dma_start3A_249 = tpu.memref_slice %arg4[%add3A_190] : memref<16384xi32, #tpu.memory_space<hbm>> -> memref<128xi32, #tpu.memory_space<hbm>>
      %dma_start3A_250 = tpu.memref_slice %arg4[%add3A_190] : memref<16384xi32, #tpu.memory_space<hbm>> -> memref<128xi32, #tpu.memory_space<hbm>>
      tpu.enqueue_dma source(%dma_start3A_250 : memref<128xi32, #tpu.memory_space<hbm>>) target(%arg15 : memref<128xi32, #tpu.memory_space<vmem>>) target_semaphore(%run_scoped3A : memref<!tpu.dma_semaphore, #tpu.memory_space<semaphore_mem>>)
      %dma_wait3A_251 = tpu.memref_slice %arg4[%add3A_190] : memref<16384xi32, #tpu.memory_space<hbm>> -> memref<128xi32, #tpu.memory_space<hbm>>
      %dma_wait3A_252 = tpu.memref_slice %arg4[%add3A_190] : memref<16384xi32, #tpu.memory_space<hbm>> -> memref<128xi32, #tpu.memory_space<hbm>>
      tpu.wait_dma2 semaphore(%run_scoped3A : memref<!tpu.dma_semaphore, #tpu.memory_space<semaphore_mem>>) src(%dma_wait3A_252 : memref<128xi32, #tpu.memory_space<hbm>>) dst(%arg15 : memref<128xi32, #tpu.memory_space<vmem>>)
      tpu.yield
    }) : () -> ()
    %dma_start3A_191 = arith.constant 0 : i32
    %dma_start3A_192 = arith.constant 0 : i32
    %dma_start3A_193 = arith.constant 0 : i32
    %dma_start3A_194 = tpu.memref_slice %arg20[%dma_start3A_191, %dma_start3A_192, %dma_start3A_193] : memref<2x128x128xf32, #tpu.memory_space<vmem>> -> memref<1x128x128xf32, #tpu.memory_space<vmem>>
    %dma_start3A_195 = tpu.memref_squeeze %dma_start3A_194 : memref<1x128x128xf32, #tpu.memory_space<vmem>> -> memref<128x128xf32, #tpu.memory_space<vmem>>
    %dma_start3A_196 = arith.constant 0 : i32
    %dma_start3A_197 = arith.constant 0 : i32
    %dma_start3A_198 = tpu.memref_slice %arg9[%dma_start3A_196, %dma_start3A_197] : memref<100000x128xf32, #tpu.memory_space<hbm>> -> memref<100000x128xf32, #tpu.memory_space<hbm>>
    tpu.enqueue_indirect_dma source(%dma_start3A_198 : memref<100000x128xf32, #tpu.memory_space<hbm>>) target(%dma_start3A_195 : memref<128x128xf32, #tpu.memory_space<vmem>>) offsets(%arg13 : memref<128xi32, #tpu.memory_space<vmem>>) semaphore(%arg23 : memref<!tpu.dma_semaphore, #tpu.memory_space<semaphore_mem>>)
    %dma_start3A_199 = arith.constant 1 : i32
    %dma_start3A_200 = arith.constant 0 : i32
    %dma_start3A_201 = arith.constant 0 : i32
    %dma_start3A_202 = tpu.memref_slice %arg20[%dma_start3A_199, %dma_start3A_200, %dma_start3A_201] : memref<2x128x128xf32, #tpu.memory_space<vmem>> -> memref<1x128x128xf32, #tpu.memory_space<vmem>>
    %dma_start3A_203 = tpu.memref_squeeze %dma_start3A_202 : memref<1x128x128xf32, #tpu.memory_space<vmem>> -> memref<128x128xf32, #tpu.memory_space<vmem>>
    %dma_start3A_204 = arith.constant 0 : i32
    %dma_start3A_205 = arith.constant 0 : i32
    %dma_start3A_206 = tpu.memref_slice %arg10[%dma_start3A_204, %dma_start3A_205] : memref<100000x128xf32, #tpu.memory_space<hbm>> -> memref<100000x128xf32, #tpu.memory_space<hbm>>
    tpu.enqueue_indirect_dma source(%dma_start3A_206 : memref<100000x128xf32, #tpu.memory_space<hbm>>) target(%dma_start3A_203 : memref<128x128xf32, #tpu.memory_space<vmem>>) offsets(%arg13 : memref<128xi32, #tpu.memory_space<vmem>>) semaphore(%arg23 : memref<!tpu.dma_semaphore, #tpu.memory_space<semaphore_mem>>)
    %dma_start3A_207 = arith.constant 0 : i32
    %dma_start3A_208 = arith.constant 0 : i32
    %dma_start3A_209 = tpu.memref_slice %arg5[%dma_start3A_207, %dma_start3A_208] : memref<100000x16xf32, #tpu.memory_space<hbm>> -> memref<100000x16xf32, #tpu.memory_space<hbm>>
    tpu.enqueue_indirect_dma source(%dma_start3A_209 : memref<100000x16xf32, #tpu.memory_space<hbm>>) target(%arg16 : memref<128x16xf32, #tpu.memory_space<vmem>>) offsets(%arg13 : memref<128xi32, #tpu.memory_space<vmem>>) semaphore(%arg23 : memref<!tpu.dma_semaphore, #tpu.memory_space<semaphore_mem>>)
    %dma_start3A_210 = arith.constant 0 : i32
    %dma_start3A_211 = arith.constant 0 : i32
    %dma_start3A_212 = tpu.memref_slice %arg6[%dma_start3A_210, %dma_start3A_211] : memref<1000000x16xf32, #tpu.memory_space<hbm>> -> memref<1000000x16xf32, #tpu.memory_space<hbm>>
    tpu.enqueue_indirect_dma source(%dma_start3A_212 : memref<1000000x16xf32, #tpu.memory_space<hbm>>) target(%arg17 : memref<128x16xf32, #tpu.memory_space<vmem>>) offsets(%arg14 : memref<128xi32, #tpu.memory_space<vmem>>) semaphore(%arg23 : memref<!tpu.dma_semaphore, #tpu.memory_space<semaphore_mem>>)
    %dma_start3A_213 = arith.constant 0 : i32
    %dma_start3A_214 = tpu.memref_slice %arg7[%dma_start3A_213] : memref<100000xf32, #tpu.memory_space<hbm>> -> memref<100000xf32, #tpu.memory_space<hbm>>
    tpu.enqueue_indirect_dma source(%dma_start3A_214 : memref<100000xf32, #tpu.memory_space<hbm>>) target(%arg18 : memref<128xf32, #tpu.memory_space<vmem>>) offsets(%arg13 : memref<128xi32, #tpu.memory_space<vmem>>) semaphore(%arg23 : memref<!tpu.dma_semaphore, #tpu.memory_space<semaphore_mem>>)
    %dma_start3A_215 = arith.constant 0 : i32
    %dma_start3A_216 = tpu.memref_slice %arg8[%dma_start3A_215] : memref<1000000xf32, #tpu.memory_space<hbm>> -> memref<1000000xf32, #tpu.memory_space<hbm>>
    tpu.enqueue_indirect_dma source(%dma_start3A_216 : memref<1000000xf32, #tpu.memory_space<hbm>>) target(%arg19 : memref<128xf32, #tpu.memory_space<vmem>>) offsets(%arg14 : memref<128xi32, #tpu.memory_space<vmem>>) semaphore(%arg23 : memref<!tpu.dma_semaphore, #tpu.memory_space<semaphore_mem>>)
    %dma_wait3A_217 = arith.constant 0 : i32
    %dma_wait3A_218 = arith.constant 0 : i32
    %dma_wait3A_219 = arith.constant 0 : i32
    %dma_wait3A_220 = tpu.memref_slice %arg20[%dma_wait3A_217, %dma_wait3A_218, %dma_wait3A_219] : memref<2x128x128xf32, #tpu.memory_space<vmem>> -> memref<1x128x128xf32, #tpu.memory_space<vmem>>
    %dma_wait3A_221 = tpu.memref_squeeze %dma_wait3A_220 : memref<1x128x128xf32, #tpu.memory_space<vmem>> -> memref<128x128xf32, #tpu.memory_space<vmem>>
    %dma_wait3A_222 = arith.constant 0 : i32
    %dma_wait3A_223 = arith.constant 0 : i32
    %dma_wait3A_224 = tpu.memref_slice %arg9[%dma_wait3A_222, %dma_wait3A_223] : memref<100000x128xf32, #tpu.memory_space<hbm>> -> memref<100000x128xf32, #tpu.memory_space<hbm>>
    tpu.wait_indirect_dma semaphore(%arg23 : memref<!tpu.dma_semaphore, #tpu.memory_space<semaphore_mem>>) src(%dma_wait3A_224 : memref<100000x128xf32, #tpu.memory_space<hbm>>) dst(%dma_wait3A_221 : memref<128x128xf32, #tpu.memory_space<vmem>>)
    %dma_wait3A_225 = arith.constant 1 : i32
    %dma_wait3A_226 = arith.constant 0 : i32
    %dma_wait3A_227 = arith.constant 0 : i32
    %dma_wait3A_228 = tpu.memref_slice %arg20[%dma_wait3A_225, %dma_wait3A_226, %dma_wait3A_227] : memref<2x128x128xf32, #tpu.memory_space<vmem>> -> memref<1x128x128xf32, #tpu.memory_space<vmem>>
    %dma_wait3A_229 = tpu.memref_squeeze %dma_wait3A_228 : memref<1x128x128xf32, #tpu.memory_space<vmem>> -> memref<128x128xf32, #tpu.memory_space<vmem>>
    %dma_wait3A_230 = arith.constant 0 : i32
    %dma_wait3A_231 = arith.constant 0 : i32
    %dma_wait3A_232 = tpu.memref_slice %arg10[%dma_wait3A_230, %dma_wait3A_231] : memref<100000x128xf32, #tpu.memory_space<hbm>> -> memref<100000x128xf32, #tpu.memory_space<hbm>>
    tpu.wait_indirect_dma semaphore(%arg23 : memref<!tpu.dma_semaphore, #tpu.memory_space<semaphore_mem>>) src(%dma_wait3A_232 : memref<100000x128xf32, #tpu.memory_space<hbm>>) dst(%dma_wait3A_229 : memref<128x128xf32, #tpu.memory_space<vmem>>)
    %dma_wait3A_233 = arith.constant 0 : i32
    %dma_wait3A_234 = arith.constant 0 : i32
    %dma_wait3A_235 = tpu.memref_slice %arg5[%dma_wait3A_233, %dma_wait3A_234] : memref<100000x16xf32, #tpu.memory_space<hbm>> -> memref<100000x16xf32, #tpu.memory_space<hbm>>
    tpu.wait_indirect_dma semaphore(%arg23 : memref<!tpu.dma_semaphore, #tpu.memory_space<semaphore_mem>>) src(%dma_wait3A_235 : memref<100000x16xf32, #tpu.memory_space<hbm>>) dst(%arg16 : memref<128x16xf32, #tpu.memory_space<vmem>>)
    %dma_wait3A_236 = arith.constant 0 : i32
    %dma_wait3A_237 = arith.constant 0 : i32
    %dma_wait3A_238 = tpu.memref_slice %arg6[%dma_wait3A_236, %dma_wait3A_237] : memref<1000000x16xf32, #tpu.memory_space<hbm>> -> memref<1000000x16xf32, #tpu.memory_space<hbm>>
    tpu.wait_indirect_dma semaphore(%arg23 : memref<!tpu.dma_semaphore, #tpu.memory_space<semaphore_mem>>) src(%dma_wait3A_238 : memref<1000000x16xf32, #tpu.memory_space<hbm>>) dst(%arg17 : memref<128x16xf32, #tpu.memory_space<vmem>>)
    %dma_wait3A_239 = arith.constant 0 : i32
    %dma_wait3A_240 = tpu.memref_slice %arg7[%dma_wait3A_239] : memref<100000xf32, #tpu.memory_space<hbm>> -> memref<100000xf32, #tpu.memory_space<hbm>>
    tpu.wait_indirect_dma semaphore(%arg23 : memref<!tpu.dma_semaphore, #tpu.memory_space<semaphore_mem>>) src(%dma_wait3A_240 : memref<100000xf32, #tpu.memory_space<hbm>>) dst(%arg18 : memref<128xf32, #tpu.memory_space<vmem>>)
    %dma_wait3A_241 = arith.constant 0 : i32
    %dma_wait3A_242 = tpu.memref_slice %arg8[%dma_wait3A_241] : memref<1000000xf32, #tpu.memory_space<hbm>> -> memref<1000000xf32, #tpu.memory_space<hbm>>
    tpu.wait_indirect_dma semaphore(%arg23 : memref<!tpu.dma_semaphore, #tpu.memory_space<semaphore_mem>>) src(%dma_wait3A_242 : memref<1000000xf32, #tpu.memory_space<hbm>>) dst(%arg19 : memref<128xf32, #tpu.memory_space<vmem>>)
    %scan3A_243 = arith.constant 0 : i32
    %scan3A_244 = arith.constant 0 : i32
    %scan3A_245 = arith.constant 8 : i32
    %scan3A_246 = arith.addi %scan3A_244, %scan3A_245 : i32
    %scan3A_247 = arith.constant 1 : i32
    scf.for %scan3A_249 = %scan3A_244 to %scan3A_246 step %scan3A_247  : i32 {
      %mul3A_250 = arith.constant 16 : i32
      %mul3A_251 = arith.muli %scan3A_249, %mul3A_250 : i32
      %add3A_252 = vector.broadcast %mul3A_251 : i32 to vector<16xi32>
      %add3A_253 = arith.addi %iota3A, %add3A_252 : vector<16xi32>
      %broadcast_in_dim3A_254 = arith.constant 0 : i32
      %broadcast_in_dim3A_255 = vector.broadcast %broadcast_in_dim3A_254 : i32 to vector<16xi32>
      %gather3A = tpu.vector_load_idx %arg16[%add3A_253, %broadcast_in_dim3A_255] : memref<128x16xf32, #tpu.memory_space<vmem>>[vector<16xi32>, vector<16xi32>], vector<16xf32>,
      %gather3A_256 = tpu.vector_load_idx %arg17[%add3A_253, %broadcast_in_dim3A_255] : memref<128x16xf32, #tpu.memory_space<vmem>>[vector<16xi32>, vector<16xi32>], vector<16xf32>,
      %mul3A_257 = arith.mulf %gather3A, %gather3A_256 : vector<16xf32>
      %add3A_258 = arith.addf %broadcast_in_dim3A_1, %mul3A_257 : vector<16xf32>
      %broadcast_in_dim3A_259 = arith.constant 1 : i32
      %broadcast_in_dim3A_260 = vector.broadcast %broadcast_in_dim3A_259 : i32 to vector<16xi32>
      %gather3A_261 = tpu.vector_load_idx %arg16[%add3A_253, %broadcast_in_dim3A_260] : memref<128x16xf32, #tpu.memory_space<vmem>>[vector<16xi32>, vector<16xi32>], vector<16xf32>,
      %gather3A_262 = tpu.vector_load_idx %arg17[%add3A_253, %broadcast_in_dim3A_260] : memref<128x16xf32, #tpu.memory_space<vmem>>[vector<16xi32>, vector<16xi32>], vector<16xf32>,
      %mul3A_263 = arith.mulf %gather3A_261, %gather3A_262 : vector<16xf32>
      %add3A_264 = arith.addf %add3A_258, %mul3A_263 : vector<16xf32>
      %broadcast_in_dim3A_265 = arith.constant 2 : i32
      %broadcast_in_dim3A_266 = vector.broadcast %broadcast_in_dim3A_265 : i32 to vector<16xi32>
      %gather3A_267 = tpu.vector_load_idx %arg16[%add3A_253, %broadcast_in_dim3A_266] : memref<128x16xf32, #tpu.memory_space<vmem>>[vector<16xi32>, vector<16xi32>], vector<16xf32>,
      %gather3A_268 = tpu.vector_load_idx %arg17[%add3A_253, %broadcast_in_dim3A_266] : memref<128x16xf32, #tpu.memory_space<vmem>>[vector<16xi32>, vector<16xi32>], vector<16xf32>,
      %mul3A_269 = arith.mulf %gather3A_267, %gather3A_268 : vector<16xf32>
      %add3A_270 = arith.addf %add3A_264, %mul3A_269 : vector<16xf32>
      %broadcast_in_dim3A_271 = arith.constant 3 : i32
      %broadcast_in_dim3A_272 = vector.broadcast %broadcast_in_dim3A_271 : i32 to vector<16xi32>
      %gather3A_273 = tpu.vector_load_idx %arg16[%add3A_253, %broadcast_in_dim3A_272] : memref<128x16xf32, #tpu.memory_space<vmem>>[vector<16xi32>, vector<16xi32>], vector<16xf32>,
      %gather3A_274 = tpu.vector_load_idx %arg17[%add3A_253, %broadcast_in_dim3A_272] : memref<128x16xf32, #tpu.memory_space<vmem>>[vector<16xi32>, vector<16xi32>], vector<16xf32>,
      %mul3A_275 = arith.mulf %gather3A_273, %gather3A_274 : vector<16xf32>
      %add3A_276 = arith.addf %add3A_270, %mul3A_275 : vector<16xf32>
      %broadcast_in_dim3A_277 = arith.constant 4 : i32
      %broadcast_in_dim3A_278 = vector.broadcast %broadcast_in_dim3A_277 : i32 to vector<16xi32>
      %gather3A_279 = tpu.vector_load_idx %arg16[%add3A_253, %broadcast_in_dim3A_278] : memref<128x16xf32, #tpu.memory_space<vmem>>[vector<16xi32>, vector<16xi32>], vector<16xf32>,
      %gather3A_280 = tpu.vector_load_idx %arg17[%add3A_253, %broadcast_in_dim3A_278] : memref<128x16xf32, #tpu.memory_space<vmem>>[vector<16xi32>, vector<16xi32>], vector<16xf32>,
      %mul3A_281 = arith.mulf %gather3A_279, %gather3A_280 : vector<16xf32>
      %add3A_282 = arith.addf %add3A_276, %mul3A_281 : vector<16xf32>
      %broadcast_in_dim3A_283 = arith.constant 5 : i32
      %broadcast_in_dim3A_284 = vector.broadcast %broadcast_in_dim3A_283 : i32 to vector<16xi32>
      %gather3A_285 = tpu.vector_load_idx %arg16[%add3A_253, %broadcast_in_dim3A_284] : memref<128x16xf32, #tpu.memory_space<vmem>>[vector<16xi32>, vector<16xi32>], vector<16xf32>,
      %gather3A_286 = tpu.vector_load_idx %arg17[%add3A_253, %broadcast_in_dim3A_284] : memref<128x16xf32, #tpu.memory_space<vmem>>[vector<16xi32>, vector<16xi32>], vector<16xf32>,
      %mul3A_287 = arith.mulf %gather3A_285, %gather3A_286 : vector<16xf32>
      %add3A_288 = arith.addf %add3A_282, %mul3A_287 : vector<16xf32>
      %broadcast_in_dim3A_289 = arith.constant 6 : i32
      %broadcast_in_dim3A_290 = vector.broadcast %broadcast_in_dim3A_289 : i32 to vector<16xi32>
      %gather3A_291 = tpu.vector_load_idx %arg16[%add3A_253, %broadcast_in_dim3A_290] : memref<128x16xf32, #tpu.memory_space<vmem>>[vector<16xi32>, vector<16xi32>], vector<16xf32>,
      %gather3A_292 = tpu.vector_load_idx %arg17[%add3A_253, %broadcast_in_dim3A_290] : memref<128x16xf32, #tpu.memory_space<vmem>>[vector<16xi32>, vector<16xi32>], vector<16xf32>,
      %mul3A_293 = arith.mulf %gather3A_291, %gather3A_292 : vector<16xf32>
      %add3A_294 = arith.addf %add3A_288, %mul3A_293 : vector<16xf32>
      %broadcast_in_dim3A_295 = arith.constant 7 : i32
      %broadcast_in_dim3A_296 = vector.broadcast %broadcast_in_dim3A_295 : i32 to vector<16xi32>
      %gather3A_297 = tpu.vector_load_idx %arg16[%add3A_253, %broadcast_in_dim3A_296] : memref<128x16xf32, #tpu.memory_space<vmem>>[vector<16xi32>, vector<16xi32>], vector<16xf32>,
      %gather3A_298 = tpu.vector_load_idx %arg17[%add3A_253, %broadcast_in_dim3A_296] : memref<128x16xf32, #tpu.memory_space<vmem>>[vector<16xi32>, vector<16xi32>], vector<16xf32>,
      %mul3A_299 = arith.mulf %gather3A_297, %gather3A_298 : vector<16xf32>
      %add3A_300 = arith.addf %add3A_294, %mul3A_299 : vector<16xf32>
      %broadcast_in_dim3A_301 = arith.constant 8 : i32
      %broadcast_in_dim3A_302 = vector.broadcast %broadcast_in_dim3A_301 : i32 to vector<16xi32>
      %gather3A_303 = tpu.vector_load_idx %arg16[%add3A_253, %broadcast_in_dim3A_302] : memref<128x16xf32, #tpu.memory_space<vmem>>[vector<16xi32>, vector<16xi32>], vector<16xf32>,
      %gather3A_304 = tpu.vector_load_idx %arg17[%add3A_253, %broadcast_in_dim3A_302] : memref<128x16xf32, #tpu.memory_space<vmem>>[vector<16xi32>, vector<16xi32>], vector<16xf32>,
      %mul3A_305 = arith.mulf %gather3A_303, %gather3A_304 : vector<16xf32>
      %add3A_306 = arith.addf %add3A_300, %mul3A_305 : vector<16xf32>
      %broadcast_in_dim3A_307 = arith.constant 9 : i32
      %broadcast_in_dim3A_308 = vector.broadcast %broadcast_in_dim3A_307 : i32 to vector<16xi32>
      %gather3A_309 = tpu.vector_load_idx %arg16[%add3A_253, %broadcast_in_dim3A_308] : memref<128x16xf32, #tpu.memory_space<vmem>>[vector<16xi32>, vector<16xi32>], vector<16xf32>,
      %gather3A_310 = tpu.vector_load_idx %arg17[%add3A_253, %broadcast_in_dim3A_308] : memref<128x16xf32, #tpu.memory_space<vmem>>[vector<16xi32>, vector<16xi32>], vector<16xf32>,
      %mul3A_311 = arith.mulf %gather3A_309, %gather3A_310 : vector<16xf32>
      %add3A_312 = arith.addf %add3A_306, %mul3A_311 : vector<16xf32>
      %broadcast_in_dim3A_313 = arith.constant 10 : i32
      %broadcast_in_dim3A_314 = vector.broadcast %broadcast_in_dim3A_313 : i32 to vector<16xi32>
      %gather3A_315 = tpu.vector_load_idx %arg16[%add3A_253, %broadcast_in_dim3A_314] : memref<128x16xf32, #tpu.memory_space<vmem>>[vector<16xi32>, vector<16xi32>], vector<16xf32>,
      %gather3A_316 = tpu.vector_load_idx %arg17[%add3A_253, %broadcast_in_dim3A_314] : memref<128x16xf32, #tpu.memory_space<vmem>>[vector<16xi32>, vector<16xi32>], vector<16xf32>,
      %mul3A_317 = arith.mulf %gather3A_315, %gather3A_316 : vector<16xf32>
      %add3A_318 = arith.addf %add3A_312, %mul3A_317 : vector<16xf32>
      %broadcast_in_dim3A_319 = arith.constant 11 : i32
      %broadcast_in_dim3A_320 = vector.broadcast %broadcast_in_dim3A_319 : i32 to vector<16xi32>
      %gather3A_321 = tpu.vector_load_idx %arg16[%add3A_253, %broadcast_in_dim3A_320] : memref<128x16xf32, #tpu.memory_space<vmem>>[vector<16xi32>, vector<16xi32>], vector<16xf32>,
      %gather3A_322 = tpu.vector_load_idx %arg17[%add3A_253, %broadcast_in_dim3A_320] : memref<128x16xf32, #tpu.memory_space<vmem>>[vector<16xi32>, vector<16xi32>], vector<16xf32>,
      %mul3A_323 = arith.mulf %gather3A_321, %gather3A_322 : vector<16xf32>
      %add3A_324 = arith.addf %add3A_318, %mul3A_323 : vector<16xf32>
      %broadcast_in_dim3A_325 = arith.constant 12 : i32
      %broadcast_in_dim3A_326 = vector.broadcast %broadcast_in_dim3A_325 : i32 to vector<16xi32>
      %gather3A_327 = tpu.vector_load_idx %arg16[%add3A_253, %broadcast_in_dim3A_326] : memref<128x16xf32, #tpu.memory_space<vmem>>[vector<16xi32>, vector<16xi32>], vector<16xf32>,
      %gather3A_328 = tpu.vector_load_idx %arg17[%add3A_253, %broadcast_in_dim3A_326] : memref<128x16xf32, #tpu.memory_space<vmem>>[vector<16xi32>, vector<16xi32>], vector<16xf32>,
      %mul3A_329 = arith.mulf %gather3A_327, %gather3A_328 : vector<16xf32>
      %add3A_330 = arith.addf %add3A_324, %mul3A_329 : vector<16xf32>
      %broadcast_in_dim3A_331 = arith.constant 13 : i32
      %broadcast_in_dim3A_332 = vector.broadcast %broadcast_in_dim3A_331 : i32 to vector<16xi32>
      %gather3A_333 = tpu.vector_load_idx %arg16[%add3A_253, %broadcast_in_dim3A_332] : memref<128x16xf32, #tpu.memory_space<vmem>>[vector<16xi32>, vector<16xi32>], vector<16xf32>,
      %gather3A_334 = tpu.vector_load_idx %arg17[%add3A_253, %broadcast_in_dim3A_332] : memref<128x16xf32, #tpu.memory_space<vmem>>[vector<16xi32>, vector<16xi32>], vector<16xf32>,
      %mul3A_335 = arith.mulf %gather3A_333, %gather3A_334 : vector<16xf32>
      %add3A_336 = arith.addf %add3A_330, %mul3A_335 : vector<16xf32>
      %broadcast_in_dim3A_337 = arith.constant 14 : i32
      %broadcast_in_dim3A_338 = vector.broadcast %broadcast_in_dim3A_337 : i32 to vector<16xi32>
      %gather3A_339 = tpu.vector_load_idx %arg16[%add3A_253, %broadcast_in_dim3A_338] : memref<128x16xf32, #tpu.memory_space<vmem>>[vector<16xi32>, vector<16xi32>], vector<16xf32>,
      %gather3A_340 = tpu.vector_load_idx %arg17[%add3A_253, %broadcast_in_dim3A_338] : memref<128x16xf32, #tpu.memory_space<vmem>>[vector<16xi32>, vector<16xi32>], vector<16xf32>,
      %mul3A_341 = arith.mulf %gather3A_339, %gather3A_340 : vector<16xf32>
      %add3A_342 = arith.addf %add3A_336, %mul3A_341 : vector<16xf32>
      %broadcast_in_dim3A_343 = arith.constant 15 : i32
      %broadcast_in_dim3A_344 = vector.broadcast %broadcast_in_dim3A_343 : i32 to vector<16xi32>
      %gather3A_345 = tpu.vector_load_idx %arg16[%add3A_253, %broadcast_in_dim3A_344] : memref<128x16xf32, #tpu.memory_space<vmem>>[vector<16xi32>, vector<16xi32>], vector<16xf32>,
      %gather3A_346 = tpu.vector_load_idx %arg17[%add3A_253, %broadcast_in_dim3A_344] : memref<128x16xf32, #tpu.memory_space<vmem>>[vector<16xi32>, vector<16xi32>], vector<16xf32>,
      %mul3A_347 = arith.mulf %gather3A_345, %gather3A_346 : vector<16xf32>
      %add3A_348 = arith.addf %add3A_342, %mul3A_347 : vector<16xf32>
      %get3A = arith.index_cast %mul3A_251 : i32 to index
      %get3A_349 = tpu.vector_load %arg18[%get3A] {strides = array<i32>} : memref<128xf32, #tpu.memory_space<vmem>>, vector<16xf32>,
      %get3A_350 = arith.index_cast %mul3A_251 : i32 to index
      %get3A_351 = tpu.vector_load %arg19[%get3A_350] {strides = array<i32>} : memref<128xf32, #tpu.memory_space<vmem>>, vector<16xf32>,
      %add3A_352 = arith.addf %get3A_349, %get3A_351 : vector<16xf32>
      %add3A_353 = arith.addf %add3A_352, %add3A_348 : vector<16xf32>
      %add3A_354 = arith.constant 0x4B400000 : f32
      %add3A_355 = vector.broadcast %add3A_354 : f32 to vector<16xf32>
      %add3A_356 = arith.addf %add3A_353, %add3A_355 : vector<16xf32>
      %sub3A = arith.constant 0x4B400000 : f32
      %sub3A_357 = vector.broadcast %sub3A : f32 to vector<16xf32>
      %sub3A_358 = arith.subf %add3A_356, %sub3A_357 : vector<16xf32>
      %jit3A = arith.constant 0.000000e+00 : f32
      %jit3A_359 = arith.constant 4.000000e+00 : f32
      %max3A = vector.broadcast %jit3A : f32 to vector<16xf32>
      %max3A_360 = arith.maximumf %max3A, %sub3A_358 : vector<16xf32>
      %min3A = vector.broadcast %jit3A_359 : f32 to vector<16xf32>
      %min3A_361 = arith.minimumf %min3A, %max3A_360 : vector<16xf32>
      %add3A_362 = arith.constant 1.500000e+00 : f32
      %add3A_363 = vector.broadcast %add3A_362 : f32 to vector<16xf32>
      %add3A_364 = arith.addf %min3A_361, %add3A_363 : vector<16xf32>
      %scan3A_365 = arith.constant 0 : i32
      %scan3A_366 = arith.constant 200 : i32
      %scan3A_367 = arith.addi %scan3A_365, %scan3A_366 : i32
      %scan3A_368 = arith.constant 8 : i32
      %scan3A_369 = scf.for %scan3A_429 = %scan3A_365 to %scan3A_367 step %scan3A_368 iter_args(%scan3A_430 = %broadcast_in_dim3A_1) -> (vector<16xf32>)  : i32 {
        %shift_right_arithmetic3A_431 = arith.constant 7 : i32
        %shift_right_arithmetic3A_432 = arith.shrsi %scan3A_429, %shift_right_arithmetic3A_431 : i32
        %broadcast_in_dim3A_433 = vector.broadcast %shift_right_arithmetic3A_432 : i32 to vector<16xi32>
        %and3A_434 = arith.constant 127 : i32
        %and3A_435 = arith.andi %scan3A_429, %and3A_434 : i32
        %broadcast_in_dim3A_436 = vector.broadcast %and3A_435 : i32 to vector<16xi32>
        %gather3A_437 = tpu.vector_load_idx %arg20[%broadcast_in_dim3A_433, %add3A_253, %broadcast_in_dim3A_436] : memref<2x128x128xf32, #tpu.memory_space<vmem>>[vector<16xi32>, vector<16xi32>, vector<16xi32>], vector<16xf32>,
        %sub3A_438 = arith.subf %add3A_364, %gather3A_437 : vector<16xf32>
        %jit3A_439 = arith.constant 0.000000e+00 : f32
        %jit3A_440 = arith.constant 1.000000e+00 : f32
        %max3A_441 = vector.broadcast %jit3A_439 : f32 to vector<16xf32>
        %max3A_442 = arith.maximumf %max3A_441, %sub3A_438 : vector<16xf32>
        %min3A_443 = vector.broadcast %jit3A_440 : f32 to vector<16xf32>
        %min3A_444 = arith.minimumf %min3A_443, %max3A_442 : vector<16xf32>
        %add3A_445 = arith.addf %scan3A_430, %min3A_444 : vector<16xf32>
        %scan3A_446 = arith.constant 1 : i32
        %scan3A_447 = arith.addi %scan3A_429, %scan3A_446 : i32
        %shift_right_arithmetic3A_448 = arith.constant 7 : i32
        %shift_right_arithmetic3A_449 = arith.shrsi %scan3A_447, %shift_right_arithmetic3A_448 : i32
        %broadcast_in_dim3A_450 = vector.broadcast %shift_right_arithmetic3A_449 : i32 to vector<16xi32>
        %and3A_451 = arith.constant 127 : i32
        %and3A_452 = arith.andi %scan3A_447, %and3A_451 : i32
        %broadcast_in_dim3A_453 = vector.broadcast %and3A_452 : i32 to vector<16xi32>
        %gather3A_454 = tpu.vector_load_idx %arg20[%broadcast_in_dim3A_450, %add3A_253, %broadcast_in_dim3A_453] : memref<2x128x128xf32, #tpu.memory_space<vmem>>[vector<16xi32>, vector<16xi32>, vector<16xi32>], vector<16xf32>,
        %sub3A_455 = arith.subf %add3A_364, %gather3A_454 : vector<16xf32>
        %jit3A_456 = arith.constant 0.000000e+00 : f32
        %jit3A_457 = arith.constant 1.000000e+00 : f32
        %max3A_458 = vector.broadcast %jit3A_456 : f32 to vector<16xf32>
        %max3A_459 = arith.maximumf %max3A_458, %sub3A_455 : vector<16xf32>
        %min3A_460 = vector.broadcast %jit3A_457 : f32 to vector<16xf32>
        %min3A_461 = arith.minimumf %min3A_460, %max3A_459 : vector<16xf32>
        %add3A_462 = arith.addf %add3A_445, %min3A_461 : vector<16xf32>
        %scan3A_463 = arith.constant 2 : i32
        %scan3A_464 = arith.addi %scan3A_429, %scan3A_463 : i32
        %shift_right_arithmetic3A_465 = arith.constant 7 : i32
        %shift_right_arithmetic3A_466 = arith.shrsi %scan3A_464, %shift_right_arithmetic3A_465 : i32
        %broadcast_in_dim3A_467 = vector.broadcast %shift_right_arithmetic3A_466 : i32 to vector<16xi32>
        %and3A_468 = arith.constant 127 : i32
        %and3A_469 = arith.andi %scan3A_464, %and3A_468 : i32
        %broadcast_in_dim3A_470 = vector.broadcast %and3A_469 : i32 to vector<16xi32>
        %gather3A_471 = tpu.vector_load_idx %arg20[%broadcast_in_dim3A_467, %add3A_253, %broadcast_in_dim3A_470] : memref<2x128x128xf32, #tpu.memory_space<vmem>>[vector<16xi32>, vector<16xi32>, vector<16xi32>], vector<16xf32>,
        %sub3A_472 = arith.subf %add3A_364, %gather3A_471 : vector<16xf32>
        %jit3A_473 = arith.constant 0.000000e+00 : f32
        %jit3A_474 = arith.constant 1.000000e+00 : f32
        %max3A_475 = vector.broadcast %jit3A_473 : f32 to vector<16xf32>
        %max3A_476 = arith.maximumf %max3A_475, %sub3A_472 : vector<16xf32>
        %min3A_477 = vector.broadcast %jit3A_474 : f32 to vector<16xf32>
        %min3A_478 = arith.minimumf %min3A_477, %max3A_476 : vector<16xf32>
        %add3A_479 = arith.addf %add3A_462, %min3A_478 : vector<16xf32>
        %scan3A_480 = arith.constant 3 : i32
        %scan3A_481 = arith.addi %scan3A_429, %scan3A_480 : i32
        %shift_right_arithmetic3A_482 = arith.constant 7 : i32
        %shift_right_arithmetic3A_483 = arith.shrsi %scan3A_481, %shift_right_arithmetic3A_482 : i32
        %broadcast_in_dim3A_484 = vector.broadcast %shift_right_arithmetic3A_483 : i32 to vector<16xi32>
        %and3A_485 = arith.constant 127 : i32
        %and3A_486 = arith.andi %scan3A_481, %and3A_485 : i32
        %broadcast_in_dim3A_487 = vector.broadcast %and3A_486 : i32 to vector<16xi32>
        %gather3A_488 = tpu.vector_load_idx %arg20[%broadcast_in_dim3A_484, %add3A_253, %broadcast_in_dim3A_487] : memref<2x128x128xf32, #tpu.memory_space<vmem>>[vector<16xi32>, vector<16xi32>, vector<16xi32>], vector<16xf32>,
        %sub3A_489 = arith.subf %add3A_364, %gather3A_488 : vector<16xf32>
        %jit3A_490 = arith.constant 0.000000e+00 : f32
        %jit3A_491 = arith.constant 1.000000e+00 : f32
        %max3A_492 = vector.broadcast %jit3A_490 : f32 to vector<16xf32>
        %max3A_493 = arith.maximumf %max3A_492, %sub3A_489 : vector<16xf32>
        %min3A_494 = vector.broadcast %jit3A_491 : f32 to vector<16xf32>
        %min3A_495 = arith.minimumf %min3A_494, %max3A_493 : vector<16xf32>
        %add3A_496 = arith.addf %add3A_479, %min3A_495 : vector<16xf32>
        %scan3A_497 = arith.constant 4 : i32
        %scan3A_498 = arith.addi %scan3A_429, %scan3A_497 : i32
        %shift_right_arithmetic3A_499 = arith.constant 7 : i32
        %shift_right_arithmetic3A_500 = arith.shrsi %scan3A_498, %shift_right_arithmetic3A_499 : i32
        %broadcast_in_dim3A_501 = vector.broadcast %shift_right_arithmetic3A_500 : i32 to vector<16xi32>
        %and3A_502 = arith.constant 127 : i32
        %and3A_503 = arith.andi %scan3A_498, %and3A_502 : i32
        %broadcast_in_dim3A_504 = vector.broadcast %and3A_503 : i32 to vector<16xi32>
        %gather3A_505 = tpu.vector_load_idx %arg20[%broadcast_in_dim3A_501, %add3A_253, %broadcast_in_dim3A_504] : memref<2x128x128xf32, #tpu.memory_space<vmem>>[vector<16xi32>, vector<16xi32>, vector<16xi32>], vector<16xf32>,
        %sub3A_506 = arith.subf %add3A_364, %gather3A_505 : vector<16xf32>
        %jit3A_507 = arith.constant 0.000000e+00 : f32
        %jit3A_508 = arith.constant 1.000000e+00 : f32
        %max3A_509 = vector.broadcast %jit3A_507 : f32 to vector<16xf32>
        %max3A_510 = arith.maximumf %max3A_509, %sub3A_506 : vector<16xf32>
        %min3A_511 = vector.broadcast %jit3A_508 : f32 to vector<16xf32>
        %min3A_512 = arith.minimumf %min3A_511, %max3A_510 : vector<16xf32>
        %add3A_513 = arith.addf %add3A_496, %min3A_512 : vector<16xf32>
        %scan3A_514 = arith.constant 5 : i32
        %scan3A_515 = arith.addi %scan3A_429, %scan3A_514 : i32
        %shift_right_arithmetic3A_516 = arith.constant 7 : i32
        %shift_right_arithmetic3A_517 = arith.shrsi %scan3A_515, %shift_right_arithmetic3A_516 : i32
        %broadcast_in_dim3A_518 = vector.broadcast %shift_right_arithmetic3A_517 : i32 to vector<16xi32>
        %and3A_519 = arith.constant 127 : i32
        %and3A_520 = arith.andi %scan3A_515, %and3A_519 : i32
        %broadcast_in_dim3A_521 = vector.broadcast %and3A_520 : i32 to vector<16xi32>
        %gather3A_522 = tpu.vector_load_idx %arg20[%broadcast_in_dim3A_518, %add3A_253, %broadcast_in_dim3A_521] : memref<2x128x128xf32, #tpu.memory_space<vmem>>[vector<16xi32>, vector<16xi32>, vector<16xi32>], vector<16xf32>,
        %sub3A_523 = arith.subf %add3A_364, %gather3A_522 : vector<16xf32>
        %jit3A_524 = arith.constant 0.000000e+00 : f32
        %jit3A_525 = arith.constant 1.000000e+00 : f32
        %max3A_526 = vector.broadcast %jit3A_524 : f32 to vector<16xf32>
        %max3A_527 = arith.maximumf %max3A_526, %sub3A_523 : vector<16xf32>
        %min3A_528 = vector.broadcast %jit3A_525 : f32 to vector<16xf32>
        %min3A_529 = arith.minimumf %min3A_528, %max3A_527 : vector<16xf32>
        %add3A_530 = arith.addf %add3A_513, %min3A_529 : vector<16xf32>
        %scan3A_531 = arith.constant 6 : i32
        %scan3A_532 = arith.addi %scan3A_429, %scan3A_531 : i32
        %shift_right_arithmetic3A_533 = arith.constant 7 : i32
        %shift_right_arithmetic3A_534 = arith.shrsi %scan3A_532, %shift_right_arithmetic3A_533 : i32
        %broadcast_in_dim3A_535 = vector.broadcast %shift_right_arithmetic3A_534 : i32 to vector<16xi32>
        %and3A_536 = arith.constant 127 : i32
        %and3A_537 = arith.andi %scan3A_532, %and3A_536 : i32
        %broadcast_in_dim3A_538 = vector.broadcast %and3A_537 : i32 to vector<16xi32>
        %gather3A_539 = tpu.vector_load_idx %arg20[%broadcast_in_dim3A_535, %add3A_253, %broadcast_in_dim3A_538] : memref<2x128x128xf32, #tpu.memory_space<vmem>>[vector<16xi32>, vector<16xi32>, vector<16xi32>], vector<16xf32>,
        %sub3A_540 = arith.subf %add3A_364, %gather3A_539 : vector<16xf32>
        %jit3A_541 = arith.constant 0.000000e+00 : f32
        %jit3A_542 = arith.constant 1.000000e+00 : f32
        %max3A_543 = vector.broadcast %jit3A_541 : f32 to vector<16xf32>
        %max3A_544 = arith.maximumf %max3A_543, %sub3A_540 : vector<16xf32>
        %min3A_545 = vector.broadcast %jit3A_542 : f32 to vector<16xf32>
        %min3A_546 = arith.minimumf %min3A_545, %max3A_544 : vector<16xf32>
        %add3A_547 = arith.addf %add3A_530, %min3A_546 : vector<16xf32>
        %scan3A_548 = arith.constant 7 : i32
        %scan3A_549 = arith.addi %scan3A_429, %scan3A_548 : i32
        %shift_right_arithmetic3A_550 = arith.constant 7 : i32
        %shift_right_arithmetic3A_551 = arith.shrsi %scan3A_549, %shift_right_arithmetic3A_550 : i32
        %broadcast_in_dim3A_552 = vector.broadcast %shift_right_arithmetic3A_551 : i32 to vector<16xi32>
        %and3A_553 = arith.constant 127 : i32
        %and3A_554 = arith.andi %scan3A_549, %and3A_553 : i32
        %broadcast_in_dim3A_555 = vector.broadcast %and3A_554 : i32 to vector<16xi32>
        %gather3A_556 = tpu.vector_load_idx %arg20[%broadcast_in_dim3A_552, %add3A_253, %broadcast_in_dim3A_555] : memref<2x128x128xf32, #tpu.memory_space<vmem>>[vector<16xi32>, vector<16xi32>, vector<16xi32>], vector<16xf32>,
        %sub3A_557 = arith.subf %add3A_364, %gather3A_556 : vector<16xf32>
        %jit3A_558 = arith.constant 0.000000e+00 : f32
        %jit3A_559 = arith.constant 1.000000e+00 : f32
        %max3A_560 = vector.broadcast %jit3A_558 : f32 to vector<16xf32>
        %max3A_561 = arith.maximumf %max3A_560, %sub3A_557 : vector<16xf32>
        %min3A_562 = vector.broadcast %jit3A_559 : f32 to vector<16xf32>
        %min3A_563 = arith.minimumf %min3A_562, %max3A_561 : vector<16xf32>
        %add3A_564 = arith.addf %add3A_547, %min3A_563 : vector<16xf32>
        scf.yield %add3A_564 : vector<16xf32>
      }
      %scan3A_370 = arith.constant 200 : i32
      %get3A_371 = arith.index_cast %mul3A_251 : i32 to index
      %get3A_372 = tpu.vector_load %arg15[%get3A_371] {strides = array<i32>} : memref<128xi32, #tpu.memory_space<vmem>>, vector<16xi32>,
      %shift_right_arithmetic3A = arith.constant 7 : i32
      %shift_right_arithmetic3A_373 = vector.broadcast %shift_right_arithmetic3A : i32 to vector<16xi32>
      %shift_right_arithmetic3A_374 = arith.shrsi %get3A_372, %shift_right_arithmetic3A_373 : vector<16xi32>
      %and3A = arith.constant 127 : i32
      %and3A_375 = vector.broadcast %and3A : i32 to vector<16xi32>
      %and3A_376 = arith.andi %get3A_372, %and3A_375 : vector<16xi32>
      %gather3A_377 = tpu.vector_load_idx %arg20[%shift_right_arithmetic3A_374, %add3A_253, %and3A_376] : memref<2x128x128xf32, #tpu.memory_space<vmem>>[vector<16xi32>, vector<16xi32>, vector<16xi32>], vector<16xf32>,
      %sub3A_378 = arith.subf %add3A_364, %gather3A_377 : vector<16xf32>
      %jit3A_379 = arith.constant 0.000000e+00 : f32
      %jit3A_380 = arith.constant 1.000000e+00 : f32
      %max3A_381 = vector.broadcast %jit3A_379 : f32 to vector<16xf32>
      %max3A_382 = arith.maximumf %max3A_381, %sub3A_378 : vector<16xf32>
      %min3A_383 = vector.broadcast %jit3A_380 : f32 to vector<16xf32>
      %min3A_384 = arith.minimumf %min3A_383, %max3A_382 : vector<16xf32>
      %sub3A_385 = arith.subf %scan3A_369, %min3A_384 : vector<16xf32>
      %sub3A_386 = arith.constant 1.000000e+00 : f32
      %sub3A_387 = vector.broadcast %sub3A_386 : f32 to vector<16xf32>
      %sub3A_388 = arith.subf %add3A_353, %sub3A_387 : vector<16xf32>
      %div3A = arith.constant 8.000000e-01 : f32
      %div3A_389 = vector.broadcast %div3A : f32 to vector<16xf32>
      %div3A_390 = arith.divf %sub3A_388, %div3A_389 : vector<16xf32>
      %convert_element_type3A = arith.fptosi %div3A_390 : vector<16xf32> to vector<16xi32>
      %convert_element_type3A_391 = arith.sitofp %convert_element_type3A : vector<16xi32> to vector<16xf32>
      %gt3A = arith.cmpf ogt, %convert_element_type3A_391, %div3A_390 : vector<16xf32>
      %jit3A_392 = arith.constant 1 : i32
      %jit3A_393 = arith.constant 0 : i32
      %broadcast_in_dim3A_394 = vector.broadcast %jit3A_392 : i32 to vector<16xi32>
      %broadcast_in_dim3A_395 = vector.broadcast %jit3A_393 : i32 to vector<16xi32>
      %select_n3A = arith.select %gt3A, %broadcast_in_dim3A_394, %broadcast_in_dim3A_395 : vector<16xi1>, vector<16xi32>
      %sub3A_396 = arith.subi %convert_element_type3A, %select_n3A : vector<16xi32>
      %jit3A_397 = arith.constant 0 : i32
      %jit3A_398 = arith.constant 4 : i32
      %max3A_399 = vector.broadcast %jit3A_397 : i32 to vector<16xi32>
      %max3A_400 = arith.maxsi %max3A_399, %sub3A_396 : vector<16xi32>
      %min3A_401 = vector.broadcast %jit3A_398 : i32 to vector<16xi32>
      %min3A_402 = arith.minsi %min3A_401, %max3A_400 : vector<16xi32>
      %convert_element_type3A_403 = arith.sitofp %min3A_402 : vector<16xi32> to vector<16xf32>
      %ge3A = arith.constant 1.000000e+00 : f32
      %ge3A_404 = vector.broadcast %ge3A : f32 to vector<16xf32>
      %ge3A_405 = arith.cmpf oge, %add3A_353, %ge3A_404 : vector<16xf32>
      %le3A = arith.constant 5.000000e+00 : f32
      %le3A_406 = vector.broadcast %le3A : f32 to vector<16xf32>
      %le3A_407 = arith.cmpf ole, %add3A_353, %le3A_406 : vector<16xf32>
      %and3A_408 = arith.andi %ge3A_405, %le3A_407 : vector<16xi1>
      %jit3A_409 = arith.constant 1.000000e+00 : f32
      %jit3A_410 = arith.constant 0.000000e+00 : f32
      %broadcast_in_dim3A_411 = vector.broadcast %jit3A_409 : f32 to vector<16xf32>
      %broadcast_in_dim3A_412 = vector.broadcast %jit3A_410 : f32 to vector<16xf32>
      %select_n3A_413 = arith.select %and3A_408, %broadcast_in_dim3A_411, %broadcast_in_dim3A_412 : vector<16xi1>, vector<16xf32>
      %add3A_414 = arith.constant 5.000000e-01 : f32
      %add3A_415 = vector.broadcast %add3A_414 : f32 to vector<16xf32>
      %add3A_416 = arith.addf %min3A_361, %add3A_415 : vector<16xf32>
      %sub3A_417 = arith.subf %add3A_416, %convert_element_type3A_403 : vector<16xf32>
      %jit3A_418 = arith.constant 0.000000e+00 : f32
      %jit3A_419 = arith.constant 1.000000e+00 : f32
      %max3A_420 = vector.broadcast %jit3A_418 : f32 to vector<16xf32>
      %max3A_421 = arith.maximumf %max3A_420, %sub3A_417 : vector<16xf32>
      %min3A_422 = vector.broadcast %jit3A_419 : f32 to vector<16xf32>
      %min3A_423 = arith.minimumf %min3A_422, %max3A_421 : vector<16xf32>
      %mul3A_424 = arith.mulf %select_n3A_413, %min3A_423 : vector<16xf32>
      %add3A_425 = arith.addf %sub3A_385, %mul3A_424 : vector<16xf32>
      %swap3A = arith.index_cast %mul3A_251 : i32 to index
      %swap3A_426 = tpu.vector_load %arg21[%swap3A] {strides = array<i32>} : memref<128xf32, #tpu.memory_space<vmem>>, vector<16xf32>,
      tpu.vector_store %arg21[%swap3A], %add3A_353 {strides = array<i32>} : memref<128xf32, #tpu.memory_space<vmem>>, vector<16xf32>,
      %swap3A_427 = arith.index_cast %mul3A_251 : i32 to index
      %swap3A_428 = tpu.vector_load %arg22[%swap3A_427] {strides = array<i32>} : memref<128xf32, #tpu.memory_space<vmem>>, vector<16xf32>,
      tpu.vector_store %arg22[%swap3A_427], %add3A_425 {strides = array<i32>} : memref<128xf32, #tpu.memory_space<vmem>>, vector<16xf32>,
    }
    %scan3A_248 = arith.constant 8 : i32
    "tpu.region"() ({
      %run_scoped3A = tpu.sem_alloc : memref<!tpu.dma_semaphore, #tpu.memory_space<semaphore_mem>>
      %dma_start3A_249 = tpu.memref_slice %arg11[%add3A_190] : memref<16384xf32, #tpu.memory_space<hbm>> -> memref<128xf32, #tpu.memory_space<hbm>>
      %dma_start3A_250 = tpu.memref_slice %arg11[%add3A_190] : memref<16384xf32, #tpu.memory_space<hbm>> -> memref<128xf32, #tpu.memory_space<hbm>>
      tpu.enqueue_dma source(%arg21 : memref<128xf32, #tpu.memory_space<vmem>>) target(%dma_start3A_250 : memref<128xf32, #tpu.memory_space<hbm>>) target_semaphore(%run_scoped3A : memref<!tpu.dma_semaphore, #tpu.memory_space<semaphore_mem>>)
      %dma_wait3A_251 = tpu.memref_slice %arg11[%add3A_190] : memref<16384xf32, #tpu.memory_space<hbm>> -> memref<128xf32, #tpu.memory_space<hbm>>
      %dma_wait3A_252 = tpu.memref_slice %arg11[%add3A_190] : memref<16384xf32, #tpu.memory_space<hbm>> -> memref<128xf32, #tpu.memory_space<hbm>>
      tpu.wait_dma2 semaphore(%run_scoped3A : memref<!tpu.dma_semaphore, #tpu.memory_space<semaphore_mem>>) src(%arg21 : memref<128xf32, #tpu.memory_space<vmem>>) dst(%dma_wait3A_252 : memref<128xf32, #tpu.memory_space<hbm>>)
      tpu.yield
    }) : () -> ()
    "tpu.region"() ({
      %run_scoped3A = tpu.sem_alloc : memref<!tpu.dma_semaphore, #tpu.memory_space<semaphore_mem>>
      %dma_start3A_249 = tpu.memref_slice %arg12[%add3A_190] : memref<16384xf32, #tpu.memory_space<hbm>> -> memref<128xf32, #tpu.memory_space<hbm>>
      %dma_start3A_250 = tpu.memref_slice %arg12[%add3A_190] : memref<16384xf32, #tpu.memory_space<hbm>> -> memref<128xf32, #tpu.memory_space<hbm>>
      tpu.enqueue_dma source(%arg22 : memref<128xf32, #tpu.memory_space<vmem>>) target(%dma_start3A_250 : memref<128xf32, #tpu.memory_space<hbm>>) target_semaphore(%run_scoped3A : memref<!tpu.dma_semaphore, #tpu.memory_space<semaphore_mem>>)
      %dma_wait3A_251 = tpu.memref_slice %arg12[%add3A_190] : memref<16384xf32, #tpu.memory_space<hbm>> -> memref<128xf32, #tpu.memory_space<hbm>>
      %dma_wait3A_252 = tpu.memref_slice %arg12[%add3A_190] : memref<16384xf32, #tpu.memory_space<hbm>> -> memref<128xf32, #tpu.memory_space<hbm>>
      tpu.wait_dma2 semaphore(%run_scoped3A : memref<!tpu.dma_semaphore, #tpu.memory_space<semaphore_mem>>) src(%arg22 : memref<128xf32, #tpu.memory_space<vmem>>) dst(%dma_wait3A_252 : memref<128xf32, #tpu.memory_space<hbm>>)
      tpu.yield
    }) : () -> ()
    return
  }
}

</mosaic_0001>

<sc_bundles>
// kernel: kernel.3.cloned.1.call-start
scs
__scs_entry_jumppad:
0x0: {  	(pc) =	sbr.rel $0x88, $3  }
0x1: {  	(tag) =	ssettag $0x0;
	lr =	simm.s32 $0x1  }
0x2: {  	[smem:$0x3F99] =	sst lr;
	_ =	strace $0xD0000000  }
0x3: {  	_ = 	snop  }
0x4: {  	_ = 	snop  }
0x5: {  	_ = 	snop  }
0x6: {  	_ = 	snop  }
0x7: {  	_ = 	snop  }
__scs_overlays_trampoline_lowered:
0x8: {  	[smem:$0x3FA8] =	sst s0  }
0x9: {  	[smem:$0x3FA9] =	sst s1  }
0xa: {  	[smem:$0x3FAA] =	sst s2  }
0xb: {  	[smem:$0x3FAB] =	sst s3  }
0xc: {  	[smem:$0x3FAC] =	sst s4  }
0xd: {  	[smem:$0x3FAD] =	sst s5  }
0xe: {  	[smem:$0x3FAE] =	sst s6  }
0xf: {  	[smem:$0x3FAF] =	sst s7  }
0x10: {  	[smem:$0x3FB0] =	sst s8  }
0x11: {  	[smem:$0x3FB1] =	sst s9;
	s0 =	simm.s32 @!p0 $0x0  }
0x12: {  	s1 =	sld [smem:$0x3F97];
	s0 =	simm.s32 @p0 $0x1  }
0x13: {  	[smem:$0x3FB2] =	sst s0;
	s0 =	simm.s32 @!p1 $0x0  }
0x14: {  	s2 =	sld [smem:$0x3F96];
	s0 =	simm.s32 @p1 $0x1  }
0x15: {  	[smem:$0x3FB3] =	sst s0;
	s0 =	simm.s32 @!p2 $0x0  }
0x16: {  	s3 =	sld [smem:$0x3FDB];
	s0 =	simm.s32 @p2 $0x1  }
0x17: {  	s4 =	simm.s32 $0x1BF5;
	[smem:$0x3FB5] =	sst s0  }
0x18: {  	s0 =	sld [smem:$0x3F98];
	_ =	swait.ge [sflag:s4], $0x0  }
0x19: {  	s7 =	sld [smem:$0x3F99]  }
0x1a: {  	s8 =	sadd.s32 $0xFFFFE003, lr  }
0x1b: {  	s9 =	sadd.s32 $0xFFFFFEF7, lr;
	s5 =	simm.s32 $0xFFFFFFFF;
	p2 =	slt.u32 s8, $0xFFFFF086  }
0x1c: {  	p1 =	slt.u32 s9, $0xF7A;
	s5 =	simm.s32 @!p2 $0x0  }
0x1d: {  	s5 =	simm.s32 @p1 $0x1;
	p0 =	seq.s32 s7, s2  }
0x1e: {  	s7 =	smul.u32 @!p0 $0xF7A, s2;
	p2 =	seq.s32 @!p0 s5, $0x0  }
0x1f: {  	s9 =	smul.u32 $0xF7A, s1;
	s8 =	simm.s32 @!p0 $0x1BF5;
	p2 =	por !p2, p0  }
0x20: {  	[sflag:s8] =	ssyncset.s32 @!p0 $0xFFFFF086;
	s6 =	sadd.s32 @!p0 s3, s7;
	s7 =	simm.s32 @!p0 $0x108  }
0x21: {  	s3 =	sadd.s32 s3, s9;
	s6 =	sadd.s32 @!p0 $0x88, s6;
	s7 =	simm.s32 @p2 $0x1082  }
0x22: {  	[simem:s7], [sflag:s8] =	dma.local @!p0 [hbm:s6], $0xF7A  }
0x23: {  	s9 =	sor.u32 $0xD0000000, s2;
	s6 =	simm.s32 $0x108;
	_ =	swait.ge @!p0 [sflag:s8], $0x0  }
0x24: {  	s3 =	sadd.s32 $0x88, s3;
	s6 =	simm.s32 @!p1 $0x1082;
	[sflag:s4] =	ssyncset.s32 $0xFFFFF086  }
0x25: {  	[simem:s6], [sflag:s4] =	dma.local [hbm:s3], $0xF7A  }
0x26: {  	[smem:$0x3F99] =	sst s1;
	(tag) =	ssettag s2;
	_ =	strace s9  }
0x27: {  	s1 =	sld [smem:$0x3FA9]  }
0x28: {  	s2 =	sld [smem:$0x3FAA]  }
0x29: {  	s4 =	sld [smem:$0x3FAC]  }
0x2a: {  	p0 =	seq.s32 s5, $0x0;
	s5 =	sld [smem:$0x3FAD]  }
0x2b: {  	s6 =	sld [smem:$0x3FAE]  }
0x2c: {  	s7 =	sld [smem:$0x3FAF]  }
0x2d: {  	s3 =	simm.s32 $0x108;
	s8 =	sld [smem:$0x3FB0]  }
0x2e: {  	s3 =	simm.s32 @!p0 $0x1082;
	s9 =	sld [smem:$0x3FB1]  }
0x2f: {  	lr =	sadd.s32 s0, s3;
	s0 =	sld [smem:$0x3FA8]  }
0x30: {  	s3 =	sld [smem:$0x3FAB]  }
0x31: {  	[smem:$0x3FB4] =	sst s10  }
0x32: {  	s10 =	sld [smem:$0x3FB2];
	_ =	sdelay $0x3  }
0x33: {  	p0 =	seq.s32 s10, $0x1;
	s10 =	sld [smem:$0x3FB4];
	_ =	sdelay $0x3  }
0x34: {  	[smem:$0x3FB4] =	sst s10  }
0x35: {  	s10 =	sld [smem:$0x3FB3];
	_ =	sdelay $0x3  }
0x36: {  	p1 =	seq.s32 s10, $0x1;
	s10 =	sld [smem:$0x3FB4];
	_ =	sdelay $0x3  }
0x37: {  	[smem:$0x3FB4] =	sst s10  }
0x38: {  	s10 =	sld [smem:$0x3FB5]  }
0x39: {  	_ = 	snop;
	(pc) =	sbr.ind lr, $3  }
0x3a: {  	_ = 	snop  }
0x3b: {  	_ = 	snop  }
0x3c: {  	p2 =	seq.s32 s10, $0x1;
	s10 =	sld [smem:$0x3FB4]  }
0x3d: {  	_ =	shalt  }
0x3e: {  	_ =	shalt  }
0x3f: {  	_ =	shalt  }
0x40: {  	_ =	shalt  }
0x41: {  	_ =	shalt  }
0x42: {  	_ =	shalt  }
0x43: {  	_ =	shalt  }
0x44: {  	_ =	shalt  }
0x45: {  	_ =	shalt  }
0x46: {  	_ =	shalt  }
0x47: {  	_ =	shalt  }
0x48: {  	_ =	shalt  }
0x49: {  	_ =	shalt  }
0x4a: {  	_ =	shalt  }
0x4b: {  	_ =	shalt  }
0x4c: {  	_ =	shalt  }
0x4d: {  	_ =	shalt  }
0x4e: {  	_ =	shalt  }
0x4f: {  	_ =	shalt  }
0x50: {  	_ =	shalt  }
0x51: {  	_ =	shalt  }
0x52: {  	_ =	shalt  }
0x53: {  	_ =	shalt  }
0x54: {  	_ =	shalt  }
0x55: {  	_ =	shalt  }
0x56: {  	_ =	shalt  }
0x57: {  	_ =	shalt  }
0x58: {  	_ =	shalt  }
0x59: {  	_ =	shalt  }
0x5a: {  	_ =	shalt  }
0x5b: {  	_ =	shalt  }
0x5c: {  	_ =	shalt  }
0x5d: {  	_ =	shalt  }
0x5e: {  	_ =	shalt  }
0x5f: {  	_ =	shalt  }
0x60: {  	_ =	shalt  }
0x61: {  	_ =	shalt  }
0x62: {  	_ =	shalt  }
0x63: {  	_ =	shalt  }
0x64: {  	_ =	shalt  }
0x65: {  	_ =	shalt  }
0x66: {  	_ =	shalt  }
0x67: {  	_ =	shalt  }
0x68: {  	_ =	shalt  }
0x69: {  	_ =	shalt  }
0x6a: {  	_ =	shalt  }
0x6b: {  	_ =	shalt  }
0x6c: {  	_ =	shalt  }
0x6d: {  	_ =	shalt  }
0x6e: {  	_ =	shalt  }
0x6f: {  	_ =	shalt  }
0x70: {  	_ =	shalt  }
0x71: {  	_ =	shalt  }
0x72: {  	_ =	shalt  }
0x73: {  	_ =	shalt  }
0x74: {  	_ =	shalt  }
0x75: {  	_ =	shalt  }
0x76: {  	_ =	shalt  }
0x77: {  	_ =	shalt  }
0x78: {  	_ =	shalt  }
0x79: {  	_ =	shalt  }
0x7a: {  	_ =	shalt  }
0x7b: {  	_ =	shalt  }
0x7c: {  	_ =	shalt  }
0x7d: {  	_ =	shalt  }
0x7e: {  	_ =	shalt  }
0x7f: {  	_ =	shalt  }
0x80: {  	_ =	shalt  }
0x81: {  	_ =	shalt  }
0x82: {  	_ =	shalt  }
0x83: {  	_ =	shalt  }
0x84: {  	_ =	shalt  }
0x85: {  	_ =	shalt  }
0x86: {  	_ =	shalt  }
0x87: {  	_ =	shalt  }
.Lfunc_end0:
.L_simem_size_0:
called_computation.1_lowered:
.L_overlay_start_0:
0x88: {  	s2 =	sld [smem:$0x3FD9]  }
0x89: {  	s3 =	sld [smem:$0x3FFE];
	_ =	sdelay $0x1  }
0x8a: {  	s1 =	srdreg.scid  }
0x8b: {  	s0 =	sand.u32 $0x1, s1  }
0x8c: {  	s17 =	sshll.u32 s0, $0xA;
	s2 =	sadd.s32 s3, s2  }
0x8d: {  	s2 =	sadd.s32 s2, s17  }
0x8e: {  	[smem:$0x3FC0] =	sst s2  }
0x8f: {  	_ = 	snop  }
0x90: {  	s2 =	sld [smem:$0x3FC9]  }
0x91: {  	s18 =	sld [smem:$0x3FC8]  }
0x92: {  	s4 =	sld [smem:$0x3FC2]  }
0x93: {  	s5 =	sld [smem:$0x3FD0];
	(tm) =	ssettm $0x1  }
0x94: {  	s6 =	sld [smem:$0x3FFB];
	_ =	sdelay $0x3  }
0x95: {  	_ =	strace s6  }
0x96: {  	s6 =	sld [smem:$0x3FFC];
	_ =	sdelay $0x3  }
0x97: {  	_ =	strace s6  }
0x98: {  	s6 =	sld [smem:$0x3FFD];
	_ =	sdelay $0x3  }
0x99: {  	_ =	strace s6  }
0x9a: {  	_ =	strace $0x8FFFFFFF  }
0x9b: {  	s19 =	sld [smem:$0x3FDB];
	_ =	sdelay $0x1  }
0x9c: {  	s7 =	simm.s32 $_scs_section_size  }
0x9d: {  	s8 =	simm.s32 $_size__tile_overlayer_lowered;
	s9 =	simm.s32 $_tile_overlayer_lowered  }
0x9e: {  	s22 =	simm.s32 $0x1BFF;
	s21 =	sshll.u32 s9, $0x1;
	s6 =	sadd.s32 s7, s19  }
0x9f: {  	s10 =	simm.s32 $0x0;
	s20 =	sshll.u32 s8, $0x1;
	s8 =	sadd.s32 s21, s6  }
0xa0: {  	[timem:s10], [sflag:s22] =	dma.local [hbm:s8], s20  }
0xa1: {  	_ =	swait.ge [sflag:s22], s20  }
0xa2: {  	s7 =	ssub.s32 $0x0, s20;
	[sflag:s22] =	ssyncset.done $0x0  }
0xa3: {  	[sflag:s22] =	ssyncadd.s32 s7;
	_ =	sdelay $0x1  }
0xa4: {  	s23 =	simm.s32 $0x1B8B  }
0xa5: {  	_ =	swait.ge [sflag:s23], $0x1  }
0xa6: {  	[sflag:s23] =	ssyncset.done $0x0  }
0xa7: {  	s25 =	simm.s32 $0x1B8E;
	s24 =	sld [smem:$0x3FFE];
	[sflag:s23] =	ssyncadd.s32 $0xFFFFFFFF  }
0xa8: {  	s26 =	simm.s32 $execute0_lowered;
	[smem:$0x3FD2] =	sst s25  }
0xa9: {  	s8 =	sshll.u32 s26, $0x1;
	_ =	strace $0x80000049;
	[dreg:$0x1] =	wrdreg $0xFFFFFFFF  }
0xaa: {  	s28 =	simm.s32 $_size_execute0_lowered;
	s6 =	sadd.s32 s6, s8;
	[dreg:$0x0] =	wrdreg $0x0  }
0xab: {  	s8 =	sshll.u32 s28, $0x1;
	[dreg:$0x2] =	wrdreg s6  }
0xac: {  	[dreg:$0x3] =	wrdreg s8  }
0xad: {  	[dreg:$0x4] =	wrdreg $0xC0  }
0xae: {  	_ =	task [dreg:s10], $0x5FFFF  }
0xaf: {  	[dreg:$0x1] =	wrdreg $0xFFFFFFFF  }
0xb0: {  	[dreg:$0x0] =	wrdreg $0x60  }
0xb1: {  	[dreg:$0x2] =	wrdreg s2  }
0xb2: {  	[dreg:$0x3] =	wrdreg s18  }
0xb3: {  	[dreg:$0x4] =	wrdreg s4  }
0xb4: {  	[dreg:$0x5] =	wrdreg s24  }
0xb5: {  	[dreg:$0x6] =	wrdreg s5  }
0xb6: {  	[dreg:$0x7] =	wrdreg $0x9  }
0xb7: {  	_ =	task.clear_ibuf [dreg:s10], $0x8FFFF;
	_ =	strace $0x90000049  }
0xb8: {  	s29 =	simm.s32 $0x9;
	_ =	strace $0x8000004B  }
0xb9: {  	_ =	swait.ge [sflag:s29], $0x1  }
0xba: {  	[sflag:s29] =	ssyncadd.s32 $0xFFFFFFFF  }
0xbb: {  	_ =	strace $0x9000004B  }
0xbc: {  	_ =	sfence  }
0xbd: {  	s30 =	sld [smem:$0x0];
	_ =	sdelay $0x2  }
0xbe: {  	s31 =	sshll.u32 s1, $0xD;
	s1 =	sshrl.u32 s1, $0x2  }
0xbf: {  	s3 =	sand.u32 $0x4000, s31;
	s1 =	sadd.s32 s1, s30  }
0xc0: {  	s0 =	sor.u32 s3, s0;
	s1 =	sshll.u32 s1, $0x11  }
0xc1: {  	s0 =	sor.u32 s1, s0  }
0xc2: {  	s0 =	sadd.s32 $0x8F2B, s0  }
0xc3: {  	[sflag:s0] =	ssyncadd.remote.s32 $0x1  }
0xc4: {  	_ =	sfence.sel $0xFFFF  }
0xc5: {  	[dreg:$0x0] =	wrdreg $0xFFFFFFFF;
	(pc) =	sbr.abs _section_cstart, $3  }
0xc6: {  	[dreg:$0x1] =	wrdreg $0xFFFFFFFF  }
0xc7: {  	_ =	task.clear_ibuf [dreg:s10], $0x2FFFF;
	_ =	strace $0x9FFFFFFF  }
0xc8: {  	(tm) =	ssettm $0x7FFFFFFF  }
0xc9: {  	_ =	shalt  }
tec
execute0_lowered:
.L_overlay_start_1:
0x0: {  	(tag) =	ssettag $0x1  }
0x1: {  	s0 =	rddreg [dreg:$0x0]  }
0x2: {  	s1 =	rddreg [dreg:$0x1]  }
0x3: {  	s3 =	rddreg [dreg:$0x2]  }
0x4: {  	s4 =	rddreg [dreg:$0x3]  }
0x5: {  	s5 =	rddreg [dreg:$0x4];
	s2 =	simm.s32 $0x0  }
0x6: {  	s6 =	srdreg.scid;
	s8 =	stileid.u32;
	s31 =	simm.s32 $0x2  }
0x7: {  	s12 =	simm.s32 $0x0;
	[smem:$0x7FF] =	sst s2;
	s6 =	sand.u32 $0x1, s6  }
0x8: {  	s8 =	sshll.u32 s8, $0x7;
	s7 =	ssub.s32 $0x2, s6;
	s6 =	sshll.u32 s6, $0x6  }
0x9: {  	s13 =	sadd.s32 $0x4B6A00, s4;
	s28 =	sadd.s32 $0x187A00, s4;
	s6 =	sor.u32 s6, s8  }
0xa: {  	s29 =	sadd.s32 $0x64C600, s4;
	_ =	strace $0x8000004A;
	s14 =	sadd.s32 s0, s6  }
0xb: {  	s9 =	sshrl.u32 s7, $0x1;
	s15 =	sadd.s32 s1, s6;
	[dreg:$0x6] =	wrdreg s14  }
0xc: {  	s8 =	simm.s32 $0x1200;
	s16 =	sadd.s32 s3, s6;
	[dreg:$0x7] =	wrdreg s15  }
0xd: {  	s7 =	ssub.s32 s7, s9;
	s10 =	sadd.s32 s5, s6;
	[dreg:$0x8] =	wrdreg s16  }
0xe: {  	s17 =	sor.u32 $0x10, s6;
	s18 =	sadd.s32 s13, s6;
	[dreg:$0x9] =	wrdreg s10  }
0xf: {  	s22 =	sor.u32 $0x20, s6;
	[dreg:$0xa] =	wrdreg s18;
	s19 =	sadd.s32 s0, s17  }
0x10: {  	s6 =	sor.u32 $0x30, s6;
	s20 =	sadd.s32 s1, s17;
	[dreg:$0xb] =	wrdreg s19  }
0x11: {  	s21 =	sadd.s32 s3, s17;
	s11 =	sadd.s32 s5, s17;
	[dreg:$0xc] =	wrdreg s20  }
0x12: {  	v0 =	vimm.f32 $8.000000110e-01;
	s9 =	sadd.s32 s13, s17;
	s23 =	sadd.s32 s0, s22;
	[dreg:$0xd] =	wrdreg s21  }
0x13: {  	(erf) = vrcp.f32 v0;
	s24 =	sadd.s32 s1, s22;
	s25 =	sadd.s32 s3, s22;
	[dreg:$0xe] =	wrdreg s11  }
0x14: {  	s26 =	sadd.s32 s5, s22;
	s17 =	sadd.s32 s13, s22;
	[dreg:$0xf] =	wrdreg s9  }
0x15: {  	s18 =	sadd.s32 s0, s6;
	s22 =	sadd.s32 s5, s6;
	[dreg:$0x10] =	wrdreg s23  }
0x16: {  	s30 =	smax.u32 s7, $0x1;
	s0 =	simm.s32 $0x80;
	[dreg:$0x11] =	wrdreg s24  }
0x17: {  	s5 =	simm.s32 $0x180;
	s7 =	simm.s32 $0x1180;
	[dreg:$0x12] =	wrdreg s25  }
0x18: {  	s10 =	simm.s32 $0x9280;
	[dreg:$0x13] =	wrdreg s26;
	s19 =	sadd.s32 s1, s6  }
0x19: {  	s20 =	sadd.s32 s3, s6;
	s21 =	sadd.s32 $0x61B800, s4;
	s23 =	sadd.s32 $0x1250800, s4  }
0x1a: {  	s24 =	sadd.s32 $0x4B3800, s4;
	s25 =	sadd.s32 s13, s6;
	s26 =	sadd.s32 $0x494E00, s4  }
0x1b: {  	s1 =	simm.s32 $0x100;
	s3 =	simm.s32 $0x1280;
	s4 =	simm.s32 $0x5280  }
0x1c: {  	v1 =	vlaneseq.u32;
	v2 =	vimm.f32 $0.0e+00;
	v3 =	vimm.s32 $0x0;
	s6 =	simm.s32 $0x980;
	s9 =	simm.s32 $0x1;
	s11 =	simm.s32 $0x9300;
	v0 =	vpop (erf)  }
.LBB2_1:
0x1d: {  	s13 =	rddreg [dreg:$0x6]  }
0x1e: {  	[tilespmem:s2], [sflag:$0x2] =	stream.linear.gather [hbm4b:s13+s2], $0x80, $0x38;
	[tilespmem:$0x9380] =	vst v63  }
0x1f: {  	_ =	swait.ge [sflag:s31], $0x80  }
0x20: {  	[sflag:s31] =	ssyncset.done $0x0  }
0x21: {  	s15 =	rddreg [dreg:$0x7];
	[sflag:s31] =	ssyncadd.s32 $0xFFFFFF80  }
0x22: {  	[tilespmem:s0], [sflag:$0x2] =	stream.linear.gather [hbm4b:s15+s2], $0x80, $0x38;
	[tilespmem:$0x9380] =	vst v63  }
0x23: {  	_ =	swait.ge [sflag:s31], $0x80  }
0x24: {  	[sflag:s31] =	ssyncset.done $0x0  }
0x25: {  	s16 =	rddreg [dreg:$0x8];
	[sflag:s31] =	ssyncadd.s32 $0xFFFFFF80  }
0x26: {  	[tilespmem:s1], [sflag:$0x2] =	stream.linear.gather [hbm4b:s16+s2], $0x80, $0x38;
	[tilespmem:$0x9380] =	vst v63  }
0x27: {  	_ =	swait.ge [sflag:s31], $0x80  }
0x28: {  	[sflag:s31] =	ssyncset.done $0x0  }
0x29: {  	[sflag:s31] =	ssyncadd.s32 $0xFFFFFF80  }
0x2a: {  	[tilespmem:s3], [sflag:$0x1] =	stream.indirect.gather [hbm4b:s28+s0], $0x80, s2, s0, $0xb8;
	[tilespmem:$0x9380] =	vst v63  }
0x2b: {  	_ = 	snop  }
0x2c: {  	[tilespmem:s4], [sflag:$0x1] =	stream.indirect.gather [hbm4b:s29+s0], $0x80, s2, s0, $0xb8;
	[tilespmem:$0x9380] =	vst v63  }
0x2d: {  	_ = 	snop  }
0x2e: {  	[tilespmem:s5], [sflag:$0x1] =	stream.indirect.gather [hbm4b:s21+s0], $0x10, s2, s0, $0xb8;
	[tilespmem:$0x9380] =	vst v63  }
0x2f: {  	_ = 	snop  }
0x30: {  	[tilespmem:s6], [sflag:$0x1] =	stream.indirect.gather [hbm4b:s23+s0], $0x10, s0, s0, $0xb8;
	[tilespmem:$0x9380] =	vst v63  }
0x31: {  	_ = 	snop  }
0x32: {  	[tilespmem:s7], [sflag:$0x1] =	stream.indirect.gather [hbm4b:s24+s0], $0x1, s2, s0, $0xb8;
	[tilespmem:$0x9380] =	vst v63  }
0x33: {  	_ = 	snop  }
0x34: {  	[tilespmem:s8], [sflag:$0x1] =	stream.indirect.gather [hbm4b:s26+s0], $0x1, s0, s0, $0xb8;
	[tilespmem:$0x9380] =	vst v63  }
0x35: {  	_ =	swait.ge [sflag:s9], $0x4000  }
0x36: {  	[sflag:s9] =	ssyncset.done $0x0  }
0x37: {  	[sflag:s9] =	ssyncadd.s32 $0xFFFFC000  }
0x38: {  	_ =	swait.ge [sflag:s9], $0x4000  }
0x39: {  	[sflag:s9] =	ssyncset.done $0x0  }
0x3a: {  	[sflag:s9] =	ssyncadd.s32 $0xFFFFC000  }
0x3b: {  	_ =	swait.ge [sflag:s9], $0x800  }
0x3c: {  	[sflag:s9] =	ssyncset.done $0x0  }
0x3d: {  	[sflag:s9] =	ssyncadd.s32 $0xFFFFF800  }
0x3e: {  	_ =	swait.ge [sflag:s9], $0x800  }
0x3f: {  	[sflag:s9] =	ssyncset.done $0x0  }
0x40: {  	[sflag:s9] =	ssyncadd.s32 $0xFFFFF800  }
0x41: {  	_ =	swait.ge [sflag:s9], $0x80  }
0x42: {  	[sflag:s9] =	ssyncset.done $0x0  }
0x43: {  	[sflag:s9] =	ssyncadd.s32 $0xFFFFFF80  }
0x44: {  	_ =	swait.ge [sflag:s9], $0x80  }
0x45: {  	[sflag:s9] =	ssyncset.done $0x0  }
0x46: {  	s13 =	simm.s32 $0x0;
	[sflag:s9] =	ssyncadd.s32 $0xFFFFFF80  }
.LBB2_2:
0x47: {  	s14 =	sshll.u32 s13, $0x4  }
0x48: {  	v4 =	vor.u32 s14, v1  }
0x49: {  	v5 =	vshll.u32 v4, $0x4;
	_ =	sdelay $0x1  }
0x4a: {  	v6 =	vor.u32 $0x1, v5;
	_ =	sdelay $0x1  }
0x4b: {  	v7 =	vor.u32 $0x2, v5  }
0x4c: {  	v8 =	vld.idx.msk [tilespmem:v5+s5+$0x0], $0xffff  }
0x4d: {  	v10 =	vor.u32 $0x3, v5;
	v9 =	vld.idx.msk [tilespmem:v5+s6+$0x0], $0xffff  }
0x4e: {  	v11 =	vld.idx.msk [tilespmem:v6+s5+$0x0], $0xffff  }
0x4f: {  	v12 =	vor.u32 $0x4, v5;
	v6 =	vld.idx.msk [tilespmem:v6+s6+$0x0], $0xffff  }
0x50: {  	v13 =	vld.idx.msk [tilespmem:v7+s5+$0x0], $0xffff  }
0x51: {  	v14 =	vor.u32 $0x5, v5;
	v7 =	vld.idx.msk [tilespmem:v7+s6+$0x0], $0xffff  }
0x52: {  	v8 =	vmul.f32 v9, v8;
	v9 =	vld.idx.msk [tilespmem:v10+s5+$0x0], $0xffff  }
0x53: {  	v15 =	vor.u32 $0x6, v5;
	v10 =	vld.idx.msk [tilespmem:v10+s6+$0x0], $0xffff  }
0x54: {  	v6 =	vmul.f32 v6, v11;
	v11 =	vld.idx.msk [tilespmem:v12+s5+$0x0], $0xffff;
	v8 =	vadd.f32 $0.0e+00, v8  }
0x55: {  	v16 =	vor.u32 $0x7, v5;
	v12 =	vld.idx.msk [tilespmem:v12+s6+$0x0], $0xffff  }
0x56: {  	v7 =	vmul.f32 v7, v13;
	v13 =	vld.idx.msk [tilespmem:v14+s6+$0x0], $0xffff;
	v6 =	vadd.f32 v6, v8  }
0x57: {  	v8 =	vld.idx.msk [tilespmem:v14+s5+$0x0], $0xffff;
	v14 =	vor.u32 $0x8, v5  }
0x58: {  	v6 =	vadd.f32 v7, v6;
	v7 =	vmul.f32 v10, v9;
	v9 =	vld.idx.msk [tilespmem:v15+s5+$0x0], $0xffff  }
0x59: {  	v10 =	vld.idx.msk [tilespmem:v15+s6+$0x0], $0xffff;
	v15 =	vor.u32 $0x9, v5  }
0x5a: {  	v6 =	vadd.f32 v7, v6;
	v7 =	vmul.f32 v12, v11;
	v11 =	vld.idx.msk [tilespmem:v16+s5+$0x0], $0xffff  }
0x5b: {  	v12 =	vld.idx.msk [tilespmem:v16+s6+$0x0], $0xffff;
	v16 =	vor.u32 $0xA, v5  }
0x5c: {  	v6 =	vadd.f32 v7, v6;
	v7 =	vmul.f32 v13, v8;
	v8 =	vld.idx.msk [tilespmem:v14+s5+$0x0], $0xffff  }
0x5d: {  	v13 =	vld.idx.msk [tilespmem:v14+s6+$0x0], $0xffff;
	v14 =	vor.u32 $0xB, v5  }
0x5e: {  	v6 =	vadd.f32 v7, v6;
	v7 =	vmul.f32 v10, v9;
	v9 =	vld.idx.msk [tilespmem:v15+s5+$0x0], $0xffff  }
0x5f: {  	v10 =	vld.idx.msk [tilespmem:v15+s6+$0x0], $0xffff;
	v15 =	vor.u32 $0xC, v5  }
0x60: {  	v6 =	vadd.f32 v7, v6;
	v7 =	vmul.f32 v12, v11;
	v11 =	vld.idx.msk [tilespmem:v16+s5+$0x0], $0xffff  }
0x61: {  	v12 =	vld.idx.msk [tilespmem:v16+s6+$0x0], $0xffff;
	v16 =	vor.u32 $0xD, v5  }
0x62: {  	v6 =	vadd.f32 v7, v6;
	v7 =	vmul.f32 v13, v8;
	v8 =	vld.idx.msk [tilespmem:v14+s5+$0x0], $0xffff  }
0x63: {  	v13 =	vld.idx.msk [tilespmem:v14+s6+$0x0], $0xffff;
	v14 =	vor.u32 $0xE, v5  }
0x64: {  	v6 =	vadd.f32 v7, v6;
	v7 =	vmul.f32 v10, v9;
	v9 =	vld.idx.msk [tilespmem:v15+s5+$0x0], $0xffff  }
0x65: {  	v5 =	vor.u32 $0xF, v5;
	v10 =	vld.idx.msk [tilespmem:v15+s6+$0x0], $0xffff  }
0x66: {  	v6 =	vadd.f32 v7, v6;
	v7 =	vmul.f32 v12, v11;
	v11 =	vld.idx.msk [tilespmem:v16+s5+$0x0], $0xffff  }
0x67: {  	v12 =	vld.idx.msk [tilespmem:v16+s6+$0x0], $0xffff  }
0x68: {  	v6 =	vadd.f32 v7, v6;
	v7 =	vmul.f32 v13, v8;
	v8 =	vld.idx.msk [tilespmem:v14+s5+$0x0], $0xffff  }
0x69: {  	v13 =	vld.idx.msk [tilespmem:v14+s6+$0x0], $0xffff  }
0x6a: {  	v6 =	vadd.f32 v7, v6;
	v7 =	vmul.f32 v10, v9;
	v9 =	vld.idx.msk [tilespmem:v5+s5+$0x0], $0xffff  }
0x6b: {  	v5 =	vld.idx.msk [tilespmem:v5+s6+$0x0], $0xffff  }
0x6c: {  	s15 =	simm.s32 $0x0;
	v10 =	vld [tilespmem:s14+$0x1180];
	v6 =	vadd.f32 v7, v6;
	v7 =	vmul.f32 v12, v11  }
0x6d: {  	s15 =	sand.u32 $0x78, s15;
	v11 =	vld [tilespmem:s14+$0x1200]  }
0x6e: {  	v6 =	vadd.f32 v7, v6;
	v7 =	vmul.f32 v13, v8;
	v8 =	vmov s15  }
0x6f: {  	s16 =	simm.s32 $0x0;
	v8 =	vshrl.u32 v8, $0x3  }
0x70: {  	s15 =	sand.u32 $0xFFFFC000, s16;
	v5 =	vmul.f32 v5, v9;
	v6 =	vadd.f32 v7, v6;
	v7 =	vshll.u32 v8, $0x3  }
0x71: {  	v7 =	vor.u32 s15, v7  }
0x72: {  	v5 =	vadd.f32 v5, v6;
	v6 =	vadd.f32 v11, v10;
	v16 =	vbroadcast v7, $0x0  }
0x73: {  	v13 =	vshll.u32 v4, $0x7  }
0x74: {  	v5 =	vadd.f32 v6, v5;
	v6 =	vor.u32 v13, v16  }
0x75: {  	v14 =	vor.u32 $0x1, v13  }
0x76: {  	v8 =	vadd.s32 v14, v16;
	v7 =	vadd.f32 $1.258291200e+07, v5;
	_ =	sdelay $0x1  }
0x77: {  	v15 =	vor.u32 $0x2, v13;
	v7 =	vadd.f32 $-1.258291200e+07, v7  }
0x78: {  	v9 =	vadd.s32 v15, v16;
	v17 =	vld.idx.msk [tilespmem:v6+s3+$0x0], $0xffff  }
0x79: {  	v12 =	vor.u32 $0x3, v13;
	s15 =	simm.s32 $0x8;
	v6 =	vmax.f32 v7, $0.0e+00  }
0x7a: {  	s16 =	sand.u32 $0x78, s15;
	v18 =	vadd.s32 v12, v16;
	v19 =	vld.idx.msk [tilespmem:v8+s3+$0x0], $0xffff;
	v6 =	vmin.f32 v6, $4.000000000e+00  }
0x7b: {  	v11 =	vor.u32 $0x4, v13;
	v22 =	vmov s16;
	v7 =	vadd.f32 $1.500000000e+00, v6  }
0x7c: {  	v21 =	vimm.f32 $0.0e+00;
	s16 =	simm.s32 $0x400;
	v20 =	vadd.s32 v11, v16;
	v22 =	vshrl.u32 v22, $0x3  }
0x7d: {  	v10 =	vor.u32 $0x5, v13;
	s16 =	sand.u32 $0xFFFFC000, s16;
	v22 =	vshll.u32 v22, $0x3;
	v23 =	vld.idx.msk [tilespmem:v9+s3+$0x0], $0xffff;
	v17 =	vsub.f32 v7, v17  }
0x7e: {  	v24 =	vadd.s32 v10, v16;
	v22 =	vor.u32 s16, v22;
	v8 =	vor.u32 $0x6, v13  }
0x7f: {  	v9 =	vor.u32 $0x7, v13;
	v18 =	vld.idx.msk [tilespmem:v18+s3+$0x0], $0xffff;
	v19 =	vsub.f32 v7, v19;
	v17 =	vmax.f32 v17, $0.0e+00  }
0x80: {  	v25 =	vadd.s32 v8, v16;
	v27 =	vadd.s32 v9, v16;
	v17 =	vmin.f32 v17, $1.000000000e+00  }
0x81: {  	v26 =	vld.idx.msk [tilespmem:v20+s3+$0x0], $0xffff;
	v16 =	vbroadcast v22, $0x0;
	v19 =	vmax.f32 v19, $0.0e+00;
	v17 =	vadd.f32 v17, v21  }
0x82: {  	v20 =	vsub.f32 v7, v23;
	v21 =	vmin.f32 v19, $1.000000000e+00  }
0x83: {  	v19 =	vld.idx.msk [tilespmem:v24+s3+$0x0], $0xffff;
	v17 =	vadd.f32 v21, v17;
	v21 =	vor.u32 v13, v16  }
0x84: {  	v23 =	vsub.f32 v7, v18;
	v22 =	vmax.f32 v20, $0.0e+00  }
0x85: {  	v18 =	vld.idx.msk [tilespmem:v25+s3+$0x0], $0xffff;
	v20 =	vadd.s32 v14, v16;
	v22 =	vmin.f32 v22, $1.000000000e+00  }
0x86: {  	v24 =	vmax.f32 v23, $0.0e+00;
	v23 =	vsub.f32 v7, v26;
	v22 =	vadd.f32 v22, v17;
	v17 =	vld.idx.msk [tilespmem:v27+s3+$0x0], $0xffff  }
.LBB2_3:
0x87: {  	s15 =	sadd.s32 $0x8, s15;
	v25 =	vadd.s32 v15, v16;
	v24 =	vmin.f32 v24, $1.000000000e+00  }
0x88: {  	v19 =	vsub.f32 v7, v19;
	s16 =	sand.u32 $0x78, s15;
	v21 =	vld.idx.msk [tilespmem:v21+s3+$0x0], $0xffff;
	v22 =	vadd.f32 v24, v22;
	v23 =	vmax.f32 v23, $0.0e+00  }
0x89: {  	v26 =	vadd.s32 v12, v16;
	v24 =	vmov s16;
	v23 =	vmin.f32 v23, $1.000000000e+00  }
0x8a: {  	v19 =	vmax.f32 v19, $0.0e+00;
	v18 =	vsub.f32 v7, v18;
	v20 =	vld.idx.msk [tilespmem:v20+s3+$0x0], $0xffff;
	v22 =	vadd.f32 v23, v22  }
0x8b: {  	p0 =	slt.u32 s15, $0xC0;
	v23 =	vshrl.u32 v24, $0x3;
	v24 =	vadd.s32 v11, v16;
	v19 =	vmin.f32 v19, $1.000000000e+00  }
0x8c: {  	v18 =	vmax.f32 v18, $0.0e+00;
	v17 =	vsub.f32 v7, v17;
	v25 =	vld.idx.msk [tilespmem:v25+s3+$0x0], $0xffff;
	v19 =	vadd.f32 v19, v22  }
0x8d: {  	s16 =	sshll.u32 s15, $0x7;
	v22 =	vshll.u32 v23, $0x3;
	v23 =	vadd.s32 v10, v16;
	v18 =	vmin.f32 v18, $1.000000000e+00  }
0x8e: {  	s16 =	sand.u32 $0xFFFFC000, s16;
	v21 =	vsub.f32 v7, v21;
	v17 =	vmax.f32 v17, $0.0e+00;
	v26 =	vld.idx.msk [tilespmem:v26+s3+$0x0], $0xffff;
	v18 =	vadd.f32 v18, v19  }
0x8f: {  	v19 =	vor.u32 s16, v22;
	v22 =	vadd.s32 v8, v16;
	v17 =	vmin.f32 v17, $1.000000000e+00  }
0x90: {  	v21 =	vmax.f32 v21, $0.0e+00;
	v20 =	vsub.f32 v7, v20;
	v27 =	vld.idx.msk [tilespmem:v24+s3+$0x0], $0xffff;
	v17 =	vadd.f32 v17, v18  }
0x91: {  	v28 =	vadd.s32 v9, v16;
	v16 =	vbroadcast v19, $0x0;
	v18 =	vmin.f32 v21, $1.000000000e+00  }
.Ltmp0:
0x92: {  	v17 =	vadd.f32 v18, v17;
	v18 =	vmax.f32 v20, $0.0e+00;
	v20 =	vsub.f32 v7, v25;
	v19 =	vld.idx.msk [tilespmem:v23+s3+$0x0], $0xffff;
	(pc) =	sbr.rel @p0 .LBB2_3-.Ltmp0, $4  }
0x93: {  	v21 =	vor.u32 v13, v16;
	v18 =	vmin.f32 v18, $1.000000000e+00  }
0x94: {  	v24 =	vsub.f32 v7, v26;
	v17 =	vadd.f32 v18, v17;
	v23 =	vmax.f32 v20, $0.0e+00;
	v18 =	vld.idx.msk [tilespmem:v22+s3+$0x0], $0xffff  }
0x95: {  	v20 =	vadd.s32 v14, v16;
	v22 =	vmin.f32 v23, $1.000000000e+00  }
0x96: {  	v24 =	vmax.f32 v24, $0.0e+00;
	v23 =	vsub.f32 v7, v27;
	v22 =	vadd.f32 v22, v17;
	v17 =	vld.idx.msk [tilespmem:v28+s3+$0x0], $0xffff  }
0x97: {  	_ =	sdelay $0x2  }
0x98: {  	v13 =	vadd.s32 v15, v16;
	v14 =	vmin.f32 v24, $1.000000000e+00  }
0x99: {  	v19 =	vsub.f32 v7, v19;
	v21 =	vld.idx.msk [tilespmem:v21+s3+$0x0], $0xffff;
	v14 =	vadd.f32 v14, v22;
	v44 =	vmax.f32 v23, $0.0e+00  }
0x9a: {  	v12 =	vadd.s32 v12, v16;
	v46 =	vld.idx.msk [tilespmem:v20+s3+$0x0], $0xffff;
	v11 =	vadd.s32 v11, v16;
	v15 =	vmin.f32 v44, $1.000000000e+00  }
0x9b: {  	v53 =	vld [tilespmem:s14+$0x100];
	v45 =	vmax.f32 v19, $0.0e+00;
	v18 =	vsub.f32 v7, v18;
	v14 =	vadd.f32 v15, v14  }
0x9c: {  	v10 =	vadd.s32 v10, v16;
	v8 =	vadd.s32 v8, v16;
	v15 =	vmin.f32 v45, $1.000000000e+00  }
0x9d: {  	v47 =	vmax.f32 v18, $0.0e+00;
	v17 =	vsub.f32 v7, v17;
	v14 =	vadd.f32 v15, v14  }
0x9e: {  	v9 =	vadd.s32 v9, v16;
	v56 =	vadd.f32 $-1.000000000e+00, v5;
	v13 =	vld.idx.msk [tilespmem:v13+s3+$0x0], $0xffff;
	v15 =	vmin.f32 v47, $1.000000000e+00  }
0x9f: {  	v48 =	vsub.f32 v7, v21;
	v12 =	vld.idx.msk [tilespmem:v12+s3+$0x0], $0xffff;
	v49 =	vmax.f32 v17, $0.0e+00;
	v14 =	vadd.f32 v15, v14  }
0xa0: {  	v51 =	vsub.f32 v7, v46;
	v11 =	vld.idx.msk [tilespmem:v11+s3+$0x0], $0xffff;
	v55 =	vand.u32 $0x1FFFF80, v53;
	v15 =	vmin.f32 v49, $1.000000000e+00  }
0xa1: {  	v10 =	vld.idx.msk [tilespmem:v10+s3+$0x0], $0xffff;
	v57 =	vand.u32 $0x7F, v53;
	v50 =	vmax.f32 v48, $0.0e+00;
	v14 =	vadd.f32 v15, v14  }
0xa2: {  	v4 =	vadd.s32 v4, v55;
	v54 =	vmax.f32 v51, $0.0e+00;
	v52 =	vmin.f32 v50, $1.000000000e+00  }
0xa3: {  	v4 =	vshll.u32 v4, $0x7;
	v13 =	vsub.f32 v7, v13;
	v14 =	vadd.f32 v52, v14  }
0xa4: {  	v4 =	vor.u32 v57, v4;
	v15 =	vmin.f32 v54, $1.000000000e+00;
	v12 =	vsub.f32 v7, v12  }
0xa5: {  	v13 =	vmax.f32 v13, $0.0e+00;
	v14 =	vadd.f32 v15, v14;
	v15 =	vmul.f32 v56, v0  }
0xa6: {  	v11 =	vsub.f32 v7, v11;
	v10 =	vsub.f32 v7, v10;
	v13 =	vmin.f32 v13, $1.000000000e+00  }
0xa7: {  	v8 =	vld.idx.msk [tilespmem:v8+s3+$0x0], $0xffff;
	v12 =	vmax.f32 v12, $0.0e+00;
	v13 =	vadd.f32 v13, v14;
	v58 =	vtrunc.f32 v15  }
0xa8: {  	v12 =	vmin.f32 v12, $1.000000000e+00;
	v59 =	vcvt.f32.s32 v58;
	vm0 =	vlt.f32 v15, v58  }
0xa9: {  	v9 =	vld.idx.msk [tilespmem:v9+s3+$0x0], $0xffff;
	v11 =	vmax.f32 v11, $0.0e+00;
	v12 =	vadd.f32 v12, v13;
	v13 =	vsel vm0, $0xFFFFFFFF, v3  }
0xaa: {  	v6 =	vadd.f32 $5.000000000e-01, v6;
	v11 =	vmin.f32 v11, $1.000000000e+00;
	v4 =	vld.idx.msk [tilespmem:v4+s3+$0x0], $0xffff;
	v60 =	vadd.s32 v59, v13  }
0xab: {  	v10 =	vmax.f32 v10, $0.0e+00;
	v11 =	vadd.f32 v11, v12;
	vm14 =	vgt.s32 v60, $0x0  }
0xac: {  	v8 =	vsub.f32 v7, v8;
	v10 =	vmin.f32 v10, $1.000000000e+00;
	v61 =	vnsel vm14, $0x0, v60  }
0xad: {  	vm15 =	vge.f32 v5, $1.000000000e+00;
	v10 =	vadd.f32 v10, v11;
	v11 =	vmin.u32 v61, $0x4  }
0xae: {  	v9 =	vsub.f32 v7, v9;
	v8 =	vmax.f32 v8, $0.0e+00;
	v11 =	vcvt.s32.f32 v11  }
0xaf: {  	vm1 =	vle.f32 v5, $5.000000000e+00;
	v8 =	vmin.f32 v8, $1.000000000e+00;
	v4 =	vsub.f32 v7, v4  }
0xb0: {  	v9 =	vmax.f32 v9, $0.0e+00;
	v8 =	vadd.f32 v8, v10;
	v6 =	vsub.f32 v6, v11  }
0xb1: {  	v9 =	vmin.f32 v9, $1.000000000e+00;
	vm0 =	vmand vm15, vm1  }
0xb2: {  	s13 =	sadd.s32 $0x1, s13;
	v4 =	vmax.f32 v4, $0.0e+00;
	v62 =	vadd.f32 v9, v8;
	v6 =	vmax.f32 v6, $0.0e+00  }
0xb3: {  	p0 =	sne.s32 s13, $0x8;
	v63 =	vsel vm0, $0x3F800000, v2;
	v4 =	vmin.f32 v4, $1.000000000e+00;
	v6 =	vmin.f32 v6, $1.000000000e+00  }
.Ltmp1:
0xb4: {  	v4 =	vsub.f32 v62, v4;
	v6 =	vmul.f32 v6, v63;
	(pc) =	sbr.rel @p0 .LBB2_2-.Ltmp1, $4  }
0xb5: {  	_ = 	snop  }
0xb6: {  	v4 =	vadd.f32 v4, v6  }
0xb7: {  	[tilespmem:s14+$0x9280] =	vst v5  }
0xb8: {  	[tilespmem:s14+$0x9300] =	vst v4  }
0xb9: {  	s13 =	simm.s32 $0x0;
	s14 =	rddreg [dreg:$0x9]  }
0xba: {  	[hbm4b:s14+s13] =	stream.linear.scatter [tilespmem:s10], [sflag:$0x2], $0x80, $0x38;
	[tilespmem:$0x9380] =	vst v63  }
0xbb: {  	_ =	swait.ge [sflag:s31], $0x80  }
0xbc: {  	[sflag:s31] =	ssyncset.done $0x0  }
0xbd: {  	s15 =	rddreg [dreg:$0xa];
	[sflag:s31] =	ssyncadd.s32 $0xFFFFFF80  }
0xbe: {  	[hbm4b:s15+s13] =	stream.linear.scatter [tilespmem:s11], [sflag:$0x2], $0x80, $0x38;
	[tilespmem:$0x9380] =	vst v63  }
0xbf: {  	_ =	swait.ge [sflag:s31], $0x80  }
0xc0: {  	[sflag:s31] =	ssyncset.done $0x0  }
0xc1: {  	s16 =	rddreg [dreg:$0xb];
	[sflag:s31] =	ssyncadd.s32 $0xFFFFFF80  }
0xc2: {  	[tilespmem:s13], [sflag:$0x2] =	stream.linear.gather [hbm4b:s16+s13], $0x80, $0x38;
	[tilespmem:$0x9380] =	vst v63  }
0xc3: {  	_ =	swait.ge [sflag:s31], $0x80  }
0xc4: {  	[sflag:s31] =	ssyncset.done $0x0  }
0xc5: {  	s15 =	rddreg [dreg:$0xc];
	[sflag:s31] =	ssyncadd.s32 $0xFFFFFF80  }
0xc6: {  	[tilespmem:s0], [sflag:$0x2] =	stream.linear.gather [hbm4b:s15+s13], $0x80, $0x38;
	[tilespmem:$0x9380] =	vst v63  }
0xc7: {  	_ =	swait.ge [sflag:s31], $0x80  }
0xc8: {  	[sflag:s31] =	ssyncset.done $0x0  }
0xc9: {  	s16 =	rddreg [dreg:$0xd];
	[sflag:s31] =	ssyncadd.s32 $0xFFFFFF80  }
0xca: {  	[tilespmem:s1], [sflag:$0x2] =	stream.linear.gather [hbm4b:s16+s13], $0x80, $0x38;
	[tilespmem:$0x9380] =	vst v63  }
0xcb: {  	_ =	swait.ge [sflag:s31], $0x80  }
0xcc: {  	[sflag:s31] =	ssyncset.done $0x0  }
0xcd: {  	[sflag:s31] =	ssyncadd.s32 $0xFFFFFF80  }
0xce: {  	[tilespmem:s3], [sflag:$0x1] =	stream.indirect.gather [hbm4b:s28+s0], $0x80, s13, s0, $0xb8;
	[tilespmem:$0x9380] =	vst v63  }
0xcf: {  	_ = 	snop  }
0xd0: {  	[tilespmem:s4], [sflag:$0x1] =	stream.indirect.gather [hbm4b:s29+s0], $0x80, s13, s0, $0xb8;
	[tilespmem:$0x9380] =	vst v63  }
0xd1: {  	_ = 	snop  }
0xd2: {  	[tilespmem:s5], [sflag:$0x1] =	stream.indirect.gather [hbm4b:s21+s0], $0x10, s13, s0, $0xb8;
	[tilespmem:$0x9380] =	vst v63  }
0xd3: {  	_ = 	snop  }
0xd4: {  	[tilespmem:s6], [sflag:$0x1] =	stream.indirect.gather [hbm4b:s23+s0], $0x10, s0, s0, $0xb8;
	[tilespmem:$0x9380] =	vst v63  }
0xd5: {  	_ = 	snop  }
0xd6: {  	[tilespmem:s7], [sflag:$0x1] =	stream.indirect.gather [hbm4b:s24+s0], $0x1, s13, s0, $0xb8;
	[tilespmem:$0x9380] =	vst v63  }
0xd7: {  	_ = 	snop  }
0xd8: {  	[tilespmem:s8], [sflag:$0x1] =	stream.indirect.gather [hbm4b:s26+s0], $0x1, s0, s0, $0xb8;
	[tilespmem:$0x9380] =	vst v63  }
0xd9: {  	_ =	swait.ge [sflag:s9], $0x4000  }
0xda: {  	[sflag:s9] =	ssyncset.done $0x0  }
0xdb: {  	[sflag:s9] =	ssyncadd.s32 $0xFFFFC000  }
0xdc: {  	_ =	swait.ge [sflag:s9], $0x4000  }
0xdd: {  	[sflag:s9] =	ssyncset.done $0x0  }
0xde: {  	[sflag:s9] =	ssyncadd.s32 $0xFFFFC000  }
0xdf: {  	_ =	swait.ge [sflag:s9], $0x800  }
0xe0: {  	[sflag:s9] =	ssyncset.done $0x0  }
0xe1: {  	[sflag:s9] =	ssyncadd.s32 $0xFFFFF800  }
0xe2: {  	_ =	swait.ge [sflag:s9], $0x800  }
0xe3: {  	[sflag:s9] =	ssyncset.done $0x0  }
0xe4: {  	[sflag:s9] =	ssyncadd.s32 $0xFFFFF800  }
0xe5: {  	_ =	swait.ge [sflag:s9], $0x80  }
0xe6: {  	[sflag:s9] =	ssyncset.done $0x0  }
0xe7: {  	[sflag:s9] =	ssyncadd.s32 $0xFFFFFF80  }
0xe8: {  	_ =	swait.ge [sflag:s9], $0x80  }
0xe9: {  	[sflag:s9] =	ssyncset.done $0x0  }
0xea: {  	[sflag:s9] =	ssyncadd.s32 $0xFFFFFF80  }
.LBB2_6:
0xeb: {  	s14 =	sshll.u32 s13, $0x4  }
0xec: {  	v4 =	vor.u32 s14, v1  }
0xed: {  	v5 =	vshll.u32 v4, $0x4;
	_ =	sdelay $0x1  }
0xee: {  	v6 =	vor.u32 $0x1, v5;
	_ =	sdelay $0x1  }
0xef: {  	v7 =	vor.u32 $0x2, v5  }
0xf0: {  	v8 =	vld.idx.msk [tilespmem:v5+s5+$0x0], $0xffff  }
0xf1: {  	v10 =	vor.u32 $0x3, v5;
	v9 =	vld.idx.msk [tilespmem:v5+s6+$0x0], $0xffff  }
0xf2: {  	v11 =	vld.idx.msk [tilespmem:v6+s5+$0x0], $0xffff  }
0xf3: {  	v12 =	vor.u32 $0x4, v5;
	v6 =	vld.idx.msk [tilespmem:v6+s6+$0x0], $0xffff  }
0xf4: {  	v13 =	vld.idx.msk [tilespmem:v7+s5+$0x0], $0xffff  }
0xf5: {  	v14 =	vor.u32 $0x5, v5;
	v7 =	vld.idx.msk [tilespmem:v7+s6+$0x0], $0xffff  }
0xf6: {  	v8 =	vmul.f32 v9, v8;
	v9 =	vld.idx.msk [tilespmem:v10+s5+$0x0], $0xffff  }
0xf7: {  	v15 =	vor.u32 $0x6, v5;
	v10 =	vld.idx.msk [tilespmem:v10+s6+$0x0], $0xffff  }
0xf8: {  	v6 =	vmul.f32 v6, v11;
	v11 =	vld.idx.msk [tilespmem:v12+s5+$0x0], $0xffff;
	v8 =	vadd.f32 $0.0e+00, v8  }
0xf9: {  	v16 =	vor.u32 $0x7, v5;
	v12 =	vld.idx.msk [tilespmem:v12+s6+$0x0], $0xffff  }
0xfa: {  	v7 =	vmul.f32 v7, v13;
	v13 =	vld.idx.msk [tilespmem:v14+s6+$0x0], $0xffff;
	v6 =	vadd.f32 v6, v8  }
0xfb: {  	v8 =	vld.idx.msk [tilespmem:v14+s5+$0x0], $0xffff;
	v14 =	vor.u32 $0x8, v5  }
0xfc: {  	v6 =	vadd.f32 v7, v6;
	v7 =	vmul.f32 v10, v9;
	v9 =	vld.idx.msk [tilespmem:v15+s5+$0x0], $0xffff  }
0xfd: {  	v10 =	vld.idx.msk [tilespmem:v15+s6+$0x0], $0xffff;
	v15 =	vor.u32 $0x9, v5  }
0xfe: {  	v6 =	vadd.f32 v7, v6;
	v7 =	vmul.f32 v12, v11;
	v11 =	vld.idx.msk [tilespmem:v16+s5+$0x0], $0xffff  }
0xff: {  	v12 =	vld.idx.msk [tilespmem:v16+s6+$0x0], $0xffff;
	v16 =	vor.u32 $0xA, v5  }
0x100: {  	v6 =	vadd.f32 v7, v6;
	v7 =	vmul.f32 v13, v8;
	v8 =	vld.idx.msk [tilespmem:v14+s5+$0x0], $0xffff  }
0x101: {  	v13 =	vld.idx.msk [tilespmem:v14+s6+$0x0], $0xffff;
	v14 =	vor.u32 $0xB, v5  }
0x102: {  	v6 =	vadd.f32 v7, v6;
	v7 =	vmul.f32 v10, v9;
	v9 =	vld.idx.msk [tilespmem:v15+s5+$0x0], $0xffff  }
0x103: {  	v10 =	vld.idx.msk [tilespmem:v15+s6+$0x0], $0xffff;
	v15 =	vor.u32 $0xC, v5  }
0x104: {  	v6 =	vadd.f32 v7, v6;
	v7 =	vmul.f32 v12, v11;
	v11 =	vld.idx.msk [tilespmem:v16+s5+$0x0], $0xffff  }
0x105: {  	v12 =	vld.idx.msk [tilespmem:v16+s6+$0x0], $0xffff;
	v16 =	vor.u32 $0xD, v5  }
0x106: {  	v6 =	vadd.f32 v7, v6;
	v7 =	vmul.f32 v13, v8;
	v8 =	vld.idx.msk [tilespmem:v14+s5+$0x0], $0xffff  }
0x107: {  	v13 =	vld.idx.msk [tilespmem:v14+s6+$0x0], $0xffff;
	v14 =	vor.u32 $0xE, v5  }
0x108: {  	v6 =	vadd.f32 v7, v6;
	v7 =	vmul.f32 v10, v9;
	v9 =	vld.idx.msk [tilespmem:v15+s5+$0x0], $0xffff  }
0x109: {  	v5 =	vor.u32 $0xF, v5;
	v10 =	vld.idx.msk [tilespmem:v15+s6+$0x0], $0xffff  }
0x10a: {  	v6 =	vadd.f32 v7, v6;
	v7 =	vmul.f32 v12, v11;
	v11 =	vld.idx.msk [tilespmem:v16+s5+$0x0], $0xffff  }
0x10b: {  	v12 =	vld.idx.msk [tilespmem:v16+s6+$0x0], $0xffff  }
0x10c: {  	v6 =	vadd.f32 v7, v6;
	v7 =	vmul.f32 v13, v8;
	v8 =	vld.idx.msk [tilespmem:v14+s5+$0x0], $0xffff  }
0x10d: {  	v13 =	vld.idx.msk [tilespmem:v14+s6+$0x0], $0xffff  }
0x10e: {  	v6 =	vadd.f32 v7, v6;
	v7 =	vmul.f32 v10, v9;
	v9 =	vld.idx.msk [tilespmem:v5+s5+$0x0], $0xffff  }
0x10f: {  	v5 =	vld.idx.msk [tilespmem:v5+s6+$0x0], $0xffff  }
0x110: {  	s15 =	simm.s32 $0x0;
	v10 =	vld [tilespmem:s14+$0x1180];
	v6 =	vadd.f32 v7, v6;
	v7 =	vmul.f32 v12, v11  }
0x111: {  	s15 =	sand.u32 $0x78, s15;
	v11 =	vld [tilespmem:s14+$0x1200]  }
0x112: {  	v6 =	vadd.f32 v7, v6;
	v7 =	vmul.f32 v13, v8;
	v8 =	vmov s15  }
0x113: {  	s16 =	simm.s32 $0x0;
	v8 =	vshrl.u32 v8, $0x3  }
0x114: {  	s15 =	sand.u32 $0xFFFFC000, s16;
	v5 =	vmul.f32 v5, v9;
	v6 =	vadd.f32 v7, v6;
	v7 =	vshll.u32 v8, $0x3  }
0x115: {  	v7 =	vor.u32 s15, v7  }
0x116: {  	v5 =	vadd.f32 v5, v6;
	v6 =	vadd.f32 v11, v10;
	v16 =	vbroadcast v7, $0x0  }
0x117: {  	v13 =	vshll.u32 v4, $0x7  }
0x118: {  	v5 =	vadd.f32 v6, v5;
	v6 =	vor.u32 v13, v16  }
0x119: {  	v14 =	vor.u32 $0x1, v13  }
0x11a: {  	v8 =	vadd.s32 v14, v16;
	v7 =	vadd.f32 $1.258291200e+07, v5;
	_ =	sdelay $0x1  }
0x11b: {  	v15 =	vor.u32 $0x2, v13;
	v7 =	vadd.f32 $-1.258291200e+07, v7  }
0x11c: {  	v9 =	vadd.s32 v15, v16;
	v17 =	vld.idx.msk [tilespmem:v6+s3+$0x0], $0xffff  }
0x11d: {  	v12 =	vor.u32 $0x3, v13;
	s15 =	simm.s32 $0x8;
	v6 =	vmax.f32 v7, $0.0e+00  }
0x11e: {  	s16 =	sand.u32 $0x78, s15;
	v18 =	vadd.s32 v12, v16;
	v19 =	vld.idx.msk [tilespmem:v8+s3+$0x0], $0xffff;
	v6 =	vmin.f32 v6, $4.000000000e+00  }
0x11f: {  	v11 =	vor.u32 $0x4, v13;
	v22 =	vmov s16;
	v7 =	vadd.f32 $1.500000000e+00, v6  }
0x120: {  	v21 =	vimm.f32 $0.0e+00;
	s16 =	simm.s32 $0x400;
	v20 =	vadd.s32 v11, v16;
	v22 =	vshrl.u32 v22, $0x3  }
0x121: {  	v10 =	vor.u32 $0x5, v13;
	s16 =	sand.u32 $0xFFFFC000, s16;
	v22 =	vshll.u32 v22, $0x3;
	v23 =	vld.idx.msk [tilespmem:v9+s3+$0x0], $0xffff;
	v17 =	vsub.f32 v7, v17  }
0x122: {  	v24 =	vadd.s32 v10, v16;
	v22 =	vor.u32 s16, v22;
	v8 =	vor.u32 $0x6, v13  }
0x123: {  	v9 =	vor.u32 $0x7, v13;
	v18 =	vld.idx.msk [tilespmem:v18+s3+$0x0], $0xffff;
	v19 =	vsub.f32 v7, v19;
	v17 =	vmax.f32 v17, $0.0e+00  }
0x124: {  	v25 =	vadd.s32 v8, v16;
	v27 =	vadd.s32 v9, v16;
	v17 =	vmin.f32 v17, $1.000000000e+00  }
0x125: {  	v26 =	vld.idx.msk [tilespmem:v20+s3+$0x0], $0xffff;
	v16 =	vbroadcast v22, $0x0;
	v19 =	vmax.f32 v19, $0.0e+00;
	v17 =	vadd.f32 v17, v21  }
0x126: {  	v20 =	vsub.f32 v7, v23;
	v21 =	vmin.f32 v19, $1.000000000e+00  }
0x127: {  	v19 =	vld.idx.msk [tilespmem:v24+s3+$0x0], $0xffff;
	v17 =	vadd.f32 v21, v17;
	v21 =	vor.u32 v13, v16  }
0x128: {  	v23 =	vsub.f32 v7, v18;
	v22 =	vmax.f32 v20, $0.0e+00  }
0x129: {  	v18 =	vld.idx.msk [tilespmem:v25+s3+$0x0], $0xffff;
	v20 =	vadd.s32 v14, v16;
	v22 =	vmin.f32 v22, $1.000000000e+00  }
0x12a: {  	v24 =	vmax.f32 v23, $0.0e+00;
	v23 =	vsub.f32 v7, v26;
	v22 =	vadd.f32 v22, v17;
	v17 =	vld.idx.msk [tilespmem:v27+s3+$0x0], $0xffff  }
.LBB2_7:
0x12b: {  	s15 =	sadd.s32 $0x8, s15;
	v25 =	vadd.s32 v15, v16;
	v24 =	vmin.f32 v24, $1.000000000e+00  }
0x12c: {  	v19 =	vsub.f32 v7, v19;
	s16 =	sand.u32 $0x78, s15;
	v21 =	vld.idx.msk [tilespmem:v21+s3+$0x0], $0xffff;
	v22 =	vadd.f32 v24, v22;
	v23 =	vmax.f32 v23, $0.0e+00  }
0x12d: {  	v26 =	vadd.s32 v12, v16;
	v24 =	vmov s16;
	v23 =	vmin.f32 v23, $1.000000000e+00  }
0x12e: {  	v19 =	vmax.f32 v19, $0.0e+00;
	v18 =	vsub.f32 v7, v18;
	v20 =	vld.idx.msk [tilespmem:v20+s3+$0x0], $0xffff;
	v22 =	vadd.f32 v23, v22  }
0x12f: {  	p0 =	slt.u32 s15, $0xC0;
	v23 =	vshrl.u32 v24, $0x3;
	v24 =	vadd.s32 v11, v16;
	v19 =	vmin.f32 v19, $1.000000000e+00  }
0x130: {  	v18 =	vmax.f32 v18, $0.0e+00;
	v17 =	vsub.f32 v7, v17;
	v25 =	vld.idx.msk [tilespmem:v25+s3+$0x0], $0xffff;
	v19 =	vadd.f32 v19, v22  }
0x131: {  	s16 =	sshll.u32 s15, $0x7;
	v22 =	vshll.u32 v23, $0x3;
	v23 =	vadd.s32 v10, v16;
	v18 =	vmin.f32 v18, $1.000000000e+00  }
0x132: {  	s16 =	sand.u32 $0xFFFFC000, s16;
	v21 =	vsub.f32 v7, v21;
	v17 =	vmax.f32 v17, $0.0e+00;
	v26 =	vld.idx.msk [tilespmem:v26+s3+$0x0], $0xffff;
	v18 =	vadd.f32 v18, v19  }
0x133: {  	v19 =	vor.u32 s16, v22;
	v22 =	vadd.s32 v8, v16;
	v17 =	vmin.f32 v17, $1.000000000e+00  }
0x134: {  	v21 =	vmax.f32 v21, $0.0e+00;
	v20 =	vsub.f32 v7, v20;
	v27 =	vld.idx.msk [tilespmem:v24+s3+$0x0], $0xffff;
	v17 =	vadd.f32 v17, v18  }
0x135: {  	v28 =	vadd.s32 v9, v16;
	v16 =	vbroadcast v19, $0x0;
	v18 =	vmin.f32 v21, $1.000000000e+00  }
.Ltmp2:
0x136: {  	v17 =	vadd.f32 v18, v17;
	v18 =	vmax.f32 v20, $0.0e+00;
	v20 =	vsub.f32 v7, v25;
	v19 =	vld.idx.msk [tilespmem:v23+s3+$0x0], $0xffff;
	(pc) =	sbr.rel @p0 .LBB2_7-.Ltmp2, $4  }
0x137: {  	v21 =	vor.u32 v13, v16;
	v18 =	vmin.f32 v18, $1.000000000e+00  }
0x138: {  	v24 =	vsub.f32 v7, v26;
	v17 =	vadd.f32 v18, v17;
	v23 =	vmax.f32 v20, $0.0e+00;
	v18 =	vld.idx.msk [tilespmem:v22+s3+$0x0], $0xffff  }
0x139: {  	v20 =	vadd.s32 v14, v16;
	v22 =	vmin.f32 v23, $1.000000000e+00  }
0x13a: {  	v24 =	vmax.f32 v24, $0.0e+00;
	v23 =	vsub.f32 v7, v27;
	v22 =	vadd.f32 v22, v17;
	v17 =	vld.idx.msk [tilespmem:v28+s3+$0x0], $0xffff  }
0x13b: {  	_ =	sdelay $0x2  }
0x13c: {  	v13 =	vadd.s32 v15, v16;
	v14 =	vmin.f32 v24, $1.000000000e+00  }
0x13d: {  	v19 =	vsub.f32 v7, v19;
	v21 =	vld.idx.msk [tilespmem:v21+s3+$0x0], $0xffff;
	v14 =	vadd.f32 v14, v22;
	v44 =	vmax.f32 v23, $0.0e+00  }
0x13e: {  	v12 =	vadd.s32 v12, v16;
	v46 =	vld.idx.msk [tilespmem:v20+s3+$0x0], $0xffff;
	v11 =	vadd.s32 v11, v16;
	v15 =	vmin.f32 v44, $1.000000000e+00  }
0x13f: {  	v53 =	vld [tilespmem:s14+$0x100];
	v45 =	vmax.f32 v19, $0.0e+00;
	v18 =	vsub.f32 v7, v18;
	v14 =	vadd.f32 v15, v14  }
0x140: {  	v10 =	vadd.s32 v10, v16;
	v8 =	vadd.s32 v8, v16;
	v15 =	vmin.f32 v45, $1.000000000e+00  }
0x141: {  	v47 =	vmax.f32 v18, $0.0e+00;
	v17 =	vsub.f32 v7, v17;
	v14 =	vadd.f32 v15, v14  }
0x142: {  	v9 =	vadd.s32 v9, v16;
	v56 =	vadd.f32 $-1.000000000e+00, v5;
	v13 =	vld.idx.msk [tilespmem:v13+s3+$0x0], $0xffff;
	v15 =	vmin.f32 v47, $1.000000000e+00  }
0x143: {  	v48 =	vsub.f32 v7, v21;
	v12 =	vld.idx.msk [tilespmem:v12+s3+$0x0], $0xffff;
	v49 =	vmax.f32 v17, $0.0e+00;
	v14 =	vadd.f32 v15, v14  }
0x144: {  	v51 =	vsub.f32 v7, v46;
	v11 =	vld.idx.msk [tilespmem:v11+s3+$0x0], $0xffff;
	v55 =	vand.u32 $0x1FFFF80, v53;
	v15 =	vmin.f32 v49, $1.000000000e+00  }
0x145: {  	v10 =	vld.idx.msk [tilespmem:v10+s3+$0x0], $0xffff;
	v57 =	vand.u32 $0x7F, v53;
	v50 =	vmax.f32 v48, $0.0e+00;
	v14 =	vadd.f32 v15, v14  }
0x146: {  	v4 =	vadd.s32 v4, v55;
	v54 =	vmax.f32 v51, $0.0e+00;
	v52 =	vmin.f32 v50, $1.000000000e+00  }
0x147: {  	v4 =	vshll.u32 v4, $0x7;
	v13 =	vsub.f32 v7, v13;
	v14 =	vadd.f32 v52, v14  }
0x148: {  	v4 =	vor.u32 v57, v4;
	v15 =	vmin.f32 v54, $1.000000000e+00;
	v12 =	vsub.f32 v7, v12  }
0x149: {  	v13 =	vmax.f32 v13, $0.0e+00;
	v14 =	vadd.f32 v15, v14;
	v15 =	vmul.f32 v56, v0  }
0x14a: {  	v11 =	vsub.f32 v7, v11;
	v10 =	vsub.f32 v7, v10;
	v13 =	vmin.f32 v13, $1.000000000e+00  }
0x14b: {  	v8 =	vld.idx.msk [tilespmem:v8+s3+$0x0], $0xffff;
	v12 =	vmax.f32 v12, $0.0e+00;
	v13 =	vadd.f32 v13, v14;
	v58 =	vtrunc.f32 v15  }
0x14c: {  	v12 =	vmin.f32 v12, $1.000000000e+00;
	v59 =	vcvt.f32.s32 v58;
	vm0 =	vlt.f32 v15, v58  }
0x14d: {  	v9 =	vld.idx.msk [tilespmem:v9+s3+$0x0], $0xffff;
	v11 =	vmax.f32 v11, $0.0e+00;
	v12 =	vadd.f32 v12, v13;
	v13 =	vsel vm0, $0xFFFFFFFF, v3  }
0x14e: {  	v6 =	vadd.f32 $5.000000000e-01, v6;
	v11 =	vmin.f32 v11, $1.000000000e+00;
	v4 =	vld.idx.msk [tilespmem:v4+s3+$0x0], $0xffff;
	v60 =	vadd.s32 v59, v13  }
0x14f: {  	v10 =	vmax.f32 v10, $0.0e+00;
	v11 =	vadd.f32 v11, v12;
	vm14 =	vgt.s32 v60, $0x0  }
0x150: {  	v8 =	vsub.f32 v7, v8;
	v10 =	vmin.f32 v10, $1.000000000e+00;
	v61 =	vnsel vm14, $0x0, v60  }
0x151: {  	vm15 =	vge.f32 v5, $1.000000000e+00;
	v10 =	vadd.f32 v10, v11;
	v11 =	vmin.u32 v61, $0x4  }
0x152: {  	v9 =	vsub.f32 v7, v9;
	v8 =	vmax.f32 v8, $0.0e+00;
	v11 =	vcvt.s32.f32 v11  }
0x153: {  	vm1 =	vle.f32 v5, $5.000000000e+00;
	v8 =	vmin.f32 v8, $1.000000000e+00;
	v4 =	vsub.f32 v7, v4  }
0x154: {  	v9 =	vmax.f32 v9, $0.0e+00;
	v8 =	vadd.f32 v8, v10;
	v6 =	vsub.f32 v6, v11  }
0x155: {  	v9 =	vmin.f32 v9, $1.000000000e+00;
	vm0 =	vmand vm15, vm1  }
0x156: {  	s13 =	sadd.s32 $0x1, s13;
	v4 =	vmax.f32 v4, $0.0e+00;
	v62 =	vadd.f32 v9, v8;
	v6 =	vmax.f32 v6, $0.0e+00  }
0x157: {  	p0 =	sne.s32 s13, $0x8;
	v63 =	vsel vm0, $0x3F800000, v2;
	v4 =	vmin.f32 v4, $1.000000000e+00;
	v6 =	vmin.f32 v6, $1.000000000e+00  }
.Ltmp3:
0x158: {  	v4 =	vsub.f32 v62, v4;
	v6 =	vmul.f32 v6, v63;
	(pc) =	sbr.rel @p0 .LBB2_6-.Ltmp3, $4  }
0x159: {  	_ = 	snop  }
0x15a: {  	v4 =	vadd.f32 v4, v6  }
0x15b: {  	[tilespmem:s14+$0x9280] =	vst v5  }
0x15c: {  	[tilespmem:s14+$0x9300] =	vst v4  }
0x15d: {  	s13 =	simm.s32 $0x0;
	s14 =	rddreg [dreg:$0xe]  }
0x15e: {  	[hbm4b:s14+s13] =	stream.linear.scatter [tilespmem:s10], [sflag:$0x2], $0x80, $0x38;
	[tilespmem:$0x9380] =	vst v63  }
0x15f: {  	_ =	swait.ge [sflag:s31], $0x80  }
0x160: {  	[sflag:s31] =	ssyncset.done $0x0  }
0x161: {  	s15 =	rddreg [dreg:$0xf];
	[sflag:s31] =	ssyncadd.s32 $0xFFFFFF80  }
0x162: {  	[hbm4b:s15+s13] =	stream.linear.scatter [tilespmem:s11], [sflag:$0x2], $0x80, $0x38;
	[tilespmem:$0x9380] =	vst v63  }
0x163: {  	_ =	swait.ge [sflag:s31], $0x80  }
0x164: {  	[sflag:s31] =	ssyncset.done $0x0  }
0x165: {  	s16 =	rddreg [dreg:$0x10];
	[sflag:s31] =	ssyncadd.s32 $0xFFFFFF80  }
0x166: {  	[tilespmem:s13], [sflag:$0x2] =	stream.linear.gather [hbm4b:s16+s13], $0x80, $0x38;
	[tilespmem:$0x9380] =	vst v63  }
0x167: {  	_ =	swait.ge [sflag:s31], $0x80  }
0x168: {  	[sflag:s31] =	ssyncset.done $0x0  }
0x169: {  	s15 =	rddreg [dreg:$0x11];
	[sflag:s31] =	ssyncadd.s32 $0xFFFFFF80  }
0x16a: {  	[tilespmem:s0], [sflag:$0x2] =	stream.linear.gather [hbm4b:s15+s13], $0x80, $0x38;
	[tilespmem:$0x9380] =	vst v63  }
0x16b: {  	_ =	swait.ge [sflag:s31], $0x80  }
0x16c: {  	[sflag:s31] =	ssyncset.done $0x0  }
0x16d: {  	s16 =	rddreg [dreg:$0x12];
	[sflag:s31] =	ssyncadd.s32 $0xFFFFFF80  }
0x16e: {  	[tilespmem:s1], [sflag:$0x2] =	stream.linear.gather [hbm4b:s16+s13], $0x80, $0x38;
	[tilespmem:$0x9380] =	vst v63  }
0x16f: {  	_ =	swait.ge [sflag:s31], $0x80  }
0x170: {  	[sflag:s31] =	ssyncset.done $0x0  }
0x171: {  	[sflag:s31] =	ssyncadd.s32 $0xFFFFFF80  }
0x172: {  	[tilespmem:s3], [sflag:$0x1] =	stream.indirect.gather [hbm4b:s28+s0], $0x80, s13, s0, $0xb8;
	[tilespmem:$0x9380] =	vst v63  }
0x173: {  	_ = 	snop  }
0x174: {  	[tilespmem:s4], [sflag:$0x1] =	stream.indirect.gather [hbm4b:s29+s0], $0x80, s13, s0, $0xb8;
	[tilespmem:$0x9380] =	vst v63  }
0x175: {  	_ = 	snop  }
0x176: {  	[tilespmem:s5], [sflag:$0x1] =	stream.indirect.gather [hbm4b:s21+s0], $0x10, s13, s0, $0xb8;
	[tilespmem:$0x9380] =	vst v63  }
0x177: {  	_ = 	snop  }
0x178: {  	[tilespmem:s6], [sflag:$0x1] =	stream.indirect.gather [hbm4b:s23+s0], $0x10, s0, s0, $0xb8;
	[tilespmem:$0x9380] =	vst v63  }
0x179: {  	_ = 	snop  }
0x17a: {  	[tilespmem:s7], [sflag:$0x1] =	stream.indirect.gather [hbm4b:s24+s0], $0x1, s13, s0, $0xb8;
	[tilespmem:$0x9380] =	vst v63  }
0x17b: {  	_ = 	snop  }
0x17c: {  	[tilespmem:s8], [sflag:$0x1] =	stream.indirect.gather [hbm4b:s26+s0], $0x1, s0, s0, $0xb8;
	[tilespmem:$0x9380] =	vst v63  }
0x17d: {  	_ =	swait.ge [sflag:s9], $0x4000  }
0x17e: {  	[sflag:s9] =	ssyncset.done $0x0  }
0x17f: {  	[sflag:s9] =	ssyncadd.s32 $0xFFFFC000  }
0x180: {  	_ =	swait.ge [sflag:s9], $0x4000  }
0x181: {  	[sflag:s9] =	ssyncset.done $0x0  }
0x182: {  	[sflag:s9] =	ssyncadd.s32 $0xFFFFC000  }
0x183: {  	_ =	swait.ge [sflag:s9], $0x800  }
0x184: {  	[sflag:s9] =	ssyncset.done $0x0  }
0x185: {  	[sflag:s9] =	ssyncadd.s32 $0xFFFFF800  }
0x186: {  	_ =	swait.ge [sflag:s9], $0x800  }
0x187: {  	[sflag:s9] =	ssyncset.done $0x0  }
0x188: {  	[sflag:s9] =	ssyncadd.s32 $0xFFFFF800  }
0x189: {  	_ =	swait.ge [sflag:s9], $0x80  }
0x18a: {  	[sflag:s9] =	ssyncset.done $0x0  }
0x18b: {  	[sflag:s9] =	ssyncadd.s32 $0xFFFFFF80  }
0x18c: {  	_ =	swait.ge [sflag:s9], $0x80  }
0x18d: {  	[sflag:s9] =	ssyncset.done $0x0  }
0x18e: {  	[sflag:s9] =	ssyncadd.s32 $0xFFFFFF80  }
.LBB2_10:
0x18f: {  	s14 =	sshll.u32 s13, $0x4  }
0x190: {  	v4 =	vor.u32 s14, v1  }
0x191: {  	v5 =	vshll.u32 v4, $0x4;
	_ =	sdelay $0x1  }
0x192: {  	v6 =	vor.u32 $0x1, v5;
	_ =	sdelay $0x1  }
0x193: {  	v7 =	vor.u32 $0x2, v5  }
0x194: {  	v8 =	vld.idx.msk [tilespmem:v5+s5+$0x0], $0xffff  }
0x195: {  	v10 =	vor.u32 $0x3, v5;
	v9 =	vld.idx.msk [tilespmem:v5+s6+$0x0], $0xffff  }
0x196: {  	v11 =	vld.idx.msk [tilespmem:v6+s5+$0x0], $0xffff  }
0x197: {  	v12 =	vor.u32 $0x4, v5;
	v6 =	vld.idx.msk [tilespmem:v6+s6+$0x0], $0xffff  }
0x198: {  	v13 =	vld.idx.msk [tilespmem:v7+s5+$0x0], $0xffff  }
0x199: {  	v14 =	vor.u32 $0x5, v5;
	v7 =	vld.idx.msk [tilespmem:v7+s6+$0x0], $0xffff  }
0x19a: {  	v8 =	vmul.f32 v9, v8;
	v9 =	vld.idx.msk [tilespmem:v10+s5+$0x0], $0xffff  }
0x19b: {  	v15 =	vor.u32 $0x6, v5;
	v10 =	vld.idx.msk [tilespmem:v10+s6+$0x0], $0xffff  }
0x19c: {  	v6 =	vmul.f32 v6, v11;
	v11 =	vld.idx.msk [tilespmem:v12+s5+$0x0], $0xffff;
	v8 =	vadd.f32 $0.0e+00, v8  }
0x19d: {  	v16 =	vor.u32 $0x7, v5;
	v12 =	vld.idx.msk [tilespmem:v12+s6+$0x0], $0xffff  }
0x19e: {  	v7 =	vmul.f32 v7, v13;
	v13 =	vld.idx.msk [tilespmem:v14+s6+$0x0], $0xffff;
	v6 =	vadd.f32 v6, v8  }
0x19f: {  	v8 =	vld.idx.msk [tilespmem:v14+s5+$0x0], $0xffff;
	v14 =	vor.u32 $0x8, v5  }
0x1a0: {  	v6 =	vadd.f32 v7, v6;
	v7 =	vmul.f32 v10, v9;
	v9 =	vld.idx.msk [tilespmem:v15+s5+$0x0], $0xffff  }
0x1a1: {  	v10 =	vld.idx.msk [tilespmem:v15+s6+$0x0], $0xffff;
	v15 =	vor.u32 $0x9, v5  }
0x1a2: {  	v6 =	vadd.f32 v7, v6;
	v7 =	vmul.f32 v12, v11;
	v11 =	vld.idx.msk [tilespmem:v16+s5+$0x0], $0xffff  }
0x1a3: {  	v12 =	vld.idx.msk [tilespmem:v16+s6+$0x0], $0xffff;
	v16 =	vor.u32 $0xA, v5  }
0x1a4: {  	v6 =	vadd.f32 v7, v6;
	v7 =	vmul.f32 v13, v8;
	v8 =	vld.idx.msk [tilespmem:v14+s5+$0x0], $0xffff  }
0x1a5: {  	v13 =	vld.idx.msk [tilespmem:v14+s6+$0x0], $0xffff;
	v14 =	vor.u32 $0xB, v5  }
0x1a6: {  	v6 =	vadd.f32 v7, v6;
	v7 =	vmul.f32 v10, v9;
	v9 =	vld.idx.msk [tilespmem:v15+s5+$0x0], $0xffff  }
0x1a7: {  	v10 =	vld.idx.msk [tilespmem:v15+s6+$0x0], $0xffff;
	v15 =	vor.u32 $0xC, v5  }
0x1a8: {  	v6 =	vadd.f32 v7, v6;
	v7 =	vmul.f32 v12, v11;
	v11 =	vld.idx.msk [tilespmem:v16+s5+$0x0], $0xffff  }
0x1a9: {  	v12 =	vld.idx.msk [tilespmem:v16+s6+$0x0], $0xffff;
	v16 =	vor.u32 $0xD, v5  }
0x1aa: {  	v6 =	vadd.f32 v7, v6;
	v7 =	vmul.f32 v13, v8;
	v8 =	vld.idx.msk [tilespmem:v14+s5+$0x0], $0xffff  }
0x1ab: {  	v13 =	vld.idx.msk [tilespmem:v14+s6+$0x0], $0xffff;
	v14 =	vor.u32 $0xE, v5  }
0x1ac: {  	v6 =	vadd.f32 v7, v6;
	v7 =	vmul.f32 v10, v9;
	v9 =	vld.idx.msk [tilespmem:v15+s5+$0x0], $0xffff  }
0x1ad: {  	v5 =	vor.u32 $0xF, v5;
	v10 =	vld.idx.msk [tilespmem:v15+s6+$0x0], $0xffff  }
0x1ae: {  	v6 =	vadd.f32 v7, v6;
	v7 =	vmul.f32 v12, v11;
	v11 =	vld.idx.msk [tilespmem:v16+s5+$0x0], $0xffff  }
0x1af: {  	v12 =	vld.idx.msk [tilespmem:v16+s6+$0x0], $0xffff  }
0x1b0: {  	v6 =	vadd.f32 v7, v6;
	v7 =	vmul.f32 v13, v8;
	v8 =	vld.idx.msk [tilespmem:v14+s5+$0x0], $0xffff  }
0x1b1: {  	v13 =	vld.idx.msk [tilespmem:v14+s6+$0x0], $0xffff  }
0x1b2: {  	v6 =	vadd.f32 v7, v6;
	v7 =	vmul.f32 v10, v9;
	v9 =	vld.idx.msk [tilespmem:v5+s5+$0x0], $0xffff  }
0x1b3: {  	v5 =	vld.idx.msk [tilespmem:v5+s6+$0x0], $0xffff  }
0x1b4: {  	s15 =	simm.s32 $0x0;
	v10 =	vld [tilespmem:s14+$0x1180];
	v6 =	vadd.f32 v7, v6;
	v7 =	vmul.f32 v12, v11  }
0x1b5: {  	s15 =	sand.u32 $0x78, s15;
	v11 =	vld [tilespmem:s14+$0x1200]  }
0x1b6: {  	v6 =	vadd.f32 v7, v6;
	v7 =	vmul.f32 v13, v8;
	v8 =	vmov s15  }
0x1b7: {  	s16 =	simm.s32 $0x0;
	v8 =	vshrl.u32 v8, $0x3  }
0x1b8: {  	s15 =	sand.u32 $0xFFFFC000, s16;
	v5 =	vmul.f32 v5, v9;
	v6 =	vadd.f32 v7, v6;
	v7 =	vshll.u32 v8, $0x3  }
0x1b9: {  	v7 =	vor.u32 s15, v7  }
0x1ba: {  	v5 =	vadd.f32 v5, v6;
	v6 =	vadd.f32 v11, v10;
	v16 =	vbroadcast v7, $0x0  }
0x1bb: {  	v13 =	vshll.u32 v4, $0x7  }
0x1bc: {  	v5 =	vadd.f32 v6, v5;
	v6 =	vor.u32 v13, v16  }
0x1bd: {  	v14 =	vor.u32 $0x1, v13  }
0x1be: {  	v8 =	vadd.s32 v14, v16;
	v7 =	vadd.f32 $1.258291200e+07, v5;
	_ =	sdelay $0x1  }
0x1bf: {  	v15 =	vor.u32 $0x2, v13;
	v7 =	vadd.f32 $-1.258291200e+07, v7  }
0x1c0: {  	v9 =	vadd.s32 v15, v16;
	v17 =	vld.idx.msk [tilespmem:v6+s3+$0x0], $0xffff  }
0x1c1: {  	v12 =	vor.u32 $0x3, v13;
	s15 =	simm.s32 $0x8;
	v6 =	vmax.f32 v7, $0.0e+00  }
0x1c2: {  	s16 =	sand.u32 $0x78, s15;
	v18 =	vadd.s32 v12, v16;
	v19 =	vld.idx.msk [tilespmem:v8+s3+$0x0], $0xffff;
	v6 =	vmin.f32 v6, $4.000000000e+00  }
0x1c3: {  	v11 =	vor.u32 $0x4, v13;
	v22 =	vmov s16;
	v7 =	vadd.f32 $1.500000000e+00, v6  }
0x1c4: {  	v21 =	vimm.f32 $0.0e+00;
	s16 =	simm.s32 $0x400;
	v20 =	vadd.s32 v11, v16;
	v22 =	vshrl.u32 v22, $0x3  }
0x1c5: {  	v10 =	vor.u32 $0x5, v13;
	s16 =	sand.u32 $0xFFFFC000, s16;
	v22 =	vshll.u32 v22, $0x3;
	v23 =	vld.idx.msk [tilespmem:v9+s3+$0x0], $0xffff;
	v17 =	vsub.f32 v7, v17  }
0x1c6: {  	v24 =	vadd.s32 v10, v16;
	v22 =	vor.u32 s16, v22;
	v8 =	vor.u32 $0x6, v13  }
0x1c7: {  	v9 =	vor.u32 $0x7, v13;
	v18 =	vld.idx.msk [tilespmem:v18+s3+$0x0], $0xffff;
	v19 =	vsub.f32 v7, v19;
	v17 =	vmax.f32 v17, $0.0e+00  }
0x1c8: {  	v25 =	vadd.s32 v8, v16;
	v27 =	vadd.s32 v9, v16;
	v17 =	vmin.f32 v17, $1.000000000e+00  }
0x1c9: {  	v26 =	vld.idx.msk [tilespmem:v20+s3+$0x0], $0xffff;
	v16 =	vbroadcast v22, $0x0;
	v19 =	vmax.f32 v19, $0.0e+00;
	v17 =	vadd.f32 v17, v21  }
0x1ca: {  	v20 =	vsub.f32 v7, v23;
	v21 =	vmin.f32 v19, $1.000000000e+00  }
0x1cb: {  	v19 =	vld.idx.msk [tilespmem:v24+s3+$0x0], $0xffff;
	v17 =	vadd.f32 v21, v17;
	v21 =	vor.u32 v13, v16  }
0x1cc: {  	v23 =	vsub.f32 v7, v18;
	v22 =	vmax.f32 v20, $0.0e+00  }
0x1cd: {  	v18 =	vld.idx.msk [tilespmem:v25+s3+$0x0], $0xffff;
	v20 =	vadd.s32 v14, v16;
	v22 =	vmin.f32 v22, $1.000000000e+00  }
0x1ce: {  	v24 =	vmax.f32 v23, $0.0e+00;
	v23 =	vsub.f32 v7, v26;
	v22 =	vadd.f32 v22, v17;
	v17 =	vld.idx.msk [tilespmem:v27+s3+$0x0], $0xffff  }
.LBB2_11:
0x1cf: {  	s15 =	sadd.s32 $0x8, s15;
	v25 =	vadd.s32 v15, v16;
	v24 =	vmin.f32 v24, $1.000000000e+00  }
0x1d0: {  	v19 =	vsub.f32 v7, v19;
	s16 =	sand.u32 $0x78, s15;
	v21 =	vld.idx.msk [tilespmem:v21+s3+$0x0], $0xffff;
	v22 =	vadd.f32 v24, v22;
	v23 =	vmax.f32 v23, $0.0e+00  }
0x1d1: {  	v26 =	vadd.s32 v12, v16;
	v24 =	vmov s16;
	v23 =	vmin.f32 v23, $1.000000000e+00  }
0x1d2: {  	v19 =	vmax.f32 v19, $0.0e+00;
	v18 =	vsub.f32 v7, v18;
	v20 =	vld.idx.msk [tilespmem:v20+s3+$0x0], $0xffff;
	v22 =	vadd.f32 v23, v22  }
0x1d3: {  	p0 =	slt.u32 s15, $0xC0;
	v23 =	vshrl.u32 v24, $0x3;
	v24 =	vadd.s32 v11, v16;
	v19 =	vmin.f32 v19, $1.000000000e+00  }
0x1d4: {  	v18 =	vmax.f32 v18, $0.0e+00;
	v17 =	vsub.f32 v7, v17;
	v25 =	vld.idx.msk [tilespmem:v25+s3+$0x0], $0xffff;
	v19 =	vadd.f32 v19, v22  }
0x1d5: {  	s16 =	sshll.u32 s15, $0x7;
	v22 =	vshll.u32 v23, $0x3;
	v23 =	vadd.s32 v10, v16;
	v18 =	vmin.f32 v18, $1.000000000e+00  }
0x1d6: {  	s16 =	sand.u32 $0xFFFFC000, s16;
	v21 =	vsub.f32 v7, v21;
	v17 =	vmax.f32 v17, $0.0e+00;
	v26 =	vld.idx.msk [tilespmem:v26+s3+$0x0], $0xffff;
	v18 =	vadd.f32 v18, v19  }
0x1d7: {  	v19 =	vor.u32 s16, v22;
	v22 =	vadd.s32 v8, v16;
	v17 =	vmin.f32 v17, $1.000000000e+00  }
0x1d8: {  	v21 =	vmax.f32 v21, $0.0e+00;
	v20 =	vsub.f32 v7, v20;
	v27 =	vld.idx.msk [tilespmem:v24+s3+$0x0], $0xffff;
	v17 =	vadd.f32 v17, v18  }
0x1d9: {  	v28 =	vadd.s32 v9, v16;
	v16 =	vbroadcast v19, $0x0;
	v18 =	vmin.f32 v21, $1.000000000e+00  }
.Ltmp4:
0x1da: {  	v17 =	vadd.f32 v18, v17;
	v18 =	vmax.f32 v20, $0.0e+00;
	v20 =	vsub.f32 v7, v25;
	v19 =	vld.idx.msk [tilespmem:v23+s3+$0x0], $0xffff;
	(pc) =	sbr.rel @p0 .LBB2_11-.Ltmp4, $4  }
0x1db: {  	v21 =	vor.u32 v13, v16;
	v18 =	vmin.f32 v18, $1.000000000e+00  }
0x1dc: {  	v24 =	vsub.f32 v7, v26;
	v17 =	vadd.f32 v18, v17;
	v23 =	vmax.f32 v20, $0.0e+00;
	v18 =	vld.idx.msk [tilespmem:v22+s3+$0x0], $0xffff  }
0x1dd: {  	v20 =	vadd.s32 v14, v16;
	v22 =	vmin.f32 v23, $1.000000000e+00  }
0x1de: {  	v24 =	vmax.f32 v24, $0.0e+00;
	v23 =	vsub.f32 v7, v27;
	v22 =	vadd.f32 v22, v17;
	v17 =	vld.idx.msk [tilespmem:v28+s3+$0x0], $0xffff  }
0x1df: {  	_ =	sdelay $0x2  }
0x1e0: {  	v13 =	vadd.s32 v15, v16;
	v14 =	vmin.f32 v24, $1.000000000e+00  }
0x1e1: {  	v19 =	vsub.f32 v7, v19;
	v21 =	vld.idx.msk [tilespmem:v21+s3+$0x0], $0xffff;
	v14 =	vadd.f32 v14, v22;
	v44 =	vmax.f32 v23, $0.0e+00  }
0x1e2: {  	v12 =	vadd.s32 v12, v16;
	v46 =	vld.idx.msk [tilespmem:v20+s3+$0x0], $0xffff;
	v11 =	vadd.s32 v11, v16;
	v15 =	vmin.f32 v44, $1.000000000e+00  }
0x1e3: {  	v53 =	vld [tilespmem:s14+$0x100];
	v45 =	vmax.f32 v19, $0.0e+00;
	v18 =	vsub.f32 v7, v18;
	v14 =	vadd.f32 v15, v14  }
0x1e4: {  	v10 =	vadd.s32 v10, v16;
	v8 =	vadd.s32 v8, v16;
	v15 =	vmin.f32 v45, $1.000000000e+00  }
0x1e5: {  	v47 =	vmax.f32 v18, $0.0e+00;
	v17 =	vsub.f32 v7, v17;
	v14 =	vadd.f32 v15, v14  }
0x1e6: {  	v9 =	vadd.s32 v9, v16;
	v56 =	vadd.f32 $-1.000000000e+00, v5;
	v13 =	vld.idx.msk [tilespmem:v13+s3+$0x0], $0xffff;
	v15 =	vmin.f32 v47, $1.000000000e+00  }
0x1e7: {  	v48 =	vsub.f32 v7, v21;
	v12 =	vld.idx.msk [tilespmem:v12+s3+$0x0], $0xffff;
	v49 =	vmax.f32 v17, $0.0e+00;
	v14 =	vadd.f32 v15, v14  }
0x1e8: {  	v51 =	vsub.f32 v7, v46;
	v11 =	vld.idx.msk [tilespmem:v11+s3+$0x0], $0xffff;
	v55 =	vand.u32 $0x1FFFF80, v53;
	v15 =	vmin.f32 v49, $1.000000000e+00  }
0x1e9: {  	v10 =	vld.idx.msk [tilespmem:v10+s3+$0x0], $0xffff;
	v57 =	vand.u32 $0x7F, v53;
	v50 =	vmax.f32 v48, $0.0e+00;
	v14 =	vadd.f32 v15, v14  }
0x1ea: {  	v4 =	vadd.s32 v4, v55;
	v54 =	vmax.f32 v51, $0.0e+00;
	v52 =	vmin.f32 v50, $1.000000000e+00  }
0x1eb: {  	v4 =	vshll.u32 v4, $0x7;
	v13 =	vsub.f32 v7, v13;
	v14 =	vadd.f32 v52, v14  }
0x1ec: {  	v4 =	vor.u32 v57, v4;
	v15 =	vmin.f32 v54, $1.000000000e+00;
	v12 =	vsub.f32 v7, v12  }
0x1ed: {  	v13 =	vmax.f32 v13, $0.0e+00;
	v14 =	vadd.f32 v15, v14;
	v15 =	vmul.f32 v56, v0  }
0x1ee: {  	v11 =	vsub.f32 v7, v11;
	v10 =	vsub.f32 v7, v10;
	v13 =	vmin.f32 v13, $1.000000000e+00  }
0x1ef: {  	v8 =	vld.idx.msk [tilespmem:v8+s3+$0x0], $0xffff;
	v12 =	vmax.f32 v12, $0.0e+00;
	v13 =	vadd.f32 v13, v14;
	v58 =	vtrunc.f32 v15  }
0x1f0: {  	v12 =	vmin.f32 v12, $1.000000000e+00;
	v59 =	vcvt.f32.s32 v58;
	vm0 =	vlt.f32 v15, v58  }
0x1f1: {  	v9 =	vld.idx.msk [tilespmem:v9+s3+$0x0], $0xffff;
	v11 =	vmax.f32 v11, $0.0e+00;
	v12 =	vadd.f32 v12, v13;
	v13 =	vsel vm0, $0xFFFFFFFF, v3  }
0x1f2: {  	v6 =	vadd.f32 $5.000000000e-01, v6;
	v11 =	vmin.f32 v11, $1.000000000e+00;
	v4 =	vld.idx.msk [tilespmem:v4+s3+$0x0], $0xffff;
	v60 =	vadd.s32 v59, v13  }
0x1f3: {  	v10 =	vmax.f32 v10, $0.0e+00;
	v11 =	vadd.f32 v11, v12;
	vm14 =	vgt.s32 v60, $0x0  }
0x1f4: {  	v8 =	vsub.f32 v7, v8;
	v10 =	vmin.f32 v10, $1.000000000e+00;
	v61 =	vnsel vm14, $0x0, v60  }
0x1f5: {  	vm15 =	vge.f32 v5, $1.000000000e+00;
	v10 =	vadd.f32 v10, v11;
	v11 =	vmin.u32 v61, $0x4  }
0x1f6: {  	v9 =	vsub.f32 v7, v9;
	v8 =	vmax.f32 v8, $0.0e+00;
	v11 =	vcvt.s32.f32 v11  }
0x1f7: {  	vm1 =	vle.f32 v5, $5.000000000e+00;
	v8 =	vmin.f32 v8, $1.000000000e+00;
	v4 =	vsub.f32 v7, v4  }
0x1f8: {  	v9 =	vmax.f32 v9, $0.0e+00;
	v8 =	vadd.f32 v8, v10;
	v6 =	vsub.f32 v6, v11  }
0x1f9: {  	v9 =	vmin.f32 v9, $1.000000000e+00;
	vm0 =	vmand vm15, vm1  }
0x1fa: {  	s13 =	sadd.s32 $0x1, s13;
	v4 =	vmax.f32 v4, $0.0e+00;
	v62 =	vadd.f32 v9, v8;
	v6 =	vmax.f32 v6, $0.0e+00  }
0x1fb: {  	p0 =	sne.s32 s13, $0x8;
	v63 =	vsel vm0, $0x3F800000, v2;
	v4 =	vmin.f32 v4, $1.000000000e+00;
	v6 =	vmin.f32 v6, $1.000000000e+00  }
.Ltmp5:
0x1fc: {  	v4 =	vsub.f32 v62, v4;
	v6 =	vmul.f32 v6, v63;
	(pc) =	sbr.rel @p0 .LBB2_10-.Ltmp5, $4  }
0x1fd: {  	_ = 	snop  }
0x1fe: {  	v4 =	vadd.f32 v4, v6  }
0x1ff: {  	[tilespmem:s14+$0x9280] =	vst v5  }
0x200: {  	[tilespmem:s14+$0x9300] =	vst v4  }
0x201: {  	s13 =	simm.s32 $0x0;
	s14 =	rddreg [dreg:$0x13]  }
0x202: {  	[hbm4b:s14+s13] =	stream.linear.scatter [tilespmem:s10], [sflag:$0x2], $0x80, $0x38;
	[tilespmem:$0x9380] =	vst v63  }
0x203: {  	_ =	swait.ge [sflag:s31], $0x80  }
0x204: {  	[sflag:s31] =	ssyncset.done $0x0  }
0x205: {  	[sflag:s31] =	ssyncadd.s32 $0xFFFFFF80  }
0x206: {  	[hbm4b:s17+s13] =	stream.linear.scatter [tilespmem:s11], [sflag:$0x2], $0x80, $0x38;
	[tilespmem:$0x9380] =	vst v63  }
0x207: {  	_ =	swait.ge [sflag:s31], $0x80  }
0x208: {  	[sflag:s31] =	ssyncset.done $0x0  }
0x209: {  	[sflag:s31] =	ssyncadd.s32 $0xFFFFFF80  }
0x20a: {  	[tilespmem:s13], [sflag:$0x2] =	stream.linear.gather [hbm4b:s18+s13], $0x80, $0x38;
	[tilespmem:$0x9380] =	vst v63  }
0x20b: {  	_ =	swait.ge [sflag:s31], $0x80  }
0x20c: {  	[sflag:s31] =	ssyncset.done $0x0  }
0x20d: {  	[sflag:s31] =	ssyncadd.s32 $0xFFFFFF80  }
0x20e: {  	[tilespmem:s0], [sflag:$0x2] =	stream.linear.gather [hbm4b:s19+s13], $0x80, $0x38;
	[tilespmem:$0x9380] =	vst v63  }
0x20f: {  	_ =	swait.ge [sflag:s31], $0x80  }
0x210: {  	[sflag:s31] =	ssyncset.done $0x0  }
0x211: {  	[sflag:s31] =	ssyncadd.s32 $0xFFFFFF80  }
0x212: {  	[tilespmem:s1], [sflag:$0x2] =	stream.linear.gather [hbm4b:s20+s13], $0x80, $0x38;
	[tilespmem:$0x9380] =	vst v63  }
0x213: {  	_ =	swait.ge [sflag:s31], $0x80  }
0x214: {  	[sflag:s31] =	ssyncset.done $0x0  }
0x215: {  	[sflag:s31] =	ssyncadd.s32 $0xFFFFFF80  }
0x216: {  	[tilespmem:s3], [sflag:$0x1] =	stream.indirect.gather [hbm4b:s28+s0], $0x80, s13, s0, $0xb8;
	[tilespmem:$0x9380] =	vst v63  }
0x217: {  	_ = 	snop  }
0x218: {  	[tilespmem:s4], [sflag:$0x1] =	stream.indirect.gather [hbm4b:s29+s0], $0x80, s13, s0, $0xb8;
	[tilespmem:$0x9380] =	vst v63  }
0x219: {  	_ = 	snop  }
0x21a: {  	[tilespmem:s5], [sflag:$0x1] =	stream.indirect.gather [hbm4b:s21+s0], $0x10, s13, s0, $0xb8;
	[tilespmem:$0x9380] =	vst v63  }
0x21b: {  	_ = 	snop  }
0x21c: {  	[tilespmem:s6], [sflag:$0x1] =	stream.indirect.gather [hbm4b:s23+s0], $0x10, s0, s0, $0xb8;
	[tilespmem:$0x9380] =	vst v63  }
0x21d: {  	_ = 	snop  }
0x21e: {  	[tilespmem:s7], [sflag:$0x1] =	stream.indirect.gather [hbm4b:s24+s0], $0x1, s13, s0, $0xb8;
	[tilespmem:$0x9380] =	vst v63  }
0x21f: {  	_ = 	snop  }
0x220: {  	[tilespmem:s8], [sflag:$0x1] =	stream.indirect.gather [hbm4b:s26+s0], $0x1, s0, s0, $0xb8;
	[tilespmem:$0x9380] =	vst v63  }
0x221: {  	_ =	swait.ge [sflag:s9], $0x4000  }
0x222: {  	[sflag:s9] =	ssyncset.done $0x0  }
0x223: {  	[sflag:s9] =	ssyncadd.s32 $0xFFFFC000  }
0x224: {  	_ =	swait.ge [sflag:s9], $0x4000  }
0x225: {  	[sflag:s9] =	ssyncset.done $0x0  }
0x226: {  	[sflag:s9] =	ssyncadd.s32 $0xFFFFC000  }
0x227: {  	_ =	swait.ge [sflag:s9], $0x800  }
0x228: {  	[sflag:s9] =	ssyncset.done $0x0  }
0x229: {  	[sflag:s9] =	ssyncadd.s32 $0xFFFFF800  }
0x22a: {  	_ =	swait.ge [sflag:s9], $0x800  }
0x22b: {  	[sflag:s9] =	ssyncset.done $0x0  }
0x22c: {  	[sflag:s9] =	ssyncadd.s32 $0xFFFFF800  }
0x22d: {  	_ =	swait.ge [sflag:s9], $0x80  }
0x22e: {  	[sflag:s9] =	ssyncset.done $0x0  }
0x22f: {  	[sflag:s9] =	ssyncadd.s32 $0xFFFFFF80  }
0x230: {  	_ =	swait.ge [sflag:s9], $0x80  }
0x231: {  	[sflag:s9] =	ssyncset.done $0x0  }
0x232: {  	[sflag:s9] =	ssyncadd.s32 $0xFFFFFF80  }
.LBB2_14:
0x233: {  	s14 =	sshll.u32 s13, $0x4  }
0x234: {  	v4 =	vor.u32 s14, v1  }
0x235: {  	v5 =	vshll.u32 v4, $0x4;
	_ =	sdelay $0x1  }
0x236: {  	v6 =	vor.u32 $0x1, v5;
	_ =	sdelay $0x1  }
0x237: {  	v7 =	vor.u32 $0x2, v5  }
0x238: {  	v8 =	vld.idx.msk [tilespmem:v5+s5+$0x0], $0xffff  }
0x239: {  	v10 =	vor.u32 $0x3, v5;
	v9 =	vld.idx.msk [tilespmem:v5+s6+$0x0], $0xffff  }
0x23a: {  	v11 =	vld.idx.msk [tilespmem:v6+s5+$0x0], $0xffff  }
0x23b: {  	v12 =	vor.u32 $0x4, v5;
	v6 =	vld.idx.msk [tilespmem:v6+s6+$0x0], $0xffff  }
0x23c: {  	v13 =	vld.idx.msk [tilespmem:v7+s5+$0x0], $0xffff  }
0x23d: {  	v14 =	vor.u32 $0x5, v5;
	v7 =	vld.idx.msk [tilespmem:v7+s6+$0x0], $0xffff  }
0x23e: {  	v8 =	vmul.f32 v9, v8;
	v9 =	vld.idx.msk [tilespmem:v10+s5+$0x0], $0xffff  }
0x23f: {  	v15 =	vor.u32 $0x6, v5;
	v10 =	vld.idx.msk [tilespmem:v10+s6+$0x0], $0xffff  }
0x240: {  	v6 =	vmul.f32 v6, v11;
	v11 =	vld.idx.msk [tilespmem:v12+s5+$0x0], $0xffff;
	v8 =	vadd.f32 $0.0e+00, v8  }
0x241: {  	v16 =	vor.u32 $0x7, v5;
	v12 =	vld.idx.msk [tilespmem:v12+s6+$0x0], $0xffff  }
0x242: {  	v7 =	vmul.f32 v7, v13;
	v13 =	vld.idx.msk [tilespmem:v14+s6+$0x0], $0xffff;
	v6 =	vadd.f32 v6, v8  }
0x243: {  	v8 =	vld.idx.msk [tilespmem:v14+s5+$0x0], $0xffff;
	v14 =	vor.u32 $0x8, v5  }
0x244: {  	v6 =	vadd.f32 v7, v6;
	v7 =	vmul.f32 v10, v9;
	v9 =	vld.idx.msk [tilespmem:v15+s5+$0x0], $0xffff  }
0x245: {  	v10 =	vld.idx.msk [tilespmem:v15+s6+$0x0], $0xffff;
	v15 =	vor.u32 $0x9, v5  }
0x246: {  	v6 =	vadd.f32 v7, v6;
	v7 =	vmul.f32 v12, v11;
	v11 =	vld.idx.msk [tilespmem:v16+s5+$0x0], $0xffff  }
0x247: {  	v12 =	vld.idx.msk [tilespmem:v16+s6+$0x0], $0xffff;
	v16 =	vor.u32 $0xA, v5  }
0x248: {  	v6 =	vadd.f32 v7, v6;
	v7 =	vmul.f32 v13, v8;
	v8 =	vld.idx.msk [tilespmem:v14+s5+$0x0], $0xffff  }
0x249: {  	v13 =	vld.idx.msk [tilespmem:v14+s6+$0x0], $0xffff;
	v14 =	vor.u32 $0xB, v5  }
0x24a: {  	v6 =	vadd.f32 v7, v6;
	v7 =	vmul.f32 v10, v9;
	v9 =	vld.idx.msk [tilespmem:v15+s5+$0x0], $0xffff  }
0x24b: {  	v10 =	vld.idx.msk [tilespmem:v15+s6+$0x0], $0xffff;
	v15 =	vor.u32 $0xC, v5  }
0x24c: {  	v6 =	vadd.f32 v7, v6;
	v7 =	vmul.f32 v12, v11;
	v11 =	vld.idx.msk [tilespmem:v16+s5+$0x0], $0xffff  }
0x24d: {  	v12 =	vld.idx.msk [tilespmem:v16+s6+$0x0], $0xffff;
	v16 =	vor.u32 $0xD, v5  }
0x24e: {  	v6 =	vadd.f32 v7, v6;
	v7 =	vmul.f32 v13, v8;
	v8 =	vld.idx.msk [tilespmem:v14+s5+$0x0], $0xffff  }
0x24f: {  	v13 =	vld.idx.msk [tilespmem:v14+s6+$0x0], $0xffff;
	v14 =	vor.u32 $0xE, v5  }
0x250: {  	v6 =	vadd.f32 v7, v6;
	v7 =	vmul.f32 v10, v9;
	v9 =	vld.idx.msk [tilespmem:v15+s5+$0x0], $0xffff  }
0x251: {  	v5 =	vor.u32 $0xF, v5;
	v10 =	vld.idx.msk [tilespmem:v15+s6+$0x0], $0xffff  }
0x252: {  	v6 =	vadd.f32 v7, v6;
	v7 =	vmul.f32 v12, v11;
	v11 =	vld.idx.msk [tilespmem:v16+s5+$0x0], $0xffff  }
0x253: {  	v12 =	vld.idx.msk [tilespmem:v16+s6+$0x0], $0xffff  }
0x254: {  	v6 =	vadd.f32 v7, v6;
	v7 =	vmul.f32 v13, v8;
	v8 =	vld.idx.msk [tilespmem:v14+s5+$0x0], $0xffff  }
0x255: {  	v13 =	vld.idx.msk [tilespmem:v14+s6+$0x0], $0xffff  }
0x256: {  	v6 =	vadd.f32 v7, v6;
	v7 =	vmul.f32 v10, v9;
	v9 =	vld.idx.msk [tilespmem:v5+s5+$0x0], $0xffff  }
0x257: {  	v5 =	vld.idx.msk [tilespmem:v5+s6+$0x0], $0xffff  }
0x258: {  	s15 =	simm.s32 $0x0;
	v10 =	vld [tilespmem:s14+$0x1180];
	v6 =	vadd.f32 v7, v6;
	v7 =	vmul.f32 v12, v11  }
0x259: {  	s15 =	sand.u32 $0x78, s15;
	v11 =	vld [tilespmem:s14+$0x1200]  }
0x25a: {  	v6 =	vadd.f32 v7, v6;
	v7 =	vmul.f32 v13, v8;
	v8 =	vmov s15  }
0x25b: {  	s16 =	simm.s32 $0x0;
	v8 =	vshrl.u32 v8, $0x3  }
0x25c: {  	s15 =	sand.u32 $0xFFFFC000, s16;
	v5 =	vmul.f32 v5, v9;
	v6 =	vadd.f32 v7, v6;
	v7 =	vshll.u32 v8, $0x3  }
0x25d: {  	v7 =	vor.u32 s15, v7  }
0x25e: {  	v5 =	vadd.f32 v5, v6;
	v6 =	vadd.f32 v11, v10;
	v16 =	vbroadcast v7, $0x0  }
0x25f: {  	v13 =	vshll.u32 v4, $0x7  }
0x260: {  	v5 =	vadd.f32 v6, v5;
	v6 =	vor.u32 v13, v16  }
0x261: {  	v14 =	vor.u32 $0x1, v13  }
0x262: {  	v8 =	vadd.s32 v14, v16;
	v7 =	vadd.f32 $1.258291200e+07, v5;
	_ =	sdelay $0x1  }
0x263: {  	v15 =	vor.u32 $0x2, v13;
	v7 =	vadd.f32 $-1.258291200e+07, v7  }
0x264: {  	v9 =	vadd.s32 v15, v16;
	v17 =	vld.idx.msk [tilespmem:v6+s3+$0x0], $0xffff  }
0x265: {  	v12 =	vor.u32 $0x3, v13;
	s15 =	simm.s32 $0x8;
	v6 =	vmax.f32 v7, $0.0e+00  }
0x266: {  	s16 =	sand.u32 $0x78, s15;
	v18 =	vadd.s32 v12, v16;
	v19 =	vld.idx.msk [tilespmem:v8+s3+$0x0], $0xffff;
	v6 =	vmin.f32 v6, $4.000000000e+00  }
0x267: {  	v11 =	vor.u32 $0x4, v13;
	v22 =	vmov s16;
	v7 =	vadd.f32 $1.500000000e+00, v6  }
0x268: {  	v21 =	vimm.f32 $0.0e+00;
	s16 =	simm.s32 $0x400;
	v20 =	vadd.s32 v11, v16;
	v22 =	vshrl.u32 v22, $0x3  }
0x269: {  	v10 =	vor.u32 $0x5, v13;
	s16 =	sand.u32 $0xFFFFC000, s16;
	v22 =	vshll.u32 v22, $0x3;
	v23 =	vld.idx.msk [tilespmem:v9+s3+$0x0], $0xffff;
	v17 =	vsub.f32 v7, v17  }
0x26a: {  	v24 =	vadd.s32 v10, v16;
	v22 =	vor.u32 s16, v22;
	v8 =	vor.u32 $0x6, v13  }
0x26b: {  	v9 =	vor.u32 $0x7, v13;
	v18 =	vld.idx.msk [tilespmem:v18+s3+$0x0], $0xffff;
	v19 =	vsub.f32 v7, v19;
	v17 =	vmax.f32 v17, $0.0e+00  }
0x26c: {  	v25 =	vadd.s32 v8, v16;
	v27 =	vadd.s32 v9, v16;
	v17 =	vmin.f32 v17, $1.000000000e+00  }
0x26d: {  	v26 =	vld.idx.msk [tilespmem:v20+s3+$0x0], $0xffff;
	v16 =	vbroadcast v22, $0x0;
	v19 =	vmax.f32 v19, $0.0e+00;
	v17 =	vadd.f32 v17, v21  }
0x26e: {  	v20 =	vsub.f32 v7, v23;
	v21 =	vmin.f32 v19, $1.000000000e+00  }
0x26f: {  	v19 =	vld.idx.msk [tilespmem:v24+s3+$0x0], $0xffff;
	v17 =	vadd.f32 v21, v17;
	v21 =	vor.u32 v13, v16  }
0x270: {  	v23 =	vsub.f32 v7, v18;
	v22 =	vmax.f32 v20, $0.0e+00  }
0x271: {  	v18 =	vld.idx.msk [tilespmem:v25+s3+$0x0], $0xffff;
	v20 =	vadd.s32 v14, v16;
	v22 =	vmin.f32 v22, $1.000000000e+00  }
0x272: {  	v24 =	vmax.f32 v23, $0.0e+00;
	v23 =	vsub.f32 v7, v26;
	v22 =	vadd.f32 v22, v17;
	v17 =	vld.idx.msk [tilespmem:v27+s3+$0x0], $0xffff  }
.LBB2_15:
0x273: {  	s15 =	sadd.s32 $0x8, s15;
	v25 =	vadd.s32 v15, v16;
	v24 =	vmin.f32 v24, $1.000000000e+00  }
0x274: {  	v19 =	vsub.f32 v7, v19;
	s16 =	sand.u32 $0x78, s15;
	v21 =	vld.idx.msk [tilespmem:v21+s3+$0x0], $0xffff;
	v22 =	vadd.f32 v24, v22;
	v23 =	vmax.f32 v23, $0.0e+00  }
0x275: {  	v26 =	vadd.s32 v12, v16;
	v24 =	vmov s16;
	v23 =	vmin.f32 v23, $1.000000000e+00  }
0x276: {  	v19 =	vmax.f32 v19, $0.0e+00;
	v18 =	vsub.f32 v7, v18;
	v20 =	vld.idx.msk [tilespmem:v20+s3+$0x0], $0xffff;
	v22 =	vadd.f32 v23, v22  }
0x277: {  	p0 =	slt.u32 s15, $0xC0;
	v23 =	vshrl.u32 v24, $0x3;
	v24 =	vadd.s32 v11, v16;
	v19 =	vmin.f32 v19, $1.000000000e+00  }
0x278: {  	v18 =	vmax.f32 v18, $0.0e+00;
	v17 =	vsub.f32 v7, v17;
	v25 =	vld.idx.msk [tilespmem:v25+s3+$0x0], $0xffff;
	v19 =	vadd.f32 v19, v22  }
0x279: {  	s16 =	sshll.u32 s15, $0x7;
	v22 =	vshll.u32 v23, $0x3;
	v23 =	vadd.s32 v10, v16;
	v18 =	vmin.f32 v18, $1.000000000e+00  }
0x27a: {  	s16 =	sand.u32 $0xFFFFC000, s16;
	v21 =	vsub.f32 v7, v21;
	v17 =	vmax.f32 v17, $0.0e+00;
	v26 =	vld.idx.msk [tilespmem:v26+s3+$0x0], $0xffff;
	v18 =	vadd.f32 v18, v19  }
0x27b: {  	v19 =	vor.u32 s16, v22;
	v22 =	vadd.s32 v8, v16;
	v17 =	vmin.f32 v17, $1.000000000e+00  }
0x27c: {  	v21 =	vmax.f32 v21, $0.0e+00;
	v20 =	vsub.f32 v7, v20;
	v27 =	vld.idx.msk [tilespmem:v24+s3+$0x0], $0xffff;
	v17 =	vadd.f32 v17, v18  }
0x27d: {  	v28 =	vadd.s32 v9, v16;
	v16 =	vbroadcast v19, $0x0;
	v18 =	vmin.f32 v21, $1.000000000e+00  }
.Ltmp6:
0x27e: {  	v17 =	vadd.f32 v18, v17;
	v18 =	vmax.f32 v20, $0.0e+00;
	v20 =	vsub.f32 v7, v25;
	v19 =	vld.idx.msk [tilespmem:v23+s3+$0x0], $0xffff;
	(pc) =	sbr.rel @p0 .LBB2_15-.Ltmp6, $4  }
0x27f: {  	v21 =	vor.u32 v13, v16;
	v18 =	vmin.f32 v18, $1.000000000e+00  }
0x280: {  	v24 =	vsub.f32 v7, v26;
	v17 =	vadd.f32 v18, v17;
	v23 =	vmax.f32 v20, $0.0e+00;
	v18 =	vld.idx.msk [tilespmem:v22+s3+$0x0], $0xffff  }
0x281: {  	v20 =	vadd.s32 v14, v16;
	v22 =	vmin.f32 v23, $1.000000000e+00  }
0x282: {  	v24 =	vmax.f32 v24, $0.0e+00;
	v23 =	vsub.f32 v7, v27;
	v22 =	vadd.f32 v22, v17;
	v17 =	vld.idx.msk [tilespmem:v28+s3+$0x0], $0xffff  }
0x283: {  	_ =	sdelay $0x2  }
0x284: {  	v13 =	vadd.s32 v15, v16;
	v14 =	vmin.f32 v24, $1.000000000e+00  }
0x285: {  	v19 =	vsub.f32 v7, v19;
	v21 =	vld.idx.msk [tilespmem:v21+s3+$0x0], $0xffff;
	v14 =	vadd.f32 v14, v22;
	v44 =	vmax.f32 v23, $0.0e+00  }
0x286: {  	v12 =	vadd.s32 v12, v16;
	v46 =	vld.idx.msk [tilespmem:v20+s3+$0x0], $0xffff;
	v11 =	vadd.s32 v11, v16;
	v15 =	vmin.f32 v44, $1.000000000e+00  }
0x287: {  	v53 =	vld [tilespmem:s14+$0x100];
	v45 =	vmax.f32 v19, $0.0e+00;
	v18 =	vsub.f32 v7, v18;
	v14 =	vadd.f32 v15, v14  }
0x288: {  	v10 =	vadd.s32 v10, v16;
	v8 =	vadd.s32 v8, v16;
	v15 =	vmin.f32 v45, $1.000000000e+00  }
0x289: {  	v47 =	vmax.f32 v18, $0.0e+00;
	v17 =	vsub.f32 v7, v17;
	v14 =	vadd.f32 v15, v14  }
0x28a: {  	v9 =	vadd.s32 v9, v16;
	v56 =	vadd.f32 $-1.000000000e+00, v5;
	v13 =	vld.idx.msk [tilespmem:v13+s3+$0x0], $0xffff;
	v15 =	vmin.f32 v47, $1.000000000e+00  }
0x28b: {  	v48 =	vsub.f32 v7, v21;
	v12 =	vld.idx.msk [tilespmem:v12+s3+$0x0], $0xffff;
	v49 =	vmax.f32 v17, $0.0e+00;
	v14 =	vadd.f32 v15, v14  }
0x28c: {  	v51 =	vsub.f32 v7, v46;
	v11 =	vld.idx.msk [tilespmem:v11+s3+$0x0], $0xffff;
	v55 =	vand.u32 $0x1FFFF80, v53;
	v15 =	vmin.f32 v49, $1.000000000e+00  }
0x28d: {  	v10 =	vld.idx.msk [tilespmem:v10+s3+$0x0], $0xffff;
	v57 =	vand.u32 $0x7F, v53;
	v50 =	vmax.f32 v48, $0.0e+00;
	v14 =	vadd.f32 v15, v14  }
0x28e: {  	v4 =	vadd.s32 v4, v55;
	v54 =	vmax.f32 v51, $0.0e+00;
	v52 =	vmin.f32 v50, $1.000000000e+00  }
0x28f: {  	v4 =	vshll.u32 v4, $0x7;
	v13 =	vsub.f32 v7, v13;
	v14 =	vadd.f32 v52, v14  }
0x290: {  	v4 =	vor.u32 v57, v4;
	v15 =	vmin.f32 v54, $1.000000000e+00;
	v12 =	vsub.f32 v7, v12  }
0x291: {  	v13 =	vmax.f32 v13, $0.0e+00;
	v14 =	vadd.f32 v15, v14;
	v15 =	vmul.f32 v56, v0  }
0x292: {  	v11 =	vsub.f32 v7, v11;
	v10 =	vsub.f32 v7, v10;
	v13 =	vmin.f32 v13, $1.000000000e+00  }
0x293: {  	v8 =	vld.idx.msk [tilespmem:v8+s3+$0x0], $0xffff;
	v12 =	vmax.f32 v12, $0.0e+00;
	v13 =	vadd.f32 v13, v14;
	v58 =	vtrunc.f32 v15  }
0x294: {  	v12 =	vmin.f32 v12, $1.000000000e+00;
	v59 =	vcvt.f32.s32 v58;
	vm0 =	vlt.f32 v15, v58  }
0x295: {  	v9 =	vld.idx.msk [tilespmem:v9+s3+$0x0], $0xffff;
	v11 =	vmax.f32 v11, $0.0e+00;
	v12 =	vadd.f32 v12, v13;
	v13 =	vsel vm0, $0xFFFFFFFF, v3  }
0x296: {  	v6 =	vadd.f32 $5.000000000e-01, v6;
	v11 =	vmin.f32 v11, $1.000000000e+00;
	v4 =	vld.idx.msk [tilespmem:v4+s3+$0x0], $0xffff;
	v60 =	vadd.s32 v59, v13  }
0x297: {  	v10 =	vmax.f32 v10, $0.0e+00;
	v11 =	vadd.f32 v11, v12;
	vm14 =	vgt.s32 v60, $0x0  }
0x298: {  	v8 =	vsub.f32 v7, v8;
	v10 =	vmin.f32 v10, $1.000000000e+00;
	v61 =	vnsel vm14, $0x0, v60  }
0x299: {  	vm15 =	vge.f32 v5, $1.000000000e+00;
	v10 =	vadd.f32 v10, v11;
	v11 =	vmin.u32 v61, $0x4  }
0x29a: {  	v9 =	vsub.f32 v7, v9;
	v8 =	vmax.f32 v8, $0.0e+00;
	v11 =	vcvt.s32.f32 v11  }
0x29b: {  	vm1 =	vle.f32 v5, $5.000000000e+00;
	v8 =	vmin.f32 v8, $1.000000000e+00;
	v4 =	vsub.f32 v7, v4  }
0x29c: {  	v9 =	vmax.f32 v9, $0.0e+00;
	v8 =	vadd.f32 v8, v10;
	v6 =	vsub.f32 v6, v11  }
0x29d: {  	v9 =	vmin.f32 v9, $1.000000000e+00;
	vm0 =	vmand vm15, vm1  }
0x29e: {  	s13 =	sadd.s32 $0x1, s13;
	v4 =	vmax.f32 v4, $0.0e+00;
	v62 =	vadd.f32 v9, v8;
	v6 =	vmax.f32 v6, $0.0e+00  }
0x29f: {  	p0 =	sne.s32 s13, $0x8;
	v63 =	vsel vm0, $0x3F800000, v2;
	v4 =	vmin.f32 v4, $1.000000000e+00;
	v6 =	vmin.f32 v6, $1.000000000e+00  }
.Ltmp7:
0x2a0: {  	v4 =	vsub.f32 v62, v4;
	v6 =	vmul.f32 v6, v63;
	(pc) =	sbr.rel @p0 .LBB2_14-.Ltmp7, $4  }
0x2a1: {  	_ = 	snop  }
0x2a2: {  	v4 =	vadd.f32 v4, v6  }
0x2a3: {  	[tilespmem:s14+$0x9280] =	vst v5  }
0x2a4: {  	[tilespmem:s14+$0x9300] =	vst v4  }
0x2a5: {  	[hbm4b:s22+s2] =	stream.linear.scatter [tilespmem:s10], [sflag:$0x2], $0x80, $0x38;
	[tilespmem:$0x9380] =	vst v63  }
0x2a6: {  	s12 =	sadd.s32 $0x1, s12;
	_ =	swait.ge [sflag:s31], $0x80  }
0x2a7: {  	p0 =	sne.s32 s12, s30;
	[sflag:s31] =	ssyncset.done $0x0  }
.Ltmp8:
0x2a8: {  	[sflag:s31] =	ssyncadd.s32 $0xFFFFFF80;
	(pc) =	sbr.rel @p0 .LBB2_1-.Ltmp8, $4  }
0x2a9: {  	[hbm4b:s25+s2] =	stream.linear.scatter [tilespmem:s11], [sflag:$0x2], $0x80, $0x38;
	[tilespmem:$0x9380] =	vst v63  }
0x2aa: {  	_ =	swait.ge [sflag:s31], $0x80  }
0x2ab: {  	[sflag:s31] =	ssyncset.done $0x0  }
0x2ac: {  	[sflag:s31] =	ssyncadd.s32 $0xFFFFFF80  }
0x2ad: {  	_ =	sfence.sel $0x180000  }
0x2ae: {  	[bflag:$0x0] =	sbarrier.arrive $0xFFFF  }
0x2af: {  	_ =	strace $0x9000004A  }
0x2b0: {  	s0 =	stileid.u32;
	[bflag:$0x2] =	sbarrier.arrive $0xFFFF  }
0x2b1: {  	p0 =	sne.s32 s0, $0x0;
	s0 =	rddreg [dreg:$0x5]  }
0x2b2: {  	s0 =	sadd.s32 @!p0 $0x100000, s0  }
0x2b3: {  	[sflag:s0] =	ssyncadd.tile.s32 @!p0 $0x1;
	_ =	shalt  }
.Lfunc_end2:
_tile_overlayer_lowered:
.L_overlay_start_2:
0x2b4: {  	(tag) =	ssettag $0x2  }
0x2b5: {  	s0 =	rddreg [dreg:$0x0];
	s2 =	stileid.u32  }
0x2b6: {  	s1 =	rddreg [dreg:$0x1];
	p0 =	sne.s32 s2, $0x0  }
0x2b7: {  	s3 =	rddreg [dreg:$0x2];
	[bflag:$0x3] =	sbarrier.arrive $0xFFFF;
	s2 =	simm.s32 @!p0 $0x1C02  }
0x2b8: {  	[timem:s3], [sflag:s2] =	dma.local @!p0 [hbm:s0], s1  }
0x2b9: {  	s0 =	simm.s32 @!p0 $0x2  }
0x2ba: {  	_ =	swait.ge @!p0 [sflag:s0], s1  }
0x2bb: {  	s1 =	ssub.s32 @!p0 $0x0, s1;
	[sflag:s0] =	ssyncset.done @!p0 $0x0  }
0x2bc: {  	[sflag:s0] =	ssyncadd.s32 @!p0 s1  }
0x2bd: {  	[bflag:$0x3] =	sbarrier.arrive $0xFFFF  }
0x2be: {  	_ =	shalt  }

// kernel: sparse-core-data-format-call.cloned.1.call-start
scs
called_computation_lowered:
.L_overlay_start_0:
0x0: {  	s1 =	sld [smem:$0x3FD9]  }
0x1: {  	s2 =	sld [smem:$0x3FFE];
	_ =	sdelay $0x1  }
0x2: {  	s3 =	srdreg.scid  }
0x3: {  	s0 =	sand.u32 $0x1, s3  }
0x4: {  	s17 =	sshll.u32 s0, $0xA;
	s1 =	sadd.s32 s2, s1  }
0x5: {  	s1 =	sadd.s32 s1, s17  }
0x6: {  	[smem:$0x3FC0] =	sst s1  }
0x7: {  	_ = 	snop  }
0x8: {  	(tm) =	ssettm $0x1  }
0x9: {  	s18 =	sld [smem:$0x3FFB];
	_ =	sdelay $0x3  }
0xa: {  	_ =	strace s18  }
0xb: {  	s1 =	sld [smem:$0x3FFC];
	_ =	sdelay $0x3  }
0xc: {  	_ =	strace s1  }
0xd: {  	s1 =	sld [smem:$0x3FFD];
	_ =	sdelay $0x3  }
0xe: {  	_ =	strace s1  }
0xf: {  	_ =	strace $0x8FFFFFFF  }
0x10: {  	s19 =	sld [smem:$0x3FDB];
	_ =	sdelay $0x1  }
0x11: {  	s20 =	simm.s32 $_scs_section_size  }
0x12: {  	s4 =	simm.s32 $_size__tile_overlayer_lowered;
	s5 =	simm.s32 $_tile_overlayer_lowered  }
0x13: {  	s23 =	simm.s32 $0x1BFF;
	s22 =	sshll.u32 s5, $0x1;
	s1 =	sadd.s32 s20, s19  }
0x14: {  	s6 =	simm.s32 $0x0;
	s21 =	sshll.u32 s4, $0x1;
	s4 =	sadd.s32 s22, s1  }
0x15: {  	[timem:s6], [sflag:s23] =	dma.local [hbm:s4], s21  }
0x16: {  	_ =	swait.ge [sflag:s23], s21  }
0x17: {  	s2 =	ssub.s32 $0x0, s21;
	[sflag:s23] =	ssyncset.done $0x0  }
0x18: {  	[sflag:s23] =	ssyncadd.s32 s2;
	_ =	sdelay $0x1  }
0x19: {  	s24 =	simm.s32 $0x1B8B  }
0x1a: {  	_ =	swait.ge [sflag:s24], $0x1  }
0x1b: {  	[sflag:s24] =	ssyncset.done $0x0  }
0x1c: {  	s26 =	simm.s32 $0x1B8E;
	s25 =	sld [smem:$0x3FFE];
	[sflag:s24] =	ssyncadd.s32 $0xFFFFFFFF  }
0x1d: {  	s27 =	simm.s32 $execute0_lowered;
	[smem:$0x3FD2] =	sst s26  }
0x1e: {  	s4 =	sshll.u32 s27, $0x1;
	_ =	strace $0x80000046;
	[dreg:$0x1] =	wrdreg $0xFFFFFFFF  }
0x1f: {  	s28 =	simm.s32 $_size_execute0_lowered;
	s1 =	sadd.s32 s1, s4;
	[dreg:$0x0] =	wrdreg $0x0  }
0x20: {  	s4 =	sshll.u32 s28, $0x1;
	[dreg:$0x2] =	wrdreg s1  }
0x21: {  	[dreg:$0x3] =	wrdreg s4  }
0x22: {  	[dreg:$0x4] =	wrdreg $0xC0  }
0x23: {  	_ =	task [dreg:s6], $0x5FFFF  }
0x24: {  	[dreg:$0x1] =	wrdreg $0xFFFFFFFF  }
0x25: {  	[dreg:$0x0] =	wrdreg $0x60  }
0x26: {  	[dreg:$0x2] =	wrdreg s25  }
0x27: {  	[dreg:$0x3] =	wrdreg $0x9  }
0x28: {  	_ =	task.clear_ibuf [dreg:s6], $0x4FFFF;
	_ =	strace $0x90000046  }
0x29: {  	s29 =	simm.s32 $0x9;
	_ =	strace $0x80000048  }
0x2a: {  	_ =	swait.ge [sflag:s29], $0x1  }
0x2b: {  	[sflag:s29] =	ssyncadd.s32 $0xFFFFFFFF  }
0x2c: {  	_ =	strace $0x90000048  }
0x2d: {  	_ =	sfence  }
0x2e: {  	s30 =	sld [smem:$0x0];
	_ =	sdelay $0x2  }
0x2f: {  	s31 =	sshll.u32 s3, $0xD;
	s3 =	sshrl.u32 s3, $0x2  }
0x30: {  	s2 =	sand.u32 $0x4000, s31;
	s1 =	sadd.s32 s3, s30  }
0x31: {  	s0 =	sor.u32 s2, s0;
	s1 =	sshll.u32 s1, $0x11  }
0x32: {  	s0 =	sor.u32 s1, s0  }
0x33: {  	s0 =	sadd.s32 $0x8F2B, s0  }
0x34: {  	[sflag:s0] =	ssyncadd.remote.s32 $0x1  }
0x35: {  	_ =	sfence.sel $0xFFFF  }
0x36: {  	[dreg:$0x0] =	wrdreg $0xFFFFFFFF;
	(pc) =	sbr.abs _section_cstart, $3  }
0x37: {  	[dreg:$0x1] =	wrdreg $0xFFFFFFFF  }
0x38: {  	_ =	task.clear_ibuf [dreg:s6], $0x2FFFF;
	_ =	strace $0x9FFFFFFF  }
0x39: {  	(tm) =	ssettm $0x7FFFFFFF  }
tec
execute0_lowered:
.L_overlay_start_1:
0x0: {  	(tag) =	ssettag $0x1  }
0x1: {  	s0 =	srdreg.scid  }
0x2: {  	s4 =	rddreg [dreg:$0x0];
	s1 =	stileid.u32  }
0x3: {  	s5 =	simm.s32 $0x1;
	s7 =	simm.s32 $0x2;
	s14 =	simm.s32 $0x0  }
0x4: {  	p0 =	por $0x0, $0x0;
	s13 =	simm.s32 $0x0;
	s0 =	sshll.u32 s0, $0x4  }
0x5: {  	s8 =	simm.s32 $0x0;
	s9 =	simm.s32 $0x0;
	s2 =	sand.u32 $0x10, s0  }
.Ltmp0:
0x6: {  	s11 =	simm.s32 $0x0;
	s3 =	sor.u32 s1, s2;
	(pc) =	sbr.rel .LBB1_1-.Ltmp0, $4  }
0x7: {  	s12 =	simm.s32 $0x0;
	s0 =	rddreg [dreg:$0x1];
	s3 =	sshll.u32 s3, $0x7  }
0x8: {  	_ =	strace $0x80000047;
	s2 =	sadd.s32 $0xA00, s4;
	s6 =	ssub.s32 $0x18680, s3  }
0x9: {  	s4 =	sadd.s32 $0x187A00, s4;
	[sflag:s5] =	ssyncpa.u1 $0x0;
	s6 =	sshrl.u32 s6, $0xC  }
0xa: {  	[sflag:s7] =	ssyncpa.u1 $0x0;
	s10 =	smov.u32 s3;
	s7 =	sadd.s32 $0x2, s6  }
.LBB1_5:
0xb: {  	p1 =	slt.u32 s12, $0x2  }
0xc: {  	p2 =	sgt.s32 @!p1 s14, $0x18620  }
0xd: {  	s15 =	smov.u32 s14;
	s16 =	sshra.s32 @!p1 s14, $0x1F;
	p2 =	por !p2, p1  }
0xe: {  	s14 =	sand.u32 @!p1 s16, s14;
	s15 =	simm.s32 @p2 $0x18620  }
0xf: {  	s14 =	ssub.s32 @!p1 s15, s14;
	s15 =	ssub.s32 @!p1 $0x0, s13  }
0x10: {  	s17 =	smov.u32 s11;
	s16 =	sadd.s32 @!p1 $0xFFFE79E0, s14;
	s13 =	smin.u32 @!p1 s13, s15  }
0x11: {  	s14 =	ssub.s32 @!p1 $0x186A0, s14;
	p2 =	sgt.s32 @!p1 s16, $0x7F;
	p3 =	sgt.s32 @!p1 s13, $0x7F  }
0x12: {  	s13 =	ssub.s32 @!p1 $0x80, s13;
	p2 =	por !p2, p1;
	p3 =	por !p3, p1  }
0x13: {  	s15 =	sadd.s32 $0x1000, s10;
	s14 =	simm.s32 @!p2 $0x0;
	s13 =	simm.s32 @!p3 $0x0  }
0x14: {  	p2 =	sgt.s32 s15, $0x1869F;
	s13 =	smul.u32 @!p1 s13, s14;
	s14 =	sadd.s32 $0x80, s11  }
0x15: {  	s17 =	smov.u32 @p2 s14  }
0x16: {  	s15 =	smov.u32 @p2 s3;
	p2 =	sgt.s32 s17, $0x7F  }
0x17: {  	s17 =	simm.s32 @p2 $0x0;
	p2 =	sne.s32 s12, s7  }
.Ltmp1:
0x18: {  	p0 =	por !p0, !p0;
	s16 =	simm.s32 @!p1 $0x2;
	(pc) =	sbr.rel @!p2 .LBB1_6-.Ltmp1, $4  }
0x19: {  	s14 =	smov.u32 s8;
	s8 =	smov.u32 s10;
	s13 =	sand.u32 @!p1 $0x3FFFFFFF, s13  }
0x1a: {  	s10 =	smov.u32 s15;
	_ =	swait.ge @!p1 [sflag:s16], s13;
	s18 =	ssub.s32 @!p1 $0x0, s13  }
0x1b: {  	s13 =	smov.u32 s9;
	s12 =	sadd.s32 $0x1, s12;
	[sflag:s16] =	ssyncset.done @!p1 $0x0  }
0x1c: {  	s9 =	smov.u32 s11;
	s11 =	smov.u32 s17;
	[sflag:s16] =	ssyncadd.s32 @!p1 s18  }
.LBB1_1:
0x1d: {  	p1 =	sgt.u32 s12, s6  }
0x1e: {  	s15 =	sshrl.u32 @!p1 s11, $0x3  }
0x1f: {  	s16 =	sshll.u32 @!p1 s10, $0x3;
	s15 =	smul.u32 @!p1 $0xC3800, s15  }
0x20: {  	s17 =	sshll.u32 @!p1 s11, $0x7;
	s16 =	sand.u32 @!p1 $0xFFFFFC00, s16  }
0x21: {  	s15 =	sadd.s32 @!p1 s15, s16;
	s16 =	sand.u32 @!p1 $0x380, s17  }
0x22: {  	s17 =	sand.u32 @!p1 $0x7F, s10;
	s15 =	sor.u32 @!p1 s16, s15  }
0x23: {  	s16 =	sor.u32 @!p1 s17, s15  }
0x24: {  	s17 =	smulhi.u32 @!p1 $0xA79C7B17, s16;
	_ =	sdelay $0x1  }
0x25: {  	s15 =	smulhi.u32 @!p1 $0xA79C7B17, s15;
	s17 =	sshrl.u32 @!p1 s17, $0x10  }
0x26: {  	s17 =	smul.u32 @!p1 $0x18700, s17  }
0x27: {  	s18 =	sxor.u32 @!p1 $0xFFFFFFFF, s12;
	s15 =	sshrl.u32 @!p1 s15, $0x10  }
0x28: {  	s18 =	sshll.u32 @!p1 s18, $0xE;
	s15 =	sand.u32 @!p1 $0x7F, s15;
	s16 =	ssub.s32 @!p1 s16, s17  }
0x29: {  	s15 =	smul.u32 @!p1 $0x30E0, s15;
	s17 =	sshrl.u32 @!p1 s16, $0x3;
	s16 =	sand.u32 @!p1 $0x7, s16  }
0x2a: {  	s18 =	sand.u32 @!p1 $0x4000, s18;
	s17 =	sadd.s32 @!p1 s2, s17;
	s16 =	sshll.u32 @!p1 s16, $0x12  }
0x2b: {  	s15 =	sadd.s32 @!p1 s15, s17;
	s16 =	sor.u32 @!p1 $0x400, s16;
	s17 =	simm.s32 @!p1 $0xC3800  }
0x2c: {  	[tilespmem:s18], [sflag:$0x1] =	stream.strided.gather @!p1 [hbm4b:s15+s16], $0x4000, s17, s16, $0x38;
	[tilespmem:$0x10100] =	vst v63  }
0x2d: {  	p1 =	seq.s32 s12, $0x0  }
0x2e: {  	p2 =	sge.u32 @!p1 s12, s7  }
0x2f: {  	p1 =	por p1, p2  }
.Ltmp2:
0x30: {  	_ = 	snop;
	(pc) =	sbr.rel @p1 .LBB1_5-.Ltmp2, $1  }
0x31: {  	_ =	sdelay $0x3  }
0x32: {  	s15 =	simm.s32 $0x1  }
0x33: {  	_ =	swait.ge [sflag:s5], $0x4000;
	s15 =	simm.s32 @!p0 $0x0  }
0x34: {  	[sflag:s5] =	ssyncset.done $0x0;
	s16 =	sshll.u32 s15, $0xE  }
0x35: {  	[sflag:s5] =	ssyncadd.s32 $0xFFFFC000;
	s16 =	sor.u32 $0x40, s16  }
0x36: {  	s15 =	smul.u32 $0x10200, s15;
	v0 =	vld [tilespmem:s16+$0x30]  }
0x37: {  	v1 =	vld [tilespmem:s16+$0xFFFFFFD0]  }
0x38: {  	s15 =	sshrl.u32 s15, $0x2;
	v5 =	vld [tilespmem:s16+$0xFFFFFFE0]  }
0x39: {  	v6 =	vld [tilespmem:s16+$0xFFFFFFF0];
	s18 =	sor.u32 $0x8000, s15  }
0x3a: {  	s31 =	sand.u32 $0x1, s12;
	v4 =	vld [tilespmem:s16+$0x0];
	s17 =	sadd.s32 $0x0, s18  }
0x3b: {  	v3 =	vld [tilespmem:s16+$0x10];
	s15 =	smul.u32 $0x10200, s31;
	[tilespmem:s17+$0x3870 ss:$0x81] =	vst.msk $0xffff, v0  }
0x3c: {  	v2 =	vld [tilespmem:s16+$0x20];
	[tilespmem:s17+$0x810 ss:$0x81] =	vst.msk $0xffff, v1  }
0x3d: {  	s15 =	sshrl.u32 s15, $0x2;
	v0 =	vld [tilespmem:s16+$0xFFFFFFC0];
	[tilespmem:s17+$0x1020 ss:$0x81] =	vst.msk $0xffff, v5;
	s16 =	sadd.s32 $0x80, s16  }
0x3e: {  	s19 =	simm.s32 $0x4;
	s20 =	simm.s32 $0x8;
	s15 =	sor.u32 $0x8000, s15;
	[tilespmem:s17+$0x1830 ss:$0x81] =	vst.msk $0xffff, v6;
	v1 =	vld [tilespmem:s16+$0x30]  }
.LBB1_3:
0x3f: {  	p1 =	sne.s32 s20, $0x1FC;
	v5 =	vld [tilespmem:s16+$0xFFFFFFD0];
	[tilespmem:s17+$0x2040 ss:$0x81] =	vst.msk $0xffff, v4  }
0x40: {  	v6 =	vld [tilespmem:s16+$0xFFFFFFE0];
	[tilespmem:s17+$0x2850 ss:$0x81] =	vst.msk $0xffff, v3  }
0x41: {  	s21 =	sshra.s32 s19, $0x2;
	s19 =	smov.u32 s20;
	v7 =	vld [tilespmem:s16+$0xFFFFFFF0];
	[tilespmem:s17+$0x3060 ss:$0x81] =	vst.msk $0xffff, v2  }
.Ltmp3:
0x42: {  	v4 =	vld [tilespmem:s16+$0x0];
	[tilespmem:s17+$0x0 ss:$0x81] =	vst.msk $0xffff, v0;
	s17 =	sadd.s32 s21, s18;
	(pc) =	sbr.rel @p1 .LBB1_3-.Ltmp3, $4  }
0x43: {  	v3 =	vld [tilespmem:s16+$0x10];
	[tilespmem:s17+$0x3870 ss:$0x81] =	vst.msk $0xffff, v1  }
0x44: {  	[tilespmem:s17+$0x810 ss:$0x81] =	vst.msk $0xffff, v5;
	v2 =	vld [tilespmem:s16+$0x20]  }
0x45: {  	v0 =	vld [tilespmem:s16+$0xFFFFFFC0];
	[tilespmem:s17+$0x1020 ss:$0x81] =	vst.msk $0xffff, v6;
	s16 =	sadd.s32 $0x80, s16  }
0x46: {  	s20 =	sadd.s32 $0x4, s20;
	v1 =	vld [tilespmem:s16+$0x30];
	[tilespmem:s17+$0x1830 ss:$0x81] =	vst.msk $0xffff, v7  }
0x47: {  	s20 =	sshll.u32 s8, $0x7;
	s21 =	sshll.u32 s9, $0x3;
	s19 =	sshra.s32 s19, $0x2  }
0x48: {  	v5 =	vld [tilespmem:s16+$0xFFFFFFD0];
	[tilespmem:s17+$0x2040 ss:$0x81] =	vst.msk $0xffff, v4;
	p1 =	sgt.s32 s8, $0x18620;
	s22 =	sand.u32 $0xFFFFFC00, s20;
	s21 =	sand.u32 $0xFFFFFC00, s21  }
0x49: {  	v58 =	vld [tilespmem:s16+$0xFFFFFFE0];
	s24 =	sshra.s32 s8, $0x1F;
	s20 =	sand.u32 $0x380, s20;
	[tilespmem:s17+$0x2850 ss:$0x81] =	vst.msk $0xffff, v3;
	s21 =	sadd.s32 s21, s22  }
0x4a: {  	v59 =	vld [tilespmem:s16+$0xFFFFFFF0];
	s26 =	ssub.s32 $0x0, s9;
	s18 =	sadd.s32 s19, s18;
	[tilespmem:s17+$0x3060 ss:$0x81] =	vst.msk $0xffff, v2;
	s23 =	sor.u32 s20, s21  }
0x4b: {  	v60 =	vld [tilespmem:s16+$0x0];
	s28 =	smin.u32 s9, s26;
	s20 =	smov.u32 s8;
	[tilespmem:s17+$0x0 ss:$0x81] =	vst.msk $0xffff, v0;
	s19 =	sshrl.u32 s23, $0x7  }
0x4c: {  	v61 =	vld [tilespmem:s16+$0x10];
	s21 =	sand.u32 s24, s8;
	s20 =	simm.s32 @!p1 $0x18620;
	[tilespmem:s18+$0x3870 ss:$0x81] =	vst.msk $0xffff, v1;
	s25 =	smulhi.u32 $0x14F8B59, s19  }
0x4d: {  	v62 =	vld [tilespmem:s16+$0x20];
	s29 =	sshrl.u32 s9, $0x3;
	p2 =	sgt.s32 s28, $0x7F;
	s20 =	ssub.s32 s20, s21;
	[tilespmem:s18+$0x810 ss:$0x81] =	vst.msk $0xffff, v5  }
0x4e: {  	v63 =	vld [tilespmem:s16+$0xFFFFFFC0];
	[tilespmem:s18+$0x1020 ss:$0x81] =	vst.msk $0xffff, v58;
	s21 =	sadd.s32 $0xFFFE79E0, s20;
	s20 =	ssub.s32 $0x186A0, s20;
	s17 =	sshrl.u32 s25, $0x9  }
0x4f: {  	[tilespmem:s18+$0x1830 ss:$0x81] =	vst.msk $0xffff, v59;
	p1 =	sgt.s32 s21, $0x7F;
	s27 =	smul.u32 $0x186A0, s17;
	s17 =	ssub.s32 $0x80, s28  }
.Ltmp4:
0x50: {  	[tilespmem:s18+$0x2040 ss:$0x81] =	vst.msk $0xffff, v60;
	s20 =	simm.s32 @p1 $0x0;
	s17 =	simm.s32 @p2 $0x0;
	(pc) =	sbr.rel .LBB1_5-.Ltmp4, $4  }
0x51: {  	s30 =	sand.u32 $0xF, s29;
	[tilespmem:s18+$0x2850 ss:$0x81] =	vst.msk $0xffff, v61;
	s16 =	ssub.s32 s19, s27;
	s17 =	smul.u32 s17, s20  }
0x52: {  	[tilespmem:s18+$0x3060 ss:$0x81] =	vst.msk $0xffff, v62;
	s19 =	sadd.s32 s4, s30;
	s16 =	sshll.u32 s16, $0x4  }
0x53: {  	s31 =	sand.u32 $0x7, s9;
	[tilespmem:s18+$0x0 ss:$0x81] =	vst.msk $0xffff, v63;
	s17 =	sand.u32 $0x3FFFFFFF, s17;
	s16 =	sadd.s32 s16, s19  }
0x54: {  	[hbm4b:s16+s31] =	stream.linear.scatter [tilespmem:s15], [sflag:$0x2], s17, $0x20;
	[tilespmem:$0x10100] =	vst v63  }
.LBB1_6:
0x55: {  	_ =	sfence.sel $0x180000  }
0x56: {  	s2 =	simm.s32 $0x1;
	[bflag:$0x0] =	sbarrier.arrive $0xFFFF  }
0x57: {  	s31 =	simm.s32 $0x2;
	[sflag:s2] =	ssyncpa.u1 $0x1  }
0x58: {  	[sflag:s31] =	ssyncpa.u1 $0x1  }
0x59: {  	p0 =	sne.s32 s1, $0x0;
	_ =	strace $0x90000047  }
0x5a: {  	s0 =	sadd.s32 @!p0 $0x100000, s0;
	[bflag:$0x2] =	sbarrier.arrive $0xFFFF  }
0x5b: {  	[sflag:s0] =	ssyncadd.tile.s32 @!p0 $0x1;
	_ =	shalt  }
.Lfunc_end1:
_tile_overlayer_lowered:
.L_overlay_start_2:
0x5c: {  	(tag) =	ssettag $0x2  }
0x5d: {  	s0 =	rddreg [dreg:$0x0];
	s2 =	stileid.u32  }
0x5e: {  	s1 =	rddreg [dreg:$0x1];
	p0 =	sne.s32 s2, $0x0  }
0x5f: {  	s3 =	rddreg [dreg:$0x2];
	[bflag:$0x3] =	sbarrier.arrive $0xFFFF;
	s2 =	simm.s32 @!p0 $0x1C01  }
0x60: {  	[timem:s3], [sflag:s2] =	dma.local @!p0 [hbm:s0], s1  }
0x61: {  	s0 =	simm.s32 @!p0 $0x1  }
0x62: {  	_ =	swait.ge @!p0 [sflag:s0], s1  }
0x63: {  	s1 =	ssub.s32 @!p0 $0x0, s1;
	[sflag:s0] =	ssyncset.done @!p0 $0x0  }
0x64: {  	[sflag:s0] =	ssyncadd.s32 @!p0 s1  }
0x65: {  	[bflag:$0x3] =	sbarrier.arrive $0xFFFF  }
0x66: {  	_ =	shalt  }

</sc_bundles>
